<compile_context>
chip_gen: v7x
topology: tpu7x:2x2x1
jax: 0.10.2.dev20260603
libtpu: 0.0.44.dev20260713+nightly
codegen_flags: <defaults>
</compile_context>

<pallas_src>
import jax
import jax.numpy as jnp
from jax import lax
from jax.experimental import pallas as pl
from jax.experimental.pallas import tpu as pltpu
from jax.experimental.pallas import tpu_sc as plsc

_VOCAB = 1000000
_D = 64
_C = 2
_B = 4096
_H = 200

_NC = 2
_NS = 16
_NW = _NC * _NS
_SPW = _B // _NW
_IPW = _SPW * _H
_NCHUNK = _IPW // 128
_GPAD = 16
_NV = _H // 16
_TAILR = _H - _NV * 16


_W1 = 16384


def _mm_body(w_ref, tabt_ref, out_ref):
    w = w_ref[...] * (1.0 / _H)
    res = lax.dot_general(
        w, tabt_ref[...], (((1,), (0,)), ((), ())),
        preferred_element_type=jnp.float32)
    b0 = lax.bitcast_convert_type(res[0, :], jnp.uint32)
    b1 = lax.bitcast_convert_type(res[1, :], jnp.uint32)
    lo = (b0 + jnp.uint32(0x8000)) >> jnp.uint32(16)
    hi = (b1 + jnp.uint32(0x8000)) & jnp.uint32(0xFFFF0000)
    out_ref[...] = lo | hi


def _mm(fc_w, tabt):
    grid = (pl.cdiv(_VOCAB, _W1),)
    return pl.pallas_call(
        _mm_body,
        grid=grid,
        in_specs=[
            pl.BlockSpec((_C, _D), lambda i: (0, 0)),
            pl.BlockSpec((_D, _W1), lambda i: (0, i)),
        ],
        out_specs=pl.BlockSpec((_W1,), lambda i: (i,)),
        out_shape=jax.ShapeDtypeStruct((_VOCAB,), jnp.uint32),
    )(fc_w, tabt)



_NGRP = 8
_WPG = _IPW // _NGRP
_SPG = _SPW // _NGRP


def _sc_body(x_ref, twp_ref, out_ref, idx_v, g, outb, *sems):
    wid = lax.axis_index("s") * _NC + lax.axis_index("c")
    base = pl.multiple_of(wid * _SPW, _SPW)
    pltpu.sync_copy(x_ref.at[pl.ds(base * _H, _IPW)], idx_v)

    cpg = _NCHUNK // _NGRP
    for grp in range(_NGRP):
        sem_g = sems[grp]

        def fire(c, carry, _sem=sem_g, _cbase=grp * cpg):
            off = pl.multiple_of((_cbase + c) * 128, 128)
            pltpu.async_copy(
                twp_ref.at[idx_v.at[pl.ds(off, 128)]],
                g.at[pl.ds(off, 128)], _sem)
            return carry

        lax.fori_loop(0, cpg, fire, 0)

    lanes = lax.broadcasted_iota(jnp.int32, (16,), 0)
    tail_mask = lanes < _TAILR
    shift = jnp.uint32(16)
    himask = jnp.uint32(0xFFFF0000)

    def acc_sample(s, carry):
        off = pl.multiple_of(s * _H, 8)
        acc0 = jnp.zeros((16,), jnp.float32)
        acc1 = jnp.zeros((16,), jnp.float32)
        for i in range(_NV):
            w = g[pl.ds(off + i * 16, 16)]
            acc0 = acc0 + plsc.bitcast(w << shift, jnp.float32)
            acc1 = acc1 + plsc.bitcast(w & himask, jnp.float32)
        wt = g[pl.ds(off + _NV * 16, 16)]
        wt = jnp.where(tail_mask, wt, jnp.uint32(0))
        acc0 = acc0 + plsc.bitcast(wt << shift, jnp.float32)
        acc1 = acc1 + plsc.bitcast(wt & himask, jnp.float32)
        outb[s, pl.ds(0, 16)] = acc0
        outb[s, pl.ds(16, 16)] = acc1
        return carry

    for grp in range(_NGRP):
        pltpu.make_async_copy(
            twp_ref.at[pl.ds(0, _WPG)],
            g.at[pl.ds(grp * _WPG, _WPG)], sems[grp]).wait()
        lax.fori_loop(grp * _SPG, (grp + 1) * _SPG, acc_sample, 0)

    pltpu.sync_copy(outb, out_ref.at[pl.ds(base, _SPW)])


def _sc_gather(x_flat, twp):
    mesh = plsc.VectorSubcoreMesh(core_axis_name="c", subcore_axis_name="s")
    f = pl.kernel(
        _sc_body,
        out_type=jax.ShapeDtypeStruct((_B, 32), jnp.float32),
        mesh=mesh,
        scratch_types=[
            pltpu.VMEM((_IPW,), jnp.int32),
            pltpu.VMEM((_IPW + _GPAD,), jnp.uint32),
            pltpu.VMEM((_SPW, 32), jnp.float32),
        ] + [pltpu.SemaphoreType.DMA for _ in range(_NGRP)],
        compiler_params=pltpu.CompilerParams(
            use_tc_tiling_on_sc=False, needs_layout_passes=False),
    )
    return f(x_flat, twp)



def _fold_body(part_ref, b_ref, out_ref):
    j = lax.broadcasted_iota(jnp.int32, (32, _C), 0)
    k = lax.broadcasted_iota(jnp.int32, (32, _C), 1)
    sel = ((j // 16) == k).astype(jnp.float32)
    out_ref[...] = lax.dot_general(
        part_ref[...], sel, (((1,), (0,)), ((), ())),
        preferred_element_type=jnp.float32) + b_ref[...]


def _fold(partial, fc_b2d):
    return pl.pallas_call(
        _fold_body,
        out_shape=jax.ShapeDtypeStruct((_B, _C), jnp.float32),
    )(partial, fc_b2d)


def kernel(x, emb_table, fc_w, fc_b):
    twp = _mm(fc_w, emb_table.T)
    partial = _sc_gather(x.reshape(-1), twp)
    return _fold(partial, fc_b.reshape(1, _C))

# --- scband reference (transcript-rebuilt; emitter-appended) ---
"""Pipeline reference for scband-simple-sentiment-32375463477365 (READ-ONLY COPY).

The authoritative reference and input builder live on the scoring server;
editing this copy changes nothing except your own understanding.
"""

import jax, jax.numpy as jnp
import numpy as np

VOCAB = 1000000
EMBED_DIM = 64
NUM_CLASSES = 2
BATCH = 4096
HIST = 200

def setup_inputs(seed: int = 0) -> dict:
    key = jax.random.key(seed)
    k1, k2, k3, k4 = jax.random.split(key, 4)
    x = jax.random.randint(k1, (BATCH, HIST), 0, VOCAB, dtype=jnp.int64 if jax.config.jax_enable_x64 else jnp.int32).astype(jnp.int32)
    emb_table = jax.random.normal(k2, (VOCAB, EMBED_DIM), dtype=jnp.float32)
    # padding_idx=0: row 0 is zeros
    emb_table = emb_table.at[0].set(0.0)
    fc_w = jax.random.normal(k3, (NUM_CLASSES, EMBED_DIM), dtype=jnp.float32) * (1.0 / np.sqrt(EMBED_DIM))
    fc_b = jax.random.normal(k4, (NUM_CLASSES,), dtype=jnp.float32) * 0.01
    return {"x": x, "emb_table": emb_table, "fc_w": fc_w, "fc_b": fc_b}

def reference(x, emb_table, fc_w, fc_b):
    # embedding lookup (padding_idx=0 row already zeroed in table)
    embedded = jnp.take(emb_table, x, axis=0)          # [B, L, D]
    pooled = jnp.mean(embedded, axis=1)                # [B, D]
    out = pooled @ fc_w.T + fc_b                       # [B, C]
    return out

if __name__ == "__main__":
    import jax
    _d = setup_inputs()
    print(jax.jit(kernel)(*tuple(_d.values())))

</pallas_src>

<mosaic_0001>
#map = affine_map<(d0, d1) -> (0)>
#map1 = affine_map<(d0, d1) -> (0, 0)>
module attributes {stable_mosaic.version = 14 : i64} {
  func.func @_sc_body(%arg0: i32, %arg1: i32, %arg2: memref<819200xi32, #tpu.memory_space<hbm>>, %arg3: memref<1000000xi32, #tpu.memory_space<hbm>>, %arg4: memref<4096x32xf32, #tpu.memory_space<hbm>>, %arg5: memref<25600xi32, #tpu.memory_space<vmem>>, %arg6: memref<25616xi32, #tpu.memory_space<vmem>>, %arg7: memref<128x32xf32, #tpu.memory_space<vmem>>, %arg8: memref<!tpu.dma_semaphore, #tpu.memory_space<semaphore_mem>>, %arg9: memref<!tpu.dma_semaphore, #tpu.memory_space<semaphore_mem>>, %arg10: memref<!tpu.dma_semaphore, #tpu.memory_space<semaphore_mem>>, %arg11: memref<!tpu.dma_semaphore, #tpu.memory_space<semaphore_mem>>, %arg12: memref<!tpu.dma_semaphore, #tpu.memory_space<semaphore_mem>>, %arg13: memref<!tpu.dma_semaphore, #tpu.memory_space<semaphore_mem>>, %arg14: memref<!tpu.dma_semaphore, #tpu.memory_space<semaphore_mem>>, %arg15: memref<!tpu.dma_semaphore, #tpu.memory_space<semaphore_mem>>) attributes {dimension_semantics = [#tpu.dimension_semantics<core_parallel>, #tpu.dimension_semantics<subcore_parallel>], iteration_bounds = array<i64: 2, 16>, scalar_prefetch = 0 : i64, scratch_operands = 11 : i64, tpu.core_type = #tpu.core_type<sc_vector_subcore>, window_params = [{transform_indices = #map}, {transform_indices = #map}, {transform_indices = #map1}]} {
    %mul3A = arith.constant 2 : i32
    %mul3A_0 = arith.muli %arg1, %mul3A : i32
    %add3A = arith.addi %mul3A_0, %arg0 : i32
    %mul3A_1 = arith.constant 128 : i32
    %mul3A_2 = arith.muli %add3A, %mul3A_1 : i32
    %multiple_of3A = tpu.assume_multiple %mul3A_2, 128 : i32
    %mul3A_3 = arith.constant 200 : i32
    %mul3A_4 = arith.muli %multiple_of3A, %mul3A_3 : i32
    "tpu.region"() ({
      %run_scoped3A = tpu.sem_alloc : memref<!tpu.dma_semaphore, #tpu.memory_space<semaphore_mem>>
      %dma_start3A = tpu.memref_slice %arg2[%mul3A_4] : memref<819200xi32, #tpu.memory_space<hbm>> -> memref<25600xi32, #tpu.memory_space<hbm>>
      %dma_start3A_181 = tpu.memref_slice %arg2[%mul3A_4] : memref<819200xi32, #tpu.memory_space<hbm>> -> memref<25600xi32, #tpu.memory_space<hbm>>
      tpu.enqueue_dma source(%dma_start3A_181 : memref<25600xi32, #tpu.memory_space<hbm>>) target(%arg5 : memref<25600xi32, #tpu.memory_space<vmem>>) target_semaphore(%run_scoped3A : memref<!tpu.dma_semaphore, #tpu.memory_space<semaphore_mem>>)
      %dma_wait3A_182 = tpu.memref_slice %arg2[%mul3A_4] : memref<819200xi32, #tpu.memory_space<hbm>> -> memref<25600xi32, #tpu.memory_space<hbm>>
      %dma_wait3A_183 = tpu.memref_slice %arg2[%mul3A_4] : memref<819200xi32, #tpu.memory_space<hbm>> -> memref<25600xi32, #tpu.memory_space<hbm>>
      tpu.wait_dma2 semaphore(%run_scoped3A : memref<!tpu.dma_semaphore, #tpu.memory_space<semaphore_mem>>) src(%dma_wait3A_183 : memref<25600xi32, #tpu.memory_space<hbm>>) dst(%arg5 : memref<25600xi32, #tpu.memory_space<vmem>>)
      tpu.yield
    }) : () -> ()
    %scan3A = arith.constant 0 : i32
    %scan3A_5 = arith.constant 0 : i32
    %scan3A_6 = arith.constant 25 : i32
    %scan3A_7 = arith.addi %scan3A_5, %scan3A_6 : i32
    %scan3A_8 = arith.constant 1 : i32
    scf.for %scan3A_181 = %scan3A_5 to %scan3A_7 step %scan3A_8  : i32 {
      %add3A_182 = arith.constant 0 : i32
      %add3A_183 = arith.addi %add3A_182, %scan3A_181 : i32
      %mul3A_184 = arith.constant 128 : i32
      %mul3A_185 = arith.muli %add3A_183, %mul3A_184 : i32
      %multiple_of3A_186 = tpu.assume_multiple %mul3A_185, 128 : i32
      %dma_start3A = tpu.memref_slice %arg6[%multiple_of3A_186] : memref<25616xi32, #tpu.memory_space<vmem>> -> memref<128xi32, #tpu.memory_space<vmem>>
      %dma_start3A_187 = tpu.memref_slice %arg5[%multiple_of3A_186] : memref<25600xi32, #tpu.memory_space<vmem>> -> memref<128xi32, #tpu.memory_space<vmem>>
      %dma_start3A_188 = arith.constant 0 : i32
      %dma_start3A_189 = tpu.memref_slice %arg3[%dma_start3A_188] : memref<1000000xi32, #tpu.memory_space<hbm>> -> memref<1000000xi32, #tpu.memory_space<hbm>>
      tpu.enqueue_indirect_dma source(%dma_start3A_189 : memref<1000000xi32, #tpu.memory_space<hbm>>) target(%dma_start3A : memref<128xi32, #tpu.memory_space<vmem>>) offsets(%dma_start3A_187 : memref<128xi32, #tpu.memory_space<vmem>>) semaphore(%arg8 : memref<!tpu.dma_semaphore, #tpu.memory_space<semaphore_mem>>)
    }
    %scan3A_9 = arith.constant 25 : i32
    %scan3A_10 = arith.constant 0 : i32
    %scan3A_11 = arith.constant 0 : i32
    %scan3A_12 = arith.constant 25 : i32
    %scan3A_13 = arith.addi %scan3A_11, %scan3A_12 : i32
    %scan3A_14 = arith.constant 1 : i32
    scf.for %scan3A_181 = %scan3A_11 to %scan3A_13 step %scan3A_14  : i32 {
      %add3A_182 = arith.constant 25 : i32
      %add3A_183 = arith.addi %add3A_182, %scan3A_181 : i32
      %mul3A_184 = arith.constant 128 : i32
      %mul3A_185 = arith.muli %add3A_183, %mul3A_184 : i32
      %multiple_of3A_186 = tpu.assume_multiple %mul3A_185, 128 : i32
      %dma_start3A = tpu.memref_slice %arg6[%multiple_of3A_186] : memref<25616xi32, #tpu.memory_space<vmem>> -> memref<128xi32, #tpu.memory_space<vmem>>
      %dma_start3A_187 = tpu.memref_slice %arg5[%multiple_of3A_186] : memref<25600xi32, #tpu.memory_space<vmem>> -> memref<128xi32, #tpu.memory_space<vmem>>
      %dma_start3A_188 = arith.constant 0 : i32
      %dma_start3A_189 = tpu.memref_slice %arg3[%dma_start3A_188] : memref<1000000xi32, #tpu.memory_space<hbm>> -> memref<1000000xi32, #tpu.memory_space<hbm>>
      tpu.enqueue_indirect_dma source(%dma_start3A_189 : memref<1000000xi32, #tpu.memory_space<hbm>>) target(%dma_start3A : memref<128xi32, #tpu.memory_space<vmem>>) offsets(%dma_start3A_187 : memref<128xi32, #tpu.memory_space<vmem>>) semaphore(%arg9 : memref<!tpu.dma_semaphore, #tpu.memory_space<semaphore_mem>>)
    }
    %scan3A_15 = arith.constant 25 : i32
    %scan3A_16 = arith.constant 0 : i32
    %scan3A_17 = arith.constant 0 : i32
    %scan3A_18 = arith.constant 25 : i32
    %scan3A_19 = arith.addi %scan3A_17, %scan3A_18 : i32
    %scan3A_20 = arith.constant 1 : i32
    scf.for %scan3A_181 = %scan3A_17 to %scan3A_19 step %scan3A_20  : i32 {
      %add3A_182 = arith.constant 50 : i32
      %add3A_183 = arith.addi %add3A_182, %scan3A_181 : i32
      %mul3A_184 = arith.constant 128 : i32
      %mul3A_185 = arith.muli %add3A_183, %mul3A_184 : i32
      %multiple_of3A_186 = tpu.assume_multiple %mul3A_185, 128 : i32
      %dma_start3A = tpu.memref_slice %arg6[%multiple_of3A_186] : memref<25616xi32, #tpu.memory_space<vmem>> -> memref<128xi32, #tpu.memory_space<vmem>>
      %dma_start3A_187 = tpu.memref_slice %arg5[%multiple_of3A_186] : memref<25600xi32, #tpu.memory_space<vmem>> -> memref<128xi32, #tpu.memory_space<vmem>>
      %dma_start3A_188 = arith.constant 0 : i32
      %dma_start3A_189 = tpu.memref_slice %arg3[%dma_start3A_188] : memref<1000000xi32, #tpu.memory_space<hbm>> -> memref<1000000xi32, #tpu.memory_space<hbm>>
      tpu.enqueue_indirect_dma source(%dma_start3A_189 : memref<1000000xi32, #tpu.memory_space<hbm>>) target(%dma_start3A : memref<128xi32, #tpu.memory_space<vmem>>) offsets(%dma_start3A_187 : memref<128xi32, #tpu.memory_space<vmem>>) semaphore(%arg10 : memref<!tpu.dma_semaphore, #tpu.memory_space<semaphore_mem>>)
    }
    %scan3A_21 = arith.constant 25 : i32
    %scan3A_22 = arith.constant 0 : i32
    %scan3A_23 = arith.constant 0 : i32
    %scan3A_24 = arith.constant 25 : i32
    %scan3A_25 = arith.addi %scan3A_23, %scan3A_24 : i32
    %scan3A_26 = arith.constant 1 : i32
    scf.for %scan3A_181 = %scan3A_23 to %scan3A_25 step %scan3A_26  : i32 {
      %add3A_182 = arith.constant 75 : i32
      %add3A_183 = arith.addi %add3A_182, %scan3A_181 : i32
      %mul3A_184 = arith.constant 128 : i32
      %mul3A_185 = arith.muli %add3A_183, %mul3A_184 : i32
      %multiple_of3A_186 = tpu.assume_multiple %mul3A_185, 128 : i32
      %dma_start3A = tpu.memref_slice %arg6[%multiple_of3A_186] : memref<25616xi32, #tpu.memory_space<vmem>> -> memref<128xi32, #tpu.memory_space<vmem>>
      %dma_start3A_187 = tpu.memref_slice %arg5[%multiple_of3A_186] : memref<25600xi32, #tpu.memory_space<vmem>> -> memref<128xi32, #tpu.memory_space<vmem>>
      %dma_start3A_188 = arith.constant 0 : i32
      %dma_start3A_189 = tpu.memref_slice %arg3[%dma_start3A_188] : memref<1000000xi32, #tpu.memory_space<hbm>> -> memref<1000000xi32, #tpu.memory_space<hbm>>
      tpu.enqueue_indirect_dma source(%dma_start3A_189 : memref<1000000xi32, #tpu.memory_space<hbm>>) target(%dma_start3A : memref<128xi32, #tpu.memory_space<vmem>>) offsets(%dma_start3A_187 : memref<128xi32, #tpu.memory_space<vmem>>) semaphore(%arg11 : memref<!tpu.dma_semaphore, #tpu.memory_space<semaphore_mem>>)
    }
    %scan3A_27 = arith.constant 25 : i32
    %scan3A_28 = arith.constant 0 : i32
    %scan3A_29 = arith.constant 0 : i32
    %scan3A_30 = arith.constant 25 : i32
    %scan3A_31 = arith.addi %scan3A_29, %scan3A_30 : i32
    %scan3A_32 = arith.constant 1 : i32
    scf.for %scan3A_181 = %scan3A_29 to %scan3A_31 step %scan3A_32  : i32 {
      %add3A_182 = arith.constant 100 : i32
      %add3A_183 = arith.addi %add3A_182, %scan3A_181 : i32
      %mul3A_184 = arith.constant 128 : i32
      %mul3A_185 = arith.muli %add3A_183, %mul3A_184 : i32
      %multiple_of3A_186 = tpu.assume_multiple %mul3A_185, 128 : i32
      %dma_start3A = tpu.memref_slice %arg6[%multiple_of3A_186] : memref<25616xi32, #tpu.memory_space<vmem>> -> memref<128xi32, #tpu.memory_space<vmem>>
      %dma_start3A_187 = tpu.memref_slice %arg5[%multiple_of3A_186] : memref<25600xi32, #tpu.memory_space<vmem>> -> memref<128xi32, #tpu.memory_space<vmem>>
      %dma_start3A_188 = arith.constant 0 : i32
      %dma_start3A_189 = tpu.memref_slice %arg3[%dma_start3A_188] : memref<1000000xi32, #tpu.memory_space<hbm>> -> memref<1000000xi32, #tpu.memory_space<hbm>>
      tpu.enqueue_indirect_dma source(%dma_start3A_189 : memref<1000000xi32, #tpu.memory_space<hbm>>) target(%dma_start3A : memref<128xi32, #tpu.memory_space<vmem>>) offsets(%dma_start3A_187 : memref<128xi32, #tpu.memory_space<vmem>>) semaphore(%arg12 : memref<!tpu.dma_semaphore, #tpu.memory_space<semaphore_mem>>)
    }
    %scan3A_33 = arith.constant 25 : i32
    %scan3A_34 = arith.constant 0 : i32
    %scan3A_35 = arith.constant 0 : i32
    %scan3A_36 = arith.constant 25 : i32
    %scan3A_37 = arith.addi %scan3A_35, %scan3A_36 : i32
    %scan3A_38 = arith.constant 1 : i32
    scf.for %scan3A_181 = %scan3A_35 to %scan3A_37 step %scan3A_38  : i32 {
      %add3A_182 = arith.constant 125 : i32
      %add3A_183 = arith.addi %add3A_182, %scan3A_181 : i32
      %mul3A_184 = arith.constant 128 : i32
      %mul3A_185 = arith.muli %add3A_183, %mul3A_184 : i32
      %multiple_of3A_186 = tpu.assume_multiple %mul3A_185, 128 : i32
      %dma_start3A = tpu.memref_slice %arg6[%multiple_of3A_186] : memref<25616xi32, #tpu.memory_space<vmem>> -> memref<128xi32, #tpu.memory_space<vmem>>
      %dma_start3A_187 = tpu.memref_slice %arg5[%multiple_of3A_186] : memref<25600xi32, #tpu.memory_space<vmem>> -> memref<128xi32, #tpu.memory_space<vmem>>
      %dma_start3A_188 = arith.constant 0 : i32
      %dma_start3A_189 = tpu.memref_slice %arg3[%dma_start3A_188] : memref<1000000xi32, #tpu.memory_space<hbm>> -> memref<1000000xi32, #tpu.memory_space<hbm>>
      tpu.enqueue_indirect_dma source(%dma_start3A_189 : memref<1000000xi32, #tpu.memory_space<hbm>>) target(%dma_start3A : memref<128xi32, #tpu.memory_space<vmem>>) offsets(%dma_start3A_187 : memref<128xi32, #tpu.memory_space<vmem>>) semaphore(%arg13 : memref<!tpu.dma_semaphore, #tpu.memory_space<semaphore_mem>>)
    }
    %scan3A_39 = arith.constant 25 : i32
    %scan3A_40 = arith.constant 0 : i32
    %scan3A_41 = arith.constant 0 : i32
    %scan3A_42 = arith.constant 25 : i32
    %scan3A_43 = arith.addi %scan3A_41, %scan3A_42 : i32
    %scan3A_44 = arith.constant 1 : i32
    scf.for %scan3A_181 = %scan3A_41 to %scan3A_43 step %scan3A_44  : i32 {
      %add3A_182 = arith.constant 150 : i32
      %add3A_183 = arith.addi %add3A_182, %scan3A_181 : i32
      %mul3A_184 = arith.constant 128 : i32
      %mul3A_185 = arith.muli %add3A_183, %mul3A_184 : i32
      %multiple_of3A_186 = tpu.assume_multiple %mul3A_185, 128 : i32
      %dma_start3A = tpu.memref_slice %arg6[%multiple_of3A_186] : memref<25616xi32, #tpu.memory_space<vmem>> -> memref<128xi32, #tpu.memory_space<vmem>>
      %dma_start3A_187 = tpu.memref_slice %arg5[%multiple_of3A_186] : memref<25600xi32, #tpu.memory_space<vmem>> -> memref<128xi32, #tpu.memory_space<vmem>>
      %dma_start3A_188 = arith.constant 0 : i32
      %dma_start3A_189 = tpu.memref_slice %arg3[%dma_start3A_188] : memref<1000000xi32, #tpu.memory_space<hbm>> -> memref<1000000xi32, #tpu.memory_space<hbm>>
      tpu.enqueue_indirect_dma source(%dma_start3A_189 : memref<1000000xi32, #tpu.memory_space<hbm>>) target(%dma_start3A : memref<128xi32, #tpu.memory_space<vmem>>) offsets(%dma_start3A_187 : memref<128xi32, #tpu.memory_space<vmem>>) semaphore(%arg14 : memref<!tpu.dma_semaphore, #tpu.memory_space<semaphore_mem>>)
    }
    %scan3A_45 = arith.constant 25 : i32
    %scan3A_46 = arith.constant 0 : i32
    %scan3A_47 = arith.constant 0 : i32
    %scan3A_48 = arith.constant 25 : i32
    %scan3A_49 = arith.addi %scan3A_47, %scan3A_48 : i32
    %scan3A_50 = arith.constant 1 : i32
    scf.for %scan3A_181 = %scan3A_47 to %scan3A_49 step %scan3A_50  : i32 {
      %add3A_182 = arith.constant 175 : i32
      %add3A_183 = arith.addi %add3A_182, %scan3A_181 : i32
      %mul3A_184 = arith.constant 128 : i32
      %mul3A_185 = arith.muli %add3A_183, %mul3A_184 : i32
      %multiple_of3A_186 = tpu.assume_multiple %mul3A_185, 128 : i32
      %dma_start3A = tpu.memref_slice %arg6[%multiple_of3A_186] : memref<25616xi32, #tpu.memory_space<vmem>> -> memref<128xi32, #tpu.memory_space<vmem>>
      %dma_start3A_187 = tpu.memref_slice %arg5[%multiple_of3A_186] : memref<25600xi32, #tpu.memory_space<vmem>> -> memref<128xi32, #tpu.memory_space<vmem>>
      %dma_start3A_188 = arith.constant 0 : i32
      %dma_start3A_189 = tpu.memref_slice %arg3[%dma_start3A_188] : memref<1000000xi32, #tpu.memory_space<hbm>> -> memref<1000000xi32, #tpu.memory_space<hbm>>
      tpu.enqueue_indirect_dma source(%dma_start3A_189 : memref<1000000xi32, #tpu.memory_space<hbm>>) target(%dma_start3A : memref<128xi32, #tpu.memory_space<vmem>>) offsets(%dma_start3A_187 : memref<128xi32, #tpu.memory_space<vmem>>) semaphore(%arg15 : memref<!tpu.dma_semaphore, #tpu.memory_space<semaphore_mem>>)
    }
    %scan3A_51 = arith.constant 25 : i32
    %iota3A = tpu.iota {dimensions = array<i32: 0>} : vector<16xi32>
    %lt3A = arith.constant 8 : i32
    %lt3A_52 = vector.broadcast %lt3A : i32 to vector<16xi32>
    %lt3A_53 = arith.cmpi slt, %iota3A, %lt3A_52 : vector<16xi32>
    %dma_wait3A = arith.constant 0 : i32
    %dma_wait3A_54 = tpu.memref_slice %arg6[%dma_wait3A] : memref<25616xi32, #tpu.memory_space<vmem>> -> memref<3200xi32, #tpu.memory_space<vmem>>
    %dma_wait3A_55 = arith.constant 0 : i32
    %dma_wait3A_56 = tpu.memref_slice %arg3[%dma_wait3A_55] : memref<1000000xi32, #tpu.memory_space<hbm>> -> memref<3200xi32, #tpu.memory_space<hbm>>
    %dma_wait3A_57 = arith.constant 0 : i32
    %dma_wait3A_58 = tpu.memref_slice %arg6[%dma_wait3A_57] : memref<25616xi32, #tpu.memory_space<vmem>> -> memref<3200xi32, #tpu.memory_space<vmem>>
    %dma_wait3A_59 = arith.constant 0 : i32
    %dma_wait3A_60 = tpu.memref_slice %arg3[%dma_wait3A_59] : memref<1000000xi32, #tpu.memory_space<hbm>> -> memref<3200xi32, #tpu.memory_space<hbm>>
    tpu.wait_dma2 semaphore(%arg8 : memref<!tpu.dma_semaphore, #tpu.memory_space<semaphore_mem>>) src(%dma_wait3A_60 : memref<3200xi32, #tpu.memory_space<hbm>>) dst(%dma_wait3A_58 : memref<3200xi32, #tpu.memory_space<vmem>>)
    %scan3A_61 = arith.constant 0 : i32
    %scan3A_62 = arith.constant 16 : i32
    %scan3A_63 = arith.constant -65536 : i32
    %scan3A_64 = arith.constant 0 : i32
    %scan3A_65 = arith.constant 16 : i32
    %scan3A_66 = arith.addi %scan3A_64, %scan3A_65 : i32
    %scan3A_67 = arith.constant 1 : i32
    scf.for %scan3A_181 = %scan3A_64 to %scan3A_66 step %scan3A_67  : i32 {
      %mul3A_182 = arith.constant 200 : i32
      %mul3A_183 = arith.muli %scan3A_181, %mul3A_182 : i32
      %multiple_of3A_184 = tpu.assume_multiple %mul3A_183, 8 : i32
      %broadcast_in_dim3A = arith.constant 0.000000e+00 : f32
      %broadcast_in_dim3A_185 = vector.broadcast %broadcast_in_dim3A : f32 to vector<16xf32>
      %broadcast_in_dim3A_186 = arith.constant 0.000000e+00 : f32
      %broadcast_in_dim3A_187 = vector.broadcast %broadcast_in_dim3A_186 : f32 to vector<16xf32>
      %add3A_188 = arith.constant 0 : i32
      %add3A_189 = arith.addi %multiple_of3A_184, %add3A_188 : i32
      %get3A = arith.index_cast %add3A_189 : i32 to index
      %get3A_190 = tpu.vector_load %arg6[%get3A] {strides = array<i32>} : memref<25616xi32, #tpu.memory_space<vmem>>, vector<16xi32>,
      %shift_left3A = vector.broadcast %scan3A_62 : i32 to vector<16xi32>
      %shift_left3A_191 = arith.shli %get3A_190, %shift_left3A : vector<16xi32>
      %bitcast3A = vector.bitcast %shift_left3A_191 : vector<16xi32> to vector<16xf32>
      %add3A_192 = arith.addf %broadcast_in_dim3A_185, %bitcast3A : vector<16xf32>
      %and3A = vector.broadcast %scan3A_63 : i32 to vector<16xi32>
      %and3A_193 = arith.andi %get3A_190, %and3A : vector<16xi32>
      %bitcast3A_194 = vector.bitcast %and3A_193 : vector<16xi32> to vector<16xf32>
      %add3A_195 = arith.addf %broadcast_in_dim3A_187, %bitcast3A_194 : vector<16xf32>
      %add3A_196 = arith.constant 16 : i32
      %add3A_197 = arith.addi %multiple_of3A_184, %add3A_196 : i32
      %get3A_198 = arith.index_cast %add3A_197 : i32 to index
      %get3A_199 = tpu.vector_load %arg6[%get3A_198] {strides = array<i32>} : memref<25616xi32, #tpu.memory_space<vmem>>, vector<16xi32>,
      %shift_left3A_200 = vector.broadcast %scan3A_62 : i32 to vector<16xi32>
      %shift_left3A_201 = arith.shli %get3A_199, %shift_left3A_200 : vector<16xi32>
      %bitcast3A_202 = vector.bitcast %shift_left3A_201 : vector<16xi32> to vector<16xf32>
      %add3A_203 = arith.addf %add3A_192, %bitcast3A_202 : vector<16xf32>
      %and3A_204 = vector.broadcast %scan3A_63 : i32 to vector<16xi32>
      %and3A_205 = arith.andi %get3A_199, %and3A_204 : vector<16xi32>
      %bitcast3A_206 = vector.bitcast %and3A_205 : vector<16xi32> to vector<16xf32>
      %add3A_207 = arith.addf %add3A_195, %bitcast3A_206 : vector<16xf32>
      %add3A_208 = arith.constant 32 : i32
      %add3A_209 = arith.addi %multiple_of3A_184, %add3A_208 : i32
      %get3A_210 = arith.index_cast %add3A_209 : i32 to index
      %get3A_211 = tpu.vector_load %arg6[%get3A_210] {strides = array<i32>} : memref<25616xi32, #tpu.memory_space<vmem>>, vector<16xi32>,
      %shift_left3A_212 = vector.broadcast %scan3A_62 : i32 to vector<16xi32>
      %shift_left3A_213 = arith.shli %get3A_211, %shift_left3A_212 : vector<16xi32>
      %bitcast3A_214 = vector.bitcast %shift_left3A_213 : vector<16xi32> to vector<16xf32>
      %add3A_215 = arith.addf %add3A_203, %bitcast3A_214 : vector<16xf32>
      %and3A_216 = vector.broadcast %scan3A_63 : i32 to vector<16xi32>
      %and3A_217 = arith.andi %get3A_211, %and3A_216 : vector<16xi32>
      %bitcast3A_218 = vector.bitcast %and3A_217 : vector<16xi32> to vector<16xf32>
      %add3A_219 = arith.addf %add3A_207, %bitcast3A_218 : vector<16xf32>
      %add3A_220 = arith.constant 48 : i32
      %add3A_221 = arith.addi %multiple_of3A_184, %add3A_220 : i32
      %get3A_222 = arith.index_cast %add3A_221 : i32 to index
      %get3A_223 = tpu.vector_load %arg6[%get3A_222] {strides = array<i32>} : memref<25616xi32, #tpu.memory_space<vmem>>, vector<16xi32>,
      %shift_left3A_224 = vector.broadcast %scan3A_62 : i32 to vector<16xi32>
      %shift_left3A_225 = arith.shli %get3A_223, %shift_left3A_224 : vector<16xi32>
      %bitcast3A_226 = vector.bitcast %shift_left3A_225 : vector<16xi32> to vector<16xf32>
      %add3A_227 = arith.addf %add3A_215, %bitcast3A_226 : vector<16xf32>
      %and3A_228 = vector.broadcast %scan3A_63 : i32 to vector<16xi32>
      %and3A_229 = arith.andi %get3A_223, %and3A_228 : vector<16xi32>
      %bitcast3A_230 = vector.bitcast %and3A_229 : vector<16xi32> to vector<16xf32>
      %add3A_231 = arith.addf %add3A_219, %bitcast3A_230 : vector<16xf32>
      %add3A_232 = arith.constant 64 : i32
      %add3A_233 = arith.addi %multiple_of3A_184, %add3A_232 : i32
      %get3A_234 = arith.index_cast %add3A_233 : i32 to index
      %get3A_235 = tpu.vector_load %arg6[%get3A_234] {strides = array<i32>} : memref<25616xi32, #tpu.memory_space<vmem>>, vector<16xi32>,
      %shift_left3A_236 = vector.broadcast %scan3A_62 : i32 to vector<16xi32>
      %shift_left3A_237 = arith.shli %get3A_235, %shift_left3A_236 : vector<16xi32>
      %bitcast3A_238 = vector.bitcast %shift_left3A_237 : vector<16xi32> to vector<16xf32>
      %add3A_239 = arith.addf %add3A_227, %bitcast3A_238 : vector<16xf32>
      %and3A_240 = vector.broadcast %scan3A_63 : i32 to vector<16xi32>
      %and3A_241 = arith.andi %get3A_235, %and3A_240 : vector<16xi32>
      %bitcast3A_242 = vector.bitcast %and3A_241 : vector<16xi32> to vector<16xf32>
      %add3A_243 = arith.addf %add3A_231, %bitcast3A_242 : vector<16xf32>
      %add3A_244 = arith.constant 80 : i32
      %add3A_245 = arith.addi %multiple_of3A_184, %add3A_244 : i32
      %get3A_246 = arith.index_cast %add3A_245 : i32 to index
      %get3A_247 = tpu.vector_load %arg6[%get3A_246] {strides = array<i32>} : memref<25616xi32, #tpu.memory_space<vmem>>, vector<16xi32>,
      %shift_left3A_248 = vector.broadcast %scan3A_62 : i32 to vector<16xi32>
      %shift_left3A_249 = arith.shli %get3A_247, %shift_left3A_248 : vector<16xi32>
      %bitcast3A_250 = vector.bitcast %shift_left3A_249 : vector<16xi32> to vector<16xf32>
      %add3A_251 = arith.addf %add3A_239, %bitcast3A_250 : vector<16xf32>
      %and3A_252 = vector.broadcast %scan3A_63 : i32 to vector<16xi32>
      %and3A_253 = arith.andi %get3A_247, %and3A_252 : vector<16xi32>
      %bitcast3A_254 = vector.bitcast %and3A_253 : vector<16xi32> to vector<16xf32>
      %add3A_255 = arith.addf %add3A_243, %bitcast3A_254 : vector<16xf32>
      %add3A_256 = arith.constant 96 : i32
      %add3A_257 = arith.addi %multiple_of3A_184, %add3A_256 : i32
      %get3A_258 = arith.index_cast %add3A_257 : i32 to index
      %get3A_259 = tpu.vector_load %arg6[%get3A_258] {strides = array<i32>} : memref<25616xi32, #tpu.memory_space<vmem>>, vector<16xi32>,
      %shift_left3A_260 = vector.broadcast %scan3A_62 : i32 to vector<16xi32>
      %shift_left3A_261 = arith.shli %get3A_259, %shift_left3A_260 : vector<16xi32>
      %bitcast3A_262 = vector.bitcast %shift_left3A_261 : vector<16xi32> to vector<16xf32>
      %add3A_263 = arith.addf %add3A_251, %bitcast3A_262 : vector<16xf32>
      %and3A_264 = vector.broadcast %scan3A_63 : i32 to vector<16xi32>
      %and3A_265 = arith.andi %get3A_259, %and3A_264 : vector<16xi32>
      %bitcast3A_266 = vector.bitcast %and3A_265 : vector<16xi32> to vector<16xf32>
      %add3A_267 = arith.addf %add3A_255, %bitcast3A_266 : vector<16xf32>
      %add3A_268 = arith.constant 112 : i32
      %add3A_269 = arith.addi %multiple_of3A_184, %add3A_268 : i32
      %get3A_270 = arith.index_cast %add3A_269 : i32 to index
      %get3A_271 = tpu.vector_load %arg6[%get3A_270] {strides = array<i32>} : memref<25616xi32, #tpu.memory_space<vmem>>, vector<16xi32>,
      %shift_left3A_272 = vector.broadcast %scan3A_62 : i32 to vector<16xi32>
      %shift_left3A_273 = arith.shli %get3A_271, %shift_left3A_272 : vector<16xi32>
      %bitcast3A_274 = vector.bitcast %shift_left3A_273 : vector<16xi32> to vector<16xf32>
      %add3A_275 = arith.addf %add3A_263, %bitcast3A_274 : vector<16xf32>
      %and3A_276 = vector.broadcast %scan3A_63 : i32 to vector<16xi32>
      %and3A_277 = arith.andi %get3A_271, %and3A_276 : vector<16xi32>
      %bitcast3A_278 = vector.bitcast %and3A_277 : vector<16xi32> to vector<16xf32>
      %add3A_279 = arith.addf %add3A_267, %bitcast3A_278 : vector<16xf32>
      %add3A_280 = arith.constant 128 : i32
      %add3A_281 = arith.addi %multiple_of3A_184, %add3A_280 : i32
      %get3A_282 = arith.index_cast %add3A_281 : i32 to index
      %get3A_283 = tpu.vector_load %arg6[%get3A_282] {strides = array<i32>} : memref<25616xi32, #tpu.memory_space<vmem>>, vector<16xi32>,
      %shift_left3A_284 = vector.broadcast %scan3A_62 : i32 to vector<16xi32>
      %shift_left3A_285 = arith.shli %get3A_283, %shift_left3A_284 : vector<16xi32>
      %bitcast3A_286 = vector.bitcast %shift_left3A_285 : vector<16xi32> to vector<16xf32>
      %add3A_287 = arith.addf %add3A_275, %bitcast3A_286 : vector<16xf32>
      %and3A_288 = vector.broadcast %scan3A_63 : i32 to vector<16xi32>
      %and3A_289 = arith.andi %get3A_283, %and3A_288 : vector<16xi32>
      %bitcast3A_290 = vector.bitcast %and3A_289 : vector<16xi32> to vector<16xf32>
      %add3A_291 = arith.addf %add3A_279, %bitcast3A_290 : vector<16xf32>
      %add3A_292 = arith.constant 144 : i32
      %add3A_293 = arith.addi %multiple_of3A_184, %add3A_292 : i32
      %get3A_294 = arith.index_cast %add3A_293 : i32 to index
      %get3A_295 = tpu.vector_load %arg6[%get3A_294] {strides = array<i32>} : memref<25616xi32, #tpu.memory_space<vmem>>, vector<16xi32>,
      %shift_left3A_296 = vector.broadcast %scan3A_62 : i32 to vector<16xi32>
      %shift_left3A_297 = arith.shli %get3A_295, %shift_left3A_296 : vector<16xi32>
      %bitcast3A_298 = vector.bitcast %shift_left3A_297 : vector<16xi32> to vector<16xf32>
      %add3A_299 = arith.addf %add3A_287, %bitcast3A_298 : vector<16xf32>
      %and3A_300 = vector.broadcast %scan3A_63 : i32 to vector<16xi32>
      %and3A_301 = arith.andi %get3A_295, %and3A_300 : vector<16xi32>
      %bitcast3A_302 = vector.bitcast %and3A_301 : vector<16xi32> to vector<16xf32>
      %add3A_303 = arith.addf %add3A_291, %bitcast3A_302 : vector<16xf32>
      %add3A_304 = arith.constant 160 : i32
      %add3A_305 = arith.addi %multiple_of3A_184, %add3A_304 : i32
      %get3A_306 = arith.index_cast %add3A_305 : i32 to index
      %get3A_307 = tpu.vector_load %arg6[%get3A_306] {strides = array<i32>} : memref<25616xi32, #tpu.memory_space<vmem>>, vector<16xi32>,
      %shift_left3A_308 = vector.broadcast %scan3A_62 : i32 to vector<16xi32>
      %shift_left3A_309 = arith.shli %get3A_307, %shift_left3A_308 : vector<16xi32>
      %bitcast3A_310 = vector.bitcast %shift_left3A_309 : vector<16xi32> to vector<16xf32>
      %add3A_311 = arith.addf %add3A_299, %bitcast3A_310 : vector<16xf32>
      %and3A_312 = vector.broadcast %scan3A_63 : i32 to vector<16xi32>
      %and3A_313 = arith.andi %get3A_307, %and3A_312 : vector<16xi32>
      %bitcast3A_314 = vector.bitcast %and3A_313 : vector<16xi32> to vector<16xf32>
      %add3A_315 = arith.addf %add3A_303, %bitcast3A_314 : vector<16xf32>
      %add3A_316 = arith.constant 176 : i32
      %add3A_317 = arith.addi %multiple_of3A_184, %add3A_316 : i32
      %get3A_318 = arith.index_cast %add3A_317 : i32 to index
      %get3A_319 = tpu.vector_load %arg6[%get3A_318] {strides = array<i32>} : memref<25616xi32, #tpu.memory_space<vmem>>, vector<16xi32>,
      %shift_left3A_320 = vector.broadcast %scan3A_62 : i32 to vector<16xi32>
      %shift_left3A_321 = arith.shli %get3A_319, %shift_left3A_320 : vector<16xi32>
      %bitcast3A_322 = vector.bitcast %shift_left3A_321 : vector<16xi32> to vector<16xf32>
      %add3A_323 = arith.addf %add3A_311, %bitcast3A_322 : vector<16xf32>
      %and3A_324 = vector.broadcast %scan3A_63 : i32 to vector<16xi32>
      %and3A_325 = arith.andi %get3A_319, %and3A_324 : vector<16xi32>
      %bitcast3A_326 = vector.bitcast %and3A_325 : vector<16xi32> to vector<16xf32>
      %add3A_327 = arith.addf %add3A_315, %bitcast3A_326 : vector<16xf32>
      %add3A_328 = arith.constant 192 : i32
      %add3A_329 = arith.addi %multiple_of3A_184, %add3A_328 : i32
      %get3A_330 = arith.index_cast %add3A_329 : i32 to index
      %get3A_331 = tpu.vector_load %arg6[%get3A_330] {strides = array<i32>} : memref<25616xi32, #tpu.memory_space<vmem>>, vector<16xi32>,
      %jit3A = arith.constant 0 : i32
      %broadcast_in_dim3A_332 = vector.broadcast %jit3A : i32 to vector<16xi32>
      %select_n3A = arith.select %lt3A_53, %get3A_331, %broadcast_in_dim3A_332 : vector<16xi1>, vector<16xi32>
      %shift_left3A_333 = vector.broadcast %scan3A_62 : i32 to vector<16xi32>
      %shift_left3A_334 = arith.shli %select_n3A, %shift_left3A_333 : vector<16xi32>
      %bitcast3A_335 = vector.bitcast %shift_left3A_334 : vector<16xi32> to vector<16xf32>
      %add3A_336 = arith.addf %add3A_323, %bitcast3A_335 : vector<16xf32>
      %and3A_337 = vector.broadcast %scan3A_63 : i32 to vector<16xi32>
      %and3A_338 = arith.andi %select_n3A, %and3A_337 : vector<16xi32>
      %bitcast3A_339 = vector.bitcast %and3A_338 : vector<16xi32> to vector<16xf32>
      %add3A_340 = arith.addf %add3A_327, %bitcast3A_339 : vector<16xf32>
      %swap3A = arith.index_cast %scan3A_181 : i32 to index
      %swap3A_341 = arith.constant 0 : index
      %swap3A_342 = tpu.vector_load %arg7[%swap3A, %swap3A_341] {strides = array<i32>} : memref<128x32xf32, #tpu.memory_space<vmem>>, vector<16xf32>,
      tpu.vector_store %arg7[%swap3A, %swap3A_341], %add3A_336 {strides = array<i32>} : memref<128x32xf32, #tpu.memory_space<vmem>>, vector<16xf32>,
      %swap3A_343 = arith.index_cast %scan3A_181 : i32 to index
      %swap3A_344 = arith.constant 16 : index
      %swap3A_345 = tpu.vector_load %arg7[%swap3A_343, %swap3A_344] {strides = array<i32>} : memref<128x32xf32, #tpu.memory_space<vmem>>, vector<16xf32>,
      tpu.vector_store %arg7[%swap3A_343, %swap3A_344], %add3A_340 {strides = array<i32>} : memref<128x32xf32, #tpu.memory_space<vmem>>, vector<16xf32>,
    }
    %scan3A_68 = arith.constant 16 : i32
    %dma_wait3A_69 = arith.constant 3200 : i32
    %dma_wait3A_70 = tpu.memref_slice %arg6[%dma_wait3A_69] : memref<25616xi32, #tpu.memory_space<vmem>> -> memref<3200xi32, #tpu.memory_space<vmem>>
    %dma_wait3A_71 = arith.constant 0 : i32
    %dma_wait3A_72 = tpu.memref_slice %arg3[%dma_wait3A_71] : memref<1000000xi32, #tpu.memory_space<hbm>> -> memref<3200xi32, #tpu.memory_space<hbm>>
    %dma_wait3A_73 = arith.constant 3200 : i32
    %dma_wait3A_74 = tpu.memref_slice %arg6[%dma_wait3A_73] : memref<25616xi32, #tpu.memory_space<vmem>> -> memref<3200xi32, #tpu.memory_space<vmem>>
    %dma_wait3A_75 = arith.constant 0 : i32
    %dma_wait3A_76 = tpu.memref_slice %arg3[%dma_wait3A_75] : memref<1000000xi32, #tpu.memory_space<hbm>> -> memref<3200xi32, #tpu.memory_space<hbm>>
    tpu.wait_dma2 semaphore(%arg9 : memref<!tpu.dma_semaphore, #tpu.memory_space<semaphore_mem>>) src(%dma_wait3A_76 : memref<3200xi32, #tpu.memory_space<hbm>>) dst(%dma_wait3A_74 : memref<3200xi32, #tpu.memory_space<vmem>>)
    %scan3A_77 = arith.constant 0 : i32
    %scan3A_78 = arith.constant 16 : i32
    %scan3A_79 = arith.constant -65536 : i32
    %scan3A_80 = arith.constant 16 : i32
    %scan3A_81 = arith.constant 16 : i32
    %scan3A_82 = arith.addi %scan3A_80, %scan3A_81 : i32
    %scan3A_83 = arith.constant 1 : i32
    scf.for %scan3A_181 = %scan3A_80 to %scan3A_82 step %scan3A_83  : i32 {
      %mul3A_182 = arith.constant 200 : i32
      %mul3A_183 = arith.muli %scan3A_181, %mul3A_182 : i32
      %multiple_of3A_184 = tpu.assume_multiple %mul3A_183, 8 : i32
      %broadcast_in_dim3A = arith.constant 0.000000e+00 : f32
      %broadcast_in_dim3A_185 = vector.broadcast %broadcast_in_dim3A : f32 to vector<16xf32>
      %broadcast_in_dim3A_186 = arith.constant 0.000000e+00 : f32
      %broadcast_in_dim3A_187 = vector.broadcast %broadcast_in_dim3A_186 : f32 to vector<16xf32>
      %add3A_188 = arith.constant 0 : i32
      %add3A_189 = arith.addi %multiple_of3A_184, %add3A_188 : i32
      %get3A = arith.index_cast %add3A_189 : i32 to index
      %get3A_190 = tpu.vector_load %arg6[%get3A] {strides = array<i32>} : memref<25616xi32, #tpu.memory_space<vmem>>, vector<16xi32>,
      %shift_left3A = vector.broadcast %scan3A_78 : i32 to vector<16xi32>
      %shift_left3A_191 = arith.shli %get3A_190, %shift_left3A : vector<16xi32>
      %bitcast3A = vector.bitcast %shift_left3A_191 : vector<16xi32> to vector<16xf32>
      %add3A_192 = arith.addf %broadcast_in_dim3A_185, %bitcast3A : vector<16xf32>
      %and3A = vector.broadcast %scan3A_79 : i32 to vector<16xi32>
      %and3A_193 = arith.andi %get3A_190, %and3A : vector<16xi32>
      %bitcast3A_194 = vector.bitcast %and3A_193 : vector<16xi32> to vector<16xf32>
      %add3A_195 = arith.addf %broadcast_in_dim3A_187, %bitcast3A_194 : vector<16xf32>
      %add3A_196 = arith.constant 16 : i32
      %add3A_197 = arith.addi %multiple_of3A_184, %add3A_196 : i32
      %get3A_198 = arith.index_cast %add3A_197 : i32 to index
      %get3A_199 = tpu.vector_load %arg6[%get3A_198] {strides = array<i32>} : memref<25616xi32, #tpu.memory_space<vmem>>, vector<16xi32>,
      %shift_left3A_200 = vector.broadcast %scan3A_78 : i32 to vector<16xi32>
      %shift_left3A_201 = arith.shli %get3A_199, %shift_left3A_200 : vector<16xi32>
      %bitcast3A_202 = vector.bitcast %shift_left3A_201 : vector<16xi32> to vector<16xf32>
      %add3A_203 = arith.addf %add3A_192, %bitcast3A_202 : vector<16xf32>
      %and3A_204 = vector.broadcast %scan3A_79 : i32 to vector<16xi32>
      %and3A_205 = arith.andi %get3A_199, %and3A_204 : vector<16xi32>
      %bitcast3A_206 = vector.bitcast %and3A_205 : vector<16xi32> to vector<16xf32>
      %add3A_207 = arith.addf %add3A_195, %bitcast3A_206 : vector<16xf32>
      %add3A_208 = arith.constant 32 : i32
      %add3A_209 = arith.addi %multiple_of3A_184, %add3A_208 : i32
      %get3A_210 = arith.index_cast %add3A_209 : i32 to index
      %get3A_211 = tpu.vector_load %arg6[%get3A_210] {strides = array<i32>} : memref<25616xi32, #tpu.memory_space<vmem>>, vector<16xi32>,
      %shift_left3A_212 = vector.broadcast %scan3A_78 : i32 to vector<16xi32>
      %shift_left3A_213 = arith.shli %get3A_211, %shift_left3A_212 : vector<16xi32>
      %bitcast3A_214 = vector.bitcast %shift_left3A_213 : vector<16xi32> to vector<16xf32>
      %add3A_215 = arith.addf %add3A_203, %bitcast3A_214 : vector<16xf32>
      %and3A_216 = vector.broadcast %scan3A_79 : i32 to vector<16xi32>
      %and3A_217 = arith.andi %get3A_211, %and3A_216 : vector<16xi32>
      %bitcast3A_218 = vector.bitcast %and3A_217 : vector<16xi32> to vector<16xf32>
      %add3A_219 = arith.addf %add3A_207, %bitcast3A_218 : vector<16xf32>
      %add3A_220 = arith.constant 48 : i32
      %add3A_221 = arith.addi %multiple_of3A_184, %add3A_220 : i32
      %get3A_222 = arith.index_cast %add3A_221 : i32 to index
      %get3A_223 = tpu.vector_load %arg6[%get3A_222] {strides = array<i32>} : memref<25616xi32, #tpu.memory_space<vmem>>, vector<16xi32>,
      %shift_left3A_224 = vector.broadcast %scan3A_78 : i32 to vector<16xi32>
      %shift_left3A_225 = arith.shli %get3A_223, %shift_left3A_224 : vector<16xi32>
      %bitcast3A_226 = vector.bitcast %shift_left3A_225 : vector<16xi32> to vector<16xf32>
      %add3A_227 = arith.addf %add3A_215, %bitcast3A_226 : vector<16xf32>
      %and3A_228 = vector.broadcast %scan3A_79 : i32 to vector<16xi32>
      %and3A_229 = arith.andi %get3A_223, %and3A_228 : vector<16xi32>
      %bitcast3A_230 = vector.bitcast %and3A_229 : vector<16xi32> to vector<16xf32>
      %add3A_231 = arith.addf %add3A_219, %bitcast3A_230 : vector<16xf32>
      %add3A_232 = arith.constant 64 : i32
      %add3A_233 = arith.addi %multiple_of3A_184, %add3A_232 : i32
      %get3A_234 = arith.index_cast %add3A_233 : i32 to index
      %get3A_235 = tpu.vector_load %arg6[%get3A_234] {strides = array<i32>} : memref<25616xi32, #tpu.memory_space<vmem>>, vector<16xi32>,
      %shift_left3A_236 = vector.broadcast %scan3A_78 : i32 to vector<16xi32>
      %shift_left3A_237 = arith.shli %get3A_235, %shift_left3A_236 : vector<16xi32>
      %bitcast3A_238 = vector.bitcast %shift_left3A_237 : vector<16xi32> to vector<16xf32>
      %add3A_239 = arith.addf %add3A_227, %bitcast3A_238 : vector<16xf32>
      %and3A_240 = vector.broadcast %scan3A_79 : i32 to vector<16xi32>
      %and3A_241 = arith.andi %get3A_235, %and3A_240 : vector<16xi32>
      %bitcast3A_242 = vector.bitcast %and3A_241 : vector<16xi32> to vector<16xf32>
      %add3A_243 = arith.addf %add3A_231, %bitcast3A_242 : vector<16xf32>
      %add3A_244 = arith.constant 80 : i32
      %add3A_245 = arith.addi %multiple_of3A_184, %add3A_244 : i32
      %get3A_246 = arith.index_cast %add3A_245 : i32 to index
      %get3A_247 = tpu.vector_load %arg6[%get3A_246] {strides = array<i32>} : memref<25616xi32, #tpu.memory_space<vmem>>, vector<16xi32>,
      %shift_left3A_248 = vector.broadcast %scan3A_78 : i32 to vector<16xi32>
      %shift_left3A_249 = arith.shli %get3A_247, %shift_left3A_248 : vector<16xi32>
      %bitcast3A_250 = vector.bitcast %shift_left3A_249 : vector<16xi32> to vector<16xf32>
      %add3A_251 = arith.addf %add3A_239, %bitcast3A_250 : vector<16xf32>
      %and3A_252 = vector.broadcast %scan3A_79 : i32 to vector<16xi32>
      %and3A_253 = arith.andi %get3A_247, %and3A_252 : vector<16xi32>
      %bitcast3A_254 = vector.bitcast %and3A_253 : vector<16xi32> to vector<16xf32>
      %add3A_255 = arith.addf %add3A_243, %bitcast3A_254 : vector<16xf32>
      %add3A_256 = arith.constant 96 : i32
      %add3A_257 = arith.addi %multiple_of3A_184, %add3A_256 : i32
      %get3A_258 = arith.index_cast %add3A_257 : i32 to index
      %get3A_259 = tpu.vector_load %arg6[%get3A_258] {strides = array<i32>} : memref<25616xi32, #tpu.memory_space<vmem>>, vector<16xi32>,
      %shift_left3A_260 = vector.broadcast %scan3A_78 : i32 to vector<16xi32>
      %shift_left3A_261 = arith.shli %get3A_259, %shift_left3A_260 : vector<16xi32>
      %bitcast3A_262 = vector.bitcast %shift_left3A_261 : vector<16xi32> to vector<16xf32>
      %add3A_263 = arith.addf %add3A_251, %bitcast3A_262 : vector<16xf32>
      %and3A_264 = vector.broadcast %scan3A_79 : i32 to vector<16xi32>
      %and3A_265 = arith.andi %get3A_259, %and3A_264 : vector<16xi32>
      %bitcast3A_266 = vector.bitcast %and3A_265 : vector<16xi32> to vector<16xf32>
      %add3A_267 = arith.addf %add3A_255, %bitcast3A_266 : vector<16xf32>
      %add3A_268 = arith.constant 112 : i32
      %add3A_269 = arith.addi %multiple_of3A_184, %add3A_268 : i32
      %get3A_270 = arith.index_cast %add3A_269 : i32 to index
      %get3A_271 = tpu.vector_load %arg6[%get3A_270] {strides = array<i32>} : memref<25616xi32, #tpu.memory_space<vmem>>, vector<16xi32>,
      %shift_left3A_272 = vector.broadcast %scan3A_78 : i32 to vector<16xi32>
      %shift_left3A_273 = arith.shli %get3A_271, %shift_left3A_272 : vector<16xi32>
      %bitcast3A_274 = vector.bitcast %shift_left3A_273 : vector<16xi32> to vector<16xf32>
      %add3A_275 = arith.addf %add3A_263, %bitcast3A_274 : vector<16xf32>
      %and3A_276 = vector.broadcast %scan3A_79 : i32 to vector<16xi32>
      %and3A_277 = arith.andi %get3A_271, %and3A_276 : vector<16xi32>
      %bitcast3A_278 = vector.bitcast %and3A_277 : vector<16xi32> to vector<16xf32>
      %add3A_279 = arith.addf %add3A_267, %bitcast3A_278 : vector<16xf32>
      %add3A_280 = arith.constant 128 : i32
      %add3A_281 = arith.addi %multiple_of3A_184, %add3A_280 : i32
      %get3A_282 = arith.index_cast %add3A_281 : i32 to index
      %get3A_283 = tpu.vector_load %arg6[%get3A_282] {strides = array<i32>} : memref<25616xi32, #tpu.memory_space<vmem>>, vector<16xi32>,
      %shift_left3A_284 = vector.broadcast %scan3A_78 : i32 to vector<16xi32>
      %shift_left3A_285 = arith.shli %get3A_283, %shift_left3A_284 : vector<16xi32>
      %bitcast3A_286 = vector.bitcast %shift_left3A_285 : vector<16xi32> to vector<16xf32>
      %add3A_287 = arith.addf %add3A_275, %bitcast3A_286 : vector<16xf32>
      %and3A_288 = vector.broadcast %scan3A_79 : i32 to vector<16xi32>
      %and3A_289 = arith.andi %get3A_283, %and3A_288 : vector<16xi32>
      %bitcast3A_290 = vector.bitcast %and3A_289 : vector<16xi32> to vector<16xf32>
      %add3A_291 = arith.addf %add3A_279, %bitcast3A_290 : vector<16xf32>
      %add3A_292 = arith.constant 144 : i32
      %add3A_293 = arith.addi %multiple_of3A_184, %add3A_292 : i32
      %get3A_294 = arith.index_cast %add3A_293 : i32 to index
      %get3A_295 = tpu.vector_load %arg6[%get3A_294] {strides = array<i32>} : memref<25616xi32, #tpu.memory_space<vmem>>, vector<16xi32>,
      %shift_left3A_296 = vector.broadcast %scan3A_78 : i32 to vector<16xi32>
      %shift_left3A_297 = arith.shli %get3A_295, %shift_left3A_296 : vector<16xi32>
      %bitcast3A_298 = vector.bitcast %shift_left3A_297 : vector<16xi32> to vector<16xf32>
      %add3A_299 = arith.addf %add3A_287, %bitcast3A_298 : vector<16xf32>
      %and3A_300 = vector.broadcast %scan3A_79 : i32 to vector<16xi32>
      %and3A_301 = arith.andi %get3A_295, %and3A_300 : vector<16xi32>
      %bitcast3A_302 = vector.bitcast %and3A_301 : vector<16xi32> to vector<16xf32>
      %add3A_303 = arith.addf %add3A_291, %bitcast3A_302 : vector<16xf32>
      %add3A_304 = arith.constant 160 : i32
      %add3A_305 = arith.addi %multiple_of3A_184, %add3A_304 : i32
      %get3A_306 = arith.index_cast %add3A_305 : i32 to index
      %get3A_307 = tpu.vector_load %arg6[%get3A_306] {strides = array<i32>} : memref<25616xi32, #tpu.memory_space<vmem>>, vector<16xi32>,
      %shift_left3A_308 = vector.broadcast %scan3A_78 : i32 to vector<16xi32>
      %shift_left3A_309 = arith.shli %get3A_307, %shift_left3A_308 : vector<16xi32>
      %bitcast3A_310 = vector.bitcast %shift_left3A_309 : vector<16xi32> to vector<16xf32>
      %add3A_311 = arith.addf %add3A_299, %bitcast3A_310 : vector<16xf32>
      %and3A_312 = vector.broadcast %scan3A_79 : i32 to vector<16xi32>
      %and3A_313 = arith.andi %get3A_307, %and3A_312 : vector<16xi32>
      %bitcast3A_314 = vector.bitcast %and3A_313 : vector<16xi32> to vector<16xf32>
      %add3A_315 = arith.addf %add3A_303, %bitcast3A_314 : vector<16xf32>
      %add3A_316 = arith.constant 176 : i32
      %add3A_317 = arith.addi %multiple_of3A_184, %add3A_316 : i32
      %get3A_318 = arith.index_cast %add3A_317 : i32 to index
      %get3A_319 = tpu.vector_load %arg6[%get3A_318] {strides = array<i32>} : memref<25616xi32, #tpu.memory_space<vmem>>, vector<16xi32>,
      %shift_left3A_320 = vector.broadcast %scan3A_78 : i32 to vector<16xi32>
      %shift_left3A_321 = arith.shli %get3A_319, %shift_left3A_320 : vector<16xi32>
      %bitcast3A_322 = vector.bitcast %shift_left3A_321 : vector<16xi32> to vector<16xf32>
      %add3A_323 = arith.addf %add3A_311, %bitcast3A_322 : vector<16xf32>
      %and3A_324 = vector.broadcast %scan3A_79 : i32 to vector<16xi32>
      %and3A_325 = arith.andi %get3A_319, %and3A_324 : vector<16xi32>
      %bitcast3A_326 = vector.bitcast %and3A_325 : vector<16xi32> to vector<16xf32>
      %add3A_327 = arith.addf %add3A_315, %bitcast3A_326 : vector<16xf32>
      %add3A_328 = arith.constant 192 : i32
      %add3A_329 = arith.addi %multiple_of3A_184, %add3A_328 : i32
      %get3A_330 = arith.index_cast %add3A_329 : i32 to index
      %get3A_331 = tpu.vector_load %arg6[%get3A_330] {strides = array<i32>} : memref<25616xi32, #tpu.memory_space<vmem>>, vector<16xi32>,
      %jit3A = arith.constant 0 : i32
      %broadcast_in_dim3A_332 = vector.broadcast %jit3A : i32 to vector<16xi32>
      %select_n3A = arith.select %lt3A_53, %get3A_331, %broadcast_in_dim3A_332 : vector<16xi1>, vector<16xi32>
      %shift_left3A_333 = vector.broadcast %scan3A_78 : i32 to vector<16xi32>
      %shift_left3A_334 = arith.shli %select_n3A, %shift_left3A_333 : vector<16xi32>
      %bitcast3A_335 = vector.bitcast %shift_left3A_334 : vector<16xi32> to vector<16xf32>
      %add3A_336 = arith.addf %add3A_323, %bitcast3A_335 : vector<16xf32>
      %and3A_337 = vector.broadcast %scan3A_79 : i32 to vector<16xi32>
      %and3A_338 = arith.andi %select_n3A, %and3A_337 : vector<16xi32>
      %bitcast3A_339 = vector.bitcast %and3A_338 : vector<16xi32> to vector<16xf32>
      %add3A_340 = arith.addf %add3A_327, %bitcast3A_339 : vector<16xf32>
      %swap3A = arith.index_cast %scan3A_181 : i32 to index
      %swap3A_341 = arith.constant 0 : index
      %swap3A_342 = tpu.vector_load %arg7[%swap3A, %swap3A_341] {strides = array<i32>} : memref<128x32xf32, #tpu.memory_space<vmem>>, vector<16xf32>,
      tpu.vector_store %arg7[%swap3A, %swap3A_341], %add3A_336 {strides = array<i32>} : memref<128x32xf32, #tpu.memory_space<vmem>>, vector<16xf32>,
      %swap3A_343 = arith.index_cast %scan3A_181 : i32 to index
      %swap3A_344 = arith.constant 16 : index
      %swap3A_345 = tpu.vector_load %arg7[%swap3A_343, %swap3A_344] {strides = array<i32>} : memref<128x32xf32, #tpu.memory_space<vmem>>, vector<16xf32>,
      tpu.vector_store %arg7[%swap3A_343, %swap3A_344], %add3A_340 {strides = array<i32>} : memref<128x32xf32, #tpu.memory_space<vmem>>, vector<16xf32>,
    }
    %scan3A_84 = arith.constant 16 : i32
    %dma_wait3A_85 = arith.constant 6400 : i32
    %dma_wait3A_86 = tpu.memref_slice %arg6[%dma_wait3A_85] : memref<25616xi32, #tpu.memory_space<vmem>> -> memref<3200xi32, #tpu.memory_space<vmem>>
    %dma_wait3A_87 = arith.constant 0 : i32
    %dma_wait3A_88 = tpu.memref_slice %arg3[%dma_wait3A_87] : memref<1000000xi32, #tpu.memory_space<hbm>> -> memref<3200xi32, #tpu.memory_space<hbm>>
    %dma_wait3A_89 = arith.constant 6400 : i32
    %dma_wait3A_90 = tpu.memref_slice %arg6[%dma_wait3A_89] : memref<25616xi32, #tpu.memory_space<vmem>> -> memref<3200xi32, #tpu.memory_space<vmem>>
    %dma_wait3A_91 = arith.constant 0 : i32
    %dma_wait3A_92 = tpu.memref_slice %arg3[%dma_wait3A_91] : memref<1000000xi32, #tpu.memory_space<hbm>> -> memref<3200xi32, #tpu.memory_space<hbm>>
    tpu.wait_dma2 semaphore(%arg10 : memref<!tpu.dma_semaphore, #tpu.memory_space<semaphore_mem>>) src(%dma_wait3A_92 : memref<3200xi32, #tpu.memory_space<hbm>>) dst(%dma_wait3A_90 : memref<3200xi32, #tpu.memory_space<vmem>>)
    %scan3A_93 = arith.constant 0 : i32
    %scan3A_94 = arith.constant 16 : i32
    %scan3A_95 = arith.constant -65536 : i32
    %scan3A_96 = arith.constant 32 : i32
    %scan3A_97 = arith.constant 16 : i32
    %scan3A_98 = arith.addi %scan3A_96, %scan3A_97 : i32
    %scan3A_99 = arith.constant 1 : i32
    scf.for %scan3A_181 = %scan3A_96 to %scan3A_98 step %scan3A_99  : i32 {
      %mul3A_182 = arith.constant 200 : i32
      %mul3A_183 = arith.muli %scan3A_181, %mul3A_182 : i32
      %multiple_of3A_184 = tpu.assume_multiple %mul3A_183, 8 : i32
      %broadcast_in_dim3A = arith.constant 0.000000e+00 : f32
      %broadcast_in_dim3A_185 = vector.broadcast %broadcast_in_dim3A : f32 to vector<16xf32>
      %broadcast_in_dim3A_186 = arith.constant 0.000000e+00 : f32
      %broadcast_in_dim3A_187 = vector.broadcast %broadcast_in_dim3A_186 : f32 to vector<16xf32>
      %add3A_188 = arith.constant 0 : i32
      %add3A_189 = arith.addi %multiple_of3A_184, %add3A_188 : i32
      %get3A = arith.index_cast %add3A_189 : i32 to index
      %get3A_190 = tpu.vector_load %arg6[%get3A] {strides = array<i32>} : memref<25616xi32, #tpu.memory_space<vmem>>, vector<16xi32>,
      %shift_left3A = vector.broadcast %scan3A_94 : i32 to vector<16xi32>
      %shift_left3A_191 = arith.shli %get3A_190, %shift_left3A : vector<16xi32>
      %bitcast3A = vector.bitcast %shift_left3A_191 : vector<16xi32> to vector<16xf32>
      %add3A_192 = arith.addf %broadcast_in_dim3A_185, %bitcast3A : vector<16xf32>
      %and3A = vector.broadcast %scan3A_95 : i32 to vector<16xi32>
      %and3A_193 = arith.andi %get3A_190, %and3A : vector<16xi32>
      %bitcast3A_194 = vector.bitcast %and3A_193 : vector<16xi32> to vector<16xf32>
      %add3A_195 = arith.addf %broadcast_in_dim3A_187, %bitcast3A_194 : vector<16xf32>
      %add3A_196 = arith.constant 16 : i32
      %add3A_197 = arith.addi %multiple_of3A_184, %add3A_196 : i32
      %get3A_198 = arith.index_cast %add3A_197 : i32 to index
      %get3A_199 = tpu.vector_load %arg6[%get3A_198] {strides = array<i32>} : memref<25616xi32, #tpu.memory_space<vmem>>, vector<16xi32>,
      %shift_left3A_200 = vector.broadcast %scan3A_94 : i32 to vector<16xi32>
      %shift_left3A_201 = arith.shli %get3A_199, %shift_left3A_200 : vector<16xi32>
      %bitcast3A_202 = vector.bitcast %shift_left3A_201 : vector<16xi32> to vector<16xf32>
      %add3A_203 = arith.addf %add3A_192, %bitcast3A_202 : vector<16xf32>
      %and3A_204 = vector.broadcast %scan3A_95 : i32 to vector<16xi32>
      %and3A_205 = arith.andi %get3A_199, %and3A_204 : vector<16xi32>
      %bitcast3A_206 = vector.bitcast %and3A_205 : vector<16xi32> to vector<16xf32>
      %add3A_207 = arith.addf %add3A_195, %bitcast3A_206 : vector<16xf32>
      %add3A_208 = arith.constant 32 : i32
      %add3A_209 = arith.addi %multiple_of3A_184, %add3A_208 : i32
      %get3A_210 = arith.index_cast %add3A_209 : i32 to index
      %get3A_211 = tpu.vector_load %arg6[%get3A_210] {strides = array<i32>} : memref<25616xi32, #tpu.memory_space<vmem>>, vector<16xi32>,
      %shift_left3A_212 = vector.broadcast %scan3A_94 : i32 to vector<16xi32>
      %shift_left3A_213 = arith.shli %get3A_211, %shift_left3A_212 : vector<16xi32>
      %bitcast3A_214 = vector.bitcast %shift_left3A_213 : vector<16xi32> to vector<16xf32>
      %add3A_215 = arith.addf %add3A_203, %bitcast3A_214 : vector<16xf32>
      %and3A_216 = vector.broadcast %scan3A_95 : i32 to vector<16xi32>
      %and3A_217 = arith.andi %get3A_211, %and3A_216 : vector<16xi32>
      %bitcast3A_218 = vector.bitcast %and3A_217 : vector<16xi32> to vector<16xf32>
      %add3A_219 = arith.addf %add3A_207, %bitcast3A_218 : vector<16xf32>
      %add3A_220 = arith.constant 48 : i32
      %add3A_221 = arith.addi %multiple_of3A_184, %add3A_220 : i32
      %get3A_222 = arith.index_cast %add3A_221 : i32 to index
      %get3A_223 = tpu.vector_load %arg6[%get3A_222] {strides = array<i32>} : memref<25616xi32, #tpu.memory_space<vmem>>, vector<16xi32>,
      %shift_left3A_224 = vector.broadcast %scan3A_94 : i32 to vector<16xi32>
      %shift_left3A_225 = arith.shli %get3A_223, %shift_left3A_224 : vector<16xi32>
      %bitcast3A_226 = vector.bitcast %shift_left3A_225 : vector<16xi32> to vector<16xf32>
      %add3A_227 = arith.addf %add3A_215, %bitcast3A_226 : vector<16xf32>
      %and3A_228 = vector.broadcast %scan3A_95 : i32 to vector<16xi32>
      %and3A_229 = arith.andi %get3A_223, %and3A_228 : vector<16xi32>
      %bitcast3A_230 = vector.bitcast %and3A_229 : vector<16xi32> to vector<16xf32>
      %add3A_231 = arith.addf %add3A_219, %bitcast3A_230 : vector<16xf32>
      %add3A_232 = arith.constant 64 : i32
      %add3A_233 = arith.addi %multiple_of3A_184, %add3A_232 : i32
      %get3A_234 = arith.index_cast %add3A_233 : i32 to index
      %get3A_235 = tpu.vector_load %arg6[%get3A_234] {strides = array<i32>} : memref<25616xi32, #tpu.memory_space<vmem>>, vector<16xi32>,
      %shift_left3A_236 = vector.broadcast %scan3A_94 : i32 to vector<16xi32>
      %shift_left3A_237 = arith.shli %get3A_235, %shift_left3A_236 : vector<16xi32>
      %bitcast3A_238 = vector.bitcast %shift_left3A_237 : vector<16xi32> to vector<16xf32>
      %add3A_239 = arith.addf %add3A_227, %bitcast3A_238 : vector<16xf32>
      %and3A_240 = vector.broadcast %scan3A_95 : i32 to vector<16xi32>
      %and3A_241 = arith.andi %get3A_235, %and3A_240 : vector<16xi32>
      %bitcast3A_242 = vector.bitcast %and3A_241 : vector<16xi32> to vector<16xf32>
      %add3A_243 = arith.addf %add3A_231, %bitcast3A_242 : vector<16xf32>
      %add3A_244 = arith.constant 80 : i32
      %add3A_245 = arith.addi %multiple_of3A_184, %add3A_244 : i32
      %get3A_246 = arith.index_cast %add3A_245 : i32 to index
      %get3A_247 = tpu.vector_load %arg6[%get3A_246] {strides = array<i32>} : memref<25616xi32, #tpu.memory_space<vmem>>, vector<16xi32>,
      %shift_left3A_248 = vector.broadcast %scan3A_94 : i32 to vector<16xi32>
      %shift_left3A_249 = arith.shli %get3A_247, %shift_left3A_248 : vector<16xi32>
      %bitcast3A_250 = vector.bitcast %shift_left3A_249 : vector<16xi32> to vector<16xf32>
      %add3A_251 = arith.addf %add3A_239, %bitcast3A_250 : vector<16xf32>
      %and3A_252 = vector.broadcast %scan3A_95 : i32 to vector<16xi32>
      %and3A_253 = arith.andi %get3A_247, %and3A_252 : vector<16xi32>
      %bitcast3A_254 = vector.bitcast %and3A_253 : vector<16xi32> to vector<16xf32>
      %add3A_255 = arith.addf %add3A_243, %bitcast3A_254 : vector<16xf32>
      %add3A_256 = arith.constant 96 : i32
      %add3A_257 = arith.addi %multiple_of3A_184, %add3A_256 : i32
      %get3A_258 = arith.index_cast %add3A_257 : i32 to index
      %get3A_259 = tpu.vector_load %arg6[%get3A_258] {strides = array<i32>} : memref<25616xi32, #tpu.memory_space<vmem>>, vector<16xi32>,
      %shift_left3A_260 = vector.broadcast %scan3A_94 : i32 to vector<16xi32>
      %shift_left3A_261 = arith.shli %get3A_259, %shift_left3A_260 : vector<16xi32>
      %bitcast3A_262 = vector.bitcast %shift_left3A_261 : vector<16xi32> to vector<16xf32>
      %add3A_263 = arith.addf %add3A_251, %bitcast3A_262 : vector<16xf32>
      %and3A_264 = vector.broadcast %scan3A_95 : i32 to vector<16xi32>
      %and3A_265 = arith.andi %get3A_259, %and3A_264 : vector<16xi32>
      %bitcast3A_266 = vector.bitcast %and3A_265 : vector<16xi32> to vector<16xf32>
      %add3A_267 = arith.addf %add3A_255, %bitcast3A_266 : vector<16xf32>
      %add3A_268 = arith.constant 112 : i32
      %add3A_269 = arith.addi %multiple_of3A_184, %add3A_268 : i32
      %get3A_270 = arith.index_cast %add3A_269 : i32 to index
      %get3A_271 = tpu.vector_load %arg6[%get3A_270] {strides = array<i32>} : memref<25616xi32, #tpu.memory_space<vmem>>, vector<16xi32>,
      %shift_left3A_272 = vector.broadcast %scan3A_94 : i32 to vector<16xi32>
      %shift_left3A_273 = arith.shli %get3A_271, %shift_left3A_272 : vector<16xi32>
      %bitcast3A_274 = vector.bitcast %shift_left3A_273 : vector<16xi32> to vector<16xf32>
      %add3A_275 = arith.addf %add3A_263, %bitcast3A_274 : vector<16xf32>
      %and3A_276 = vector.broadcast %scan3A_95 : i32 to vector<16xi32>
      %and3A_277 = arith.andi %get3A_271, %and3A_276 : vector<16xi32>
      %bitcast3A_278 = vector.bitcast %and3A_277 : vector<16xi32> to vector<16xf32>
      %add3A_279 = arith.addf %add3A_267, %bitcast3A_278 : vector<16xf32>
      %add3A_280 = arith.constant 128 : i32
      %add3A_281 = arith.addi %multiple_of3A_184, %add3A_280 : i32
      %get3A_282 = arith.index_cast %add3A_281 : i32 to index
      %get3A_283 = tpu.vector_load %arg6[%get3A_282] {strides = array<i32>} : memref<25616xi32, #tpu.memory_space<vmem>>, vector<16xi32>,
      %shift_left3A_284 = vector.broadcast %scan3A_94 : i32 to vector<16xi32>
      %shift_left3A_285 = arith.shli %get3A_283, %shift_left3A_284 : vector<16xi32>
      %bitcast3A_286 = vector.bitcast %shift_left3A_285 : vector<16xi32> to vector<16xf32>
      %add3A_287 = arith.addf %add3A_275, %bitcast3A_286 : vector<16xf32>
      %and3A_288 = vector.broadcast %scan3A_95 : i32 to vector<16xi32>
      %and3A_289 = arith.andi %get3A_283, %and3A_288 : vector<16xi32>
      %bitcast3A_290 = vector.bitcast %and3A_289 : vector<16xi32> to vector<16xf32>
      %add3A_291 = arith.addf %add3A_279, %bitcast3A_290 : vector<16xf32>
      %add3A_292 = arith.constant 144 : i32
      %add3A_293 = arith.addi %multiple_of3A_184, %add3A_292 : i32
      %get3A_294 = arith.index_cast %add3A_293 : i32 to index
      %get3A_295 = tpu.vector_load %arg6[%get3A_294] {strides = array<i32>} : memref<25616xi32, #tpu.memory_space<vmem>>, vector<16xi32>,
      %shift_left3A_296 = vector.broadcast %scan3A_94 : i32 to vector<16xi32>
      %shift_left3A_297 = arith.shli %get3A_295, %shift_left3A_296 : vector<16xi32>
      %bitcast3A_298 = vector.bitcast %shift_left3A_297 : vector<16xi32> to vector<16xf32>
      %add3A_299 = arith.addf %add3A_287, %bitcast3A_298 : vector<16xf32>
      %and3A_300 = vector.broadcast %scan3A_95 : i32 to vector<16xi32>
      %and3A_301 = arith.andi %get3A_295, %and3A_300 : vector<16xi32>
      %bitcast3A_302 = vector.bitcast %and3A_301 : vector<16xi32> to vector<16xf32>
      %add3A_303 = arith.addf %add3A_291, %bitcast3A_302 : vector<16xf32>
      %add3A_304 = arith.constant 160 : i32
      %add3A_305 = arith.addi %multiple_of3A_184, %add3A_304 : i32
      %get3A_306 = arith.index_cast %add3A_305 : i32 to index
      %get3A_307 = tpu.vector_load %arg6[%get3A_306] {strides = array<i32>} : memref<25616xi32, #tpu.memory_space<vmem>>, vector<16xi32>,
      %shift_left3A_308 = vector.broadcast %scan3A_94 : i32 to vector<16xi32>
      %shift_left3A_309 = arith.shli %get3A_307, %shift_left3A_308 : vector<16xi32>
      %bitcast3A_310 = vector.bitcast %shift_left3A_309 : vector<16xi32> to vector<16xf32>
      %add3A_311 = arith.addf %add3A_299, %bitcast3A_310 : vector<16xf32>
      %and3A_312 = vector.broadcast %scan3A_95 : i32 to vector<16xi32>
      %and3A_313 = arith.andi %get3A_307, %and3A_312 : vector<16xi32>
      %bitcast3A_314 = vector.bitcast %and3A_313 : vector<16xi32> to vector<16xf32>
      %add3A_315 = arith.addf %add3A_303, %bitcast3A_314 : vector<16xf32>
      %add3A_316 = arith.constant 176 : i32
      %add3A_317 = arith.addi %multiple_of3A_184, %add3A_316 : i32
      %get3A_318 = arith.index_cast %add3A_317 : i32 to index
      %get3A_319 = tpu.vector_load %arg6[%get3A_318] {strides = array<i32>} : memref<25616xi32, #tpu.memory_space<vmem>>, vector<16xi32>,
      %shift_left3A_320 = vector.broadcast %scan3A_94 : i32 to vector<16xi32>
      %shift_left3A_321 = arith.shli %get3A_319, %shift_left3A_320 : vector<16xi32>
      %bitcast3A_322 = vector.bitcast %shift_left3A_321 : vector<16xi32> to vector<16xf32>
      %add3A_323 = arith.addf %add3A_311, %bitcast3A_322 : vector<16xf32>
      %and3A_324 = vector.broadcast %scan3A_95 : i32 to vector<16xi32>
      %and3A_325 = arith.andi %get3A_319, %and3A_324 : vector<16xi32>
      %bitcast3A_326 = vector.bitcast %and3A_325 : vector<16xi32> to vector<16xf32>
      %add3A_327 = arith.addf %add3A_315, %bitcast3A_326 : vector<16xf32>
      %add3A_328 = arith.constant 192 : i32
      %add3A_329 = arith.addi %multiple_of3A_184, %add3A_328 : i32
      %get3A_330 = arith.index_cast %add3A_329 : i32 to index
      %get3A_331 = tpu.vector_load %arg6[%get3A_330] {strides = array<i32>} : memref<25616xi32, #tpu.memory_space<vmem>>, vector<16xi32>,
      %jit3A = arith.constant 0 : i32
      %broadcast_in_dim3A_332 = vector.broadcast %jit3A : i32 to vector<16xi32>
      %select_n3A = arith.select %lt3A_53, %get3A_331, %broadcast_in_dim3A_332 : vector<16xi1>, vector<16xi32>
      %shift_left3A_333 = vector.broadcast %scan3A_94 : i32 to vector<16xi32>
      %shift_left3A_334 = arith.shli %select_n3A, %shift_left3A_333 : vector<16xi32>
      %bitcast3A_335 = vector.bitcast %shift_left3A_334 : vector<16xi32> to vector<16xf32>
      %add3A_336 = arith.addf %add3A_323, %bitcast3A_335 : vector<16xf32>
      %and3A_337 = vector.broadcast %scan3A_95 : i32 to vector<16xi32>
      %and3A_338 = arith.andi %select_n3A, %and3A_337 : vector<16xi32>
      %bitcast3A_339 = vector.bitcast %and3A_338 : vector<16xi32> to vector<16xf32>
      %add3A_340 = arith.addf %add3A_327, %bitcast3A_339 : vector<16xf32>
      %swap3A = arith.index_cast %scan3A_181 : i32 to index
      %swap3A_341 = arith.constant 0 : index
      %swap3A_342 = tpu.vector_load %arg7[%swap3A, %swap3A_341] {strides = array<i32>} : memref<128x32xf32, #tpu.memory_space<vmem>>, vector<16xf32>,
      tpu.vector_store %arg7[%swap3A, %swap3A_341], %add3A_336 {strides = array<i32>} : memref<128x32xf32, #tpu.memory_space<vmem>>, vector<16xf32>,
      %swap3A_343 = arith.index_cast %scan3A_181 : i32 to index
      %swap3A_344 = arith.constant 16 : index
      %swap3A_345 = tpu.vector_load %arg7[%swap3A_343, %swap3A_344] {strides = array<i32>} : memref<128x32xf32, #tpu.memory_space<vmem>>, vector<16xf32>,
      tpu.vector_store %arg7[%swap3A_343, %swap3A_344], %add3A_340 {strides = array<i32>} : memref<128x32xf32, #tpu.memory_space<vmem>>, vector<16xf32>,
    }
    %scan3A_100 = arith.constant 16 : i32
    %dma_wait3A_101 = arith.constant 9600 : i32
    %dma_wait3A_102 = tpu.memref_slice %arg6[%dma_wait3A_101] : memref<25616xi32, #tpu.memory_space<vmem>> -> memref<3200xi32, #tpu.memory_space<vmem>>
    %dma_wait3A_103 = arith.constant 0 : i32
    %dma_wait3A_104 = tpu.memref_slice %arg3[%dma_wait3A_103] : memref<1000000xi32, #tpu.memory_space<hbm>> -> memref<3200xi32, #tpu.memory_space<hbm>>
    %dma_wait3A_105 = arith.constant 9600 : i32
    %dma_wait3A_106 = tpu.memref_slice %arg6[%dma_wait3A_105] : memref<25616xi32, #tpu.memory_space<vmem>> -> memref<3200xi32, #tpu.memory_space<vmem>>
    %dma_wait3A_107 = arith.constant 0 : i32
    %dma_wait3A_108 = tpu.memref_slice %arg3[%dma_wait3A_107] : memref<1000000xi32, #tpu.memory_space<hbm>> -> memref<3200xi32, #tpu.memory_space<hbm>>
    tpu.wait_dma2 semaphore(%arg11 : memref<!tpu.dma_semaphore, #tpu.memory_space<semaphore_mem>>) src(%dma_wait3A_108 : memref<3200xi32, #tpu.memory_space<hbm>>) dst(%dma_wait3A_106 : memref<3200xi32, #tpu.memory_space<vmem>>)
    %scan3A_109 = arith.constant 0 : i32
    %scan3A_110 = arith.constant 16 : i32
    %scan3A_111 = arith.constant -65536 : i32
    %scan3A_112 = arith.constant 48 : i32
    %scan3A_113 = arith.constant 16 : i32
    %scan3A_114 = arith.addi %scan3A_112, %scan3A_113 : i32
    %scan3A_115 = arith.constant 1 : i32
    scf.for %scan3A_181 = %scan3A_112 to %scan3A_114 step %scan3A_115  : i32 {
      %mul3A_182 = arith.constant 200 : i32
      %mul3A_183 = arith.muli %scan3A_181, %mul3A_182 : i32
      %multiple_of3A_184 = tpu.assume_multiple %mul3A_183, 8 : i32
      %broadcast_in_dim3A = arith.constant 0.000000e+00 : f32
      %broadcast_in_dim3A_185 = vector.broadcast %broadcast_in_dim3A : f32 to vector<16xf32>
      %broadcast_in_dim3A_186 = arith.constant 0.000000e+00 : f32
      %broadcast_in_dim3A_187 = vector.broadcast %broadcast_in_dim3A_186 : f32 to vector<16xf32>
      %add3A_188 = arith.constant 0 : i32
      %add3A_189 = arith.addi %multiple_of3A_184, %add3A_188 : i32
      %get3A = arith.index_cast %add3A_189 : i32 to index
      %get3A_190 = tpu.vector_load %arg6[%get3A] {strides = array<i32>} : memref<25616xi32, #tpu.memory_space<vmem>>, vector<16xi32>,
      %shift_left3A = vector.broadcast %scan3A_110 : i32 to vector<16xi32>
      %shift_left3A_191 = arith.shli %get3A_190, %shift_left3A : vector<16xi32>
      %bitcast3A = vector.bitcast %shift_left3A_191 : vector<16xi32> to vector<16xf32>
      %add3A_192 = arith.addf %broadcast_in_dim3A_185, %bitcast3A : vector<16xf32>
      %and3A = vector.broadcast %scan3A_111 : i32 to vector<16xi32>
      %and3A_193 = arith.andi %get3A_190, %and3A : vector<16xi32>
      %bitcast3A_194 = vector.bitcast %and3A_193 : vector<16xi32> to vector<16xf32>
      %add3A_195 = arith.addf %broadcast_in_dim3A_187, %bitcast3A_194 : vector<16xf32>
      %add3A_196 = arith.constant 16 : i32
      %add3A_197 = arith.addi %multiple_of3A_184, %add3A_196 : i32
      %get3A_198 = arith.index_cast %add3A_197 : i32 to index
      %get3A_199 = tpu.vector_load %arg6[%get3A_198] {strides = array<i32>} : memref<25616xi32, #tpu.memory_space<vmem>>, vector<16xi32>,
      %shift_left3A_200 = vector.broadcast %scan3A_110 : i32 to vector<16xi32>
      %shift_left3A_201 = arith.shli %get3A_199, %shift_left3A_200 : vector<16xi32>
      %bitcast3A_202 = vector.bitcast %shift_left3A_201 : vector<16xi32> to vector<16xf32>
      %add3A_203 = arith.addf %add3A_192, %bitcast3A_202 : vector<16xf32>
      %and3A_204 = vector.broadcast %scan3A_111 : i32 to vector<16xi32>
      %and3A_205 = arith.andi %get3A_199, %and3A_204 : vector<16xi32>
      %bitcast3A_206 = vector.bitcast %and3A_205 : vector<16xi32> to vector<16xf32>
      %add3A_207 = arith.addf %add3A_195, %bitcast3A_206 : vector<16xf32>
      %add3A_208 = arith.constant 32 : i32
      %add3A_209 = arith.addi %multiple_of3A_184, %add3A_208 : i32
      %get3A_210 = arith.index_cast %add3A_209 : i32 to index
      %get3A_211 = tpu.vector_load %arg6[%get3A_210] {strides = array<i32>} : memref<25616xi32, #tpu.memory_space<vmem>>, vector<16xi32>,
      %shift_left3A_212 = vector.broadcast %scan3A_110 : i32 to vector<16xi32>
      %shift_left3A_213 = arith.shli %get3A_211, %shift_left3A_212 : vector<16xi32>
      %bitcast3A_214 = vector.bitcast %shift_left3A_213 : vector<16xi32> to vector<16xf32>
      %add3A_215 = arith.addf %add3A_203, %bitcast3A_214 : vector<16xf32>
      %and3A_216 = vector.broadcast %scan3A_111 : i32 to vector<16xi32>
      %and3A_217 = arith.andi %get3A_211, %and3A_216 : vector<16xi32>
      %bitcast3A_218 = vector.bitcast %and3A_217 : vector<16xi32> to vector<16xf32>
      %add3A_219 = arith.addf %add3A_207, %bitcast3A_218 : vector<16xf32>
      %add3A_220 = arith.constant 48 : i32
      %add3A_221 = arith.addi %multiple_of3A_184, %add3A_220 : i32
      %get3A_222 = arith.index_cast %add3A_221 : i32 to index
      %get3A_223 = tpu.vector_load %arg6[%get3A_222] {strides = array<i32>} : memref<25616xi32, #tpu.memory_space<vmem>>, vector<16xi32>,
      %shift_left3A_224 = vector.broadcast %scan3A_110 : i32 to vector<16xi32>
      %shift_left3A_225 = arith.shli %get3A_223, %shift_left3A_224 : vector<16xi32>
      %bitcast3A_226 = vector.bitcast %shift_left3A_225 : vector<16xi32> to vector<16xf32>
      %add3A_227 = arith.addf %add3A_215, %bitcast3A_226 : vector<16xf32>
      %and3A_228 = vector.broadcast %scan3A_111 : i32 to vector<16xi32>
      %and3A_229 = arith.andi %get3A_223, %and3A_228 : vector<16xi32>
      %bitcast3A_230 = vector.bitcast %and3A_229 : vector<16xi32> to vector<16xf32>
      %add3A_231 = arith.addf %add3A_219, %bitcast3A_230 : vector<16xf32>
      %add3A_232 = arith.constant 64 : i32
      %add3A_233 = arith.addi %multiple_of3A_184, %add3A_232 : i32
      %get3A_234 = arith.index_cast %add3A_233 : i32 to index
      %get3A_235 = tpu.vector_load %arg6[%get3A_234] {strides = array<i32>} : memref<25616xi32, #tpu.memory_space<vmem>>, vector<16xi32>,
      %shift_left3A_236 = vector.broadcast %scan3A_110 : i32 to vector<16xi32>
      %shift_left3A_237 = arith.shli %get3A_235, %shift_left3A_236 : vector<16xi32>
      %bitcast3A_238 = vector.bitcast %shift_left3A_237 : vector<16xi32> to vector<16xf32>
      %add3A_239 = arith.addf %add3A_227, %bitcast3A_238 : vector<16xf32>
      %and3A_240 = vector.broadcast %scan3A_111 : i32 to vector<16xi32>
      %and3A_241 = arith.andi %get3A_235, %and3A_240 : vector<16xi32>
      %bitcast3A_242 = vector.bitcast %and3A_241 : vector<16xi32> to vector<16xf32>
      %add3A_243 = arith.addf %add3A_231, %bitcast3A_242 : vector<16xf32>
      %add3A_244 = arith.constant 80 : i32
      %add3A_245 = arith.addi %multiple_of3A_184, %add3A_244 : i32
      %get3A_246 = arith.index_cast %add3A_245 : i32 to index
      %get3A_247 = tpu.vector_load %arg6[%get3A_246] {strides = array<i32>} : memref<25616xi32, #tpu.memory_space<vmem>>, vector<16xi32>,
      %shift_left3A_248 = vector.broadcast %scan3A_110 : i32 to vector<16xi32>
      %shift_left3A_249 = arith.shli %get3A_247, %shift_left3A_248 : vector<16xi32>
      %bitcast3A_250 = vector.bitcast %shift_left3A_249 : vector<16xi32> to vector<16xf32>
      %add3A_251 = arith.addf %add3A_239, %bitcast3A_250 : vector<16xf32>
      %and3A_252 = vector.broadcast %scan3A_111 : i32 to vector<16xi32>
      %and3A_253 = arith.andi %get3A_247, %and3A_252 : vector<16xi32>
      %bitcast3A_254 = vector.bitcast %and3A_253 : vector<16xi32> to vector<16xf32>
      %add3A_255 = arith.addf %add3A_243, %bitcast3A_254 : vector<16xf32>
      %add3A_256 = arith.constant 96 : i32
      %add3A_257 = arith.addi %multiple_of3A_184, %add3A_256 : i32
      %get3A_258 = arith.index_cast %add3A_257 : i32 to index
      %get3A_259 = tpu.vector_load %arg6[%get3A_258] {strides = array<i32>} : memref<25616xi32, #tpu.memory_space<vmem>>, vector<16xi32>,
      %shift_left3A_260 = vector.broadcast %scan3A_110 : i32 to vector<16xi32>
      %shift_left3A_261 = arith.shli %get3A_259, %shift_left3A_260 : vector<16xi32>
      %bitcast3A_262 = vector.bitcast %shift_left3A_261 : vector<16xi32> to vector<16xf32>
      %add3A_263 = arith.addf %add3A_251, %bitcast3A_262 : vector<16xf32>
      %and3A_264 = vector.broadcast %scan3A_111 : i32 to vector<16xi32>
      %and3A_265 = arith.andi %get3A_259, %and3A_264 : vector<16xi32>
      %bitcast3A_266 = vector.bitcast %and3A_265 : vector<16xi32> to vector<16xf32>
      %add3A_267 = arith.addf %add3A_255, %bitcast3A_266 : vector<16xf32>
      %add3A_268 = arith.constant 112 : i32
      %add3A_269 = arith.addi %multiple_of3A_184, %add3A_268 : i32
      %get3A_270 = arith.index_cast %add3A_269 : i32 to index
      %get3A_271 = tpu.vector_load %arg6[%get3A_270] {strides = array<i32>} : memref<25616xi32, #tpu.memory_space<vmem>>, vector<16xi32>,
      %shift_left3A_272 = vector.broadcast %scan3A_110 : i32 to vector<16xi32>
      %shift_left3A_273 = arith.shli %get3A_271, %shift_left3A_272 : vector<16xi32>
      %bitcast3A_274 = vector.bitcast %shift_left3A_273 : vector<16xi32> to vector<16xf32>
      %add3A_275 = arith.addf %add3A_263, %bitcast3A_274 : vector<16xf32>
      %and3A_276 = vector.broadcast %scan3A_111 : i32 to vector<16xi32>
      %and3A_277 = arith.andi %get3A_271, %and3A_276 : vector<16xi32>
      %bitcast3A_278 = vector.bitcast %and3A_277 : vector<16xi32> to vector<16xf32>
      %add3A_279 = arith.addf %add3A_267, %bitcast3A_278 : vector<16xf32>
      %add3A_280 = arith.constant 128 : i32
      %add3A_281 = arith.addi %multiple_of3A_184, %add3A_280 : i32
      %get3A_282 = arith.index_cast %add3A_281 : i32 to index
      %get3A_283 = tpu.vector_load %arg6[%get3A_282] {strides = array<i32>} : memref<25616xi32, #tpu.memory_space<vmem>>, vector<16xi32>,
      %shift_left3A_284 = vector.broadcast %scan3A_110 : i32 to vector<16xi32>
      %shift_left3A_285 = arith.shli %get3A_283, %shift_left3A_284 : vector<16xi32>
      %bitcast3A_286 = vector.bitcast %shift_left3A_285 : vector<16xi32> to vector<16xf32>
      %add3A_287 = arith.addf %add3A_275, %bitcast3A_286 : vector<16xf32>
      %and3A_288 = vector.broadcast %scan3A_111 : i32 to vector<16xi32>
      %and3A_289 = arith.andi %get3A_283, %and3A_288 : vector<16xi32>
      %bitcast3A_290 = vector.bitcast %and3A_289 : vector<16xi32> to vector<16xf32>
      %add3A_291 = arith.addf %add3A_279, %bitcast3A_290 : vector<16xf32>
      %add3A_292 = arith.constant 144 : i32
      %add3A_293 = arith.addi %multiple_of3A_184, %add3A_292 : i32
      %get3A_294 = arith.index_cast %add3A_293 : i32 to index
      %get3A_295 = tpu.vector_load %arg6[%get3A_294] {strides = array<i32>} : memref<25616xi32, #tpu.memory_space<vmem>>, vector<16xi32>,
      %shift_left3A_296 = vector.broadcast %scan3A_110 : i32 to vector<16xi32>
      %shift_left3A_297 = arith.shli %get3A_295, %shift_left3A_296 : vector<16xi32>
      %bitcast3A_298 = vector.bitcast %shift_left3A_297 : vector<16xi32> to vector<16xf32>
      %add3A_299 = arith.addf %add3A_287, %bitcast3A_298 : vector<16xf32>
      %and3A_300 = vector.broadcast %scan3A_111 : i32 to vector<16xi32>
      %and3A_301 = arith.andi %get3A_295, %and3A_300 : vector<16xi32>
      %bitcast3A_302 = vector.bitcast %and3A_301 : vector<16xi32> to vector<16xf32>
      %add3A_303 = arith.addf %add3A_291, %bitcast3A_302 : vector<16xf32>
      %add3A_304 = arith.constant 160 : i32
      %add3A_305 = arith.addi %multiple_of3A_184, %add3A_304 : i32
      %get3A_306 = arith.index_cast %add3A_305 : i32 to index
      %get3A_307 = tpu.vector_load %arg6[%get3A_306] {strides = array<i32>} : memref<25616xi32, #tpu.memory_space<vmem>>, vector<16xi32>,
      %shift_left3A_308 = vector.broadcast %scan3A_110 : i32 to vector<16xi32>
      %shift_left3A_309 = arith.shli %get3A_307, %shift_left3A_308 : vector<16xi32>
      %bitcast3A_310 = vector.bitcast %shift_left3A_309 : vector<16xi32> to vector<16xf32>
      %add3A_311 = arith.addf %add3A_299, %bitcast3A_310 : vector<16xf32>
      %and3A_312 = vector.broadcast %scan3A_111 : i32 to vector<16xi32>
      %and3A_313 = arith.andi %get3A_307, %and3A_312 : vector<16xi32>
      %bitcast3A_314 = vector.bitcast %and3A_313 : vector<16xi32> to vector<16xf32>
      %add3A_315 = arith.addf %add3A_303, %bitcast3A_314 : vector<16xf32>
      %add3A_316 = arith.constant 176 : i32
      %add3A_317 = arith.addi %multiple_of3A_184, %add3A_316 : i32
      %get3A_318 = arith.index_cast %add3A_317 : i32 to index
      %get3A_319 = tpu.vector_load %arg6[%get3A_318] {strides = array<i32>} : memref<25616xi32, #tpu.memory_space<vmem>>, vector<16xi32>,
      %shift_left3A_320 = vector.broadcast %scan3A_110 : i32 to vector<16xi32>
      %shift_left3A_321 = arith.shli %get3A_319, %shift_left3A_320 : vector<16xi32>
      %bitcast3A_322 = vector.bitcast %shift_left3A_321 : vector<16xi32> to vector<16xf32>
      %add3A_323 = arith.addf %add3A_311, %bitcast3A_322 : vector<16xf32>
      %and3A_324 = vector.broadcast %scan3A_111 : i32 to vector<16xi32>
      %and3A_325 = arith.andi %get3A_319, %and3A_324 : vector<16xi32>
      %bitcast3A_326 = vector.bitcast %and3A_325 : vector<16xi32> to vector<16xf32>
      %add3A_327 = arith.addf %add3A_315, %bitcast3A_326 : vector<16xf32>
      %add3A_328 = arith.constant 192 : i32
      %add3A_329 = arith.addi %multiple_of3A_184, %add3A_328 : i32
      %get3A_330 = arith.index_cast %add3A_329 : i32 to index
      %get3A_331 = tpu.vector_load %arg6[%get3A_330] {strides = array<i32>} : memref<25616xi32, #tpu.memory_space<vmem>>, vector<16xi32>,
      %jit3A = arith.constant 0 : i32
      %broadcast_in_dim3A_332 = vector.broadcast %jit3A : i32 to vector<16xi32>
      %select_n3A = arith.select %lt3A_53, %get3A_331, %broadcast_in_dim3A_332 : vector<16xi1>, vector<16xi32>
      %shift_left3A_333 = vector.broadcast %scan3A_110 : i32 to vector<16xi32>
      %shift_left3A_334 = arith.shli %select_n3A, %shift_left3A_333 : vector<16xi32>
      %bitcast3A_335 = vector.bitcast %shift_left3A_334 : vector<16xi32> to vector<16xf32>
      %add3A_336 = arith.addf %add3A_323, %bitcast3A_335 : vector<16xf32>
      %and3A_337 = vector.broadcast %scan3A_111 : i32 to vector<16xi32>
      %and3A_338 = arith.andi %select_n3A, %and3A_337 : vector<16xi32>
      %bitcast3A_339 = vector.bitcast %and3A_338 : vector<16xi32> to vector<16xf32>
      %add3A_340 = arith.addf %add3A_327, %bitcast3A_339 : vector<16xf32>
      %swap3A = arith.index_cast %scan3A_181 : i32 to index
      %swap3A_341 = arith.constant 0 : index
      %swap3A_342 = tpu.vector_load %arg7[%swap3A, %swap3A_341] {strides = array<i32>} : memref<128x32xf32, #tpu.memory_space<vmem>>, vector<16xf32>,
      tpu.vector_store %arg7[%swap3A, %swap3A_341], %add3A_336 {strides = array<i32>} : memref<128x32xf32, #tpu.memory_space<vmem>>, vector<16xf32>,
      %swap3A_343 = arith.index_cast %scan3A_181 : i32 to index
      %swap3A_344 = arith.constant 16 : index
      %swap3A_345 = tpu.vector_load %arg7[%swap3A_343, %swap3A_344] {strides = array<i32>} : memref<128x32xf32, #tpu.memory_space<vmem>>, vector<16xf32>,
      tpu.vector_store %arg7[%swap3A_343, %swap3A_344], %add3A_340 {strides = array<i32>} : memref<128x32xf32, #tpu.memory_space<vmem>>, vector<16xf32>,
    }
    %scan3A_116 = arith.constant 16 : i32
    %dma_wait3A_117 = arith.constant 12800 : i32
    %dma_wait3A_118 = tpu.memref_slice %arg6[%dma_wait3A_117] : memref<25616xi32, #tpu.memory_space<vmem>> -> memref<3200xi32, #tpu.memory_space<vmem>>
    %dma_wait3A_119 = arith.constant 0 : i32
    %dma_wait3A_120 = tpu.memref_slice %arg3[%dma_wait3A_119] : memref<1000000xi32, #tpu.memory_space<hbm>> -> memref<3200xi32, #tpu.memory_space<hbm>>
    %dma_wait3A_121 = arith.constant 12800 : i32
    %dma_wait3A_122 = tpu.memref_slice %arg6[%dma_wait3A_121] : memref<25616xi32, #tpu.memory_space<vmem>> -> memref<3200xi32, #tpu.memory_space<vmem>>
    %dma_wait3A_123 = arith.constant 0 : i32
    %dma_wait3A_124 = tpu.memref_slice %arg3[%dma_wait3A_123] : memref<1000000xi32, #tpu.memory_space<hbm>> -> memref<3200xi32, #tpu.memory_space<hbm>>
    tpu.wait_dma2 semaphore(%arg12 : memref<!tpu.dma_semaphore, #tpu.memory_space<semaphore_mem>>) src(%dma_wait3A_124 : memref<3200xi32, #tpu.memory_space<hbm>>) dst(%dma_wait3A_122 : memref<3200xi32, #tpu.memory_space<vmem>>)
    %scan3A_125 = arith.constant 0 : i32
    %scan3A_126 = arith.constant 16 : i32
    %scan3A_127 = arith.constant -65536 : i32
    %scan3A_128 = arith.constant 64 : i32
    %scan3A_129 = arith.constant 16 : i32
    %scan3A_130 = arith.addi %scan3A_128, %scan3A_129 : i32
    %scan3A_131 = arith.constant 1 : i32
    scf.for %scan3A_181 = %scan3A_128 to %scan3A_130 step %scan3A_131  : i32 {
      %mul3A_182 = arith.constant 200 : i32
      %mul3A_183 = arith.muli %scan3A_181, %mul3A_182 : i32
      %multiple_of3A_184 = tpu.assume_multiple %mul3A_183, 8 : i32
      %broadcast_in_dim3A = arith.constant 0.000000e+00 : f32
      %broadcast_in_dim3A_185 = vector.broadcast %broadcast_in_dim3A : f32 to vector<16xf32>
      %broadcast_in_dim3A_186 = arith.constant 0.000000e+00 : f32
      %broadcast_in_dim3A_187 = vector.broadcast %broadcast_in_dim3A_186 : f32 to vector<16xf32>
      %add3A_188 = arith.constant 0 : i32
      %add3A_189 = arith.addi %multiple_of3A_184, %add3A_188 : i32
      %get3A = arith.index_cast %add3A_189 : i32 to index
      %get3A_190 = tpu.vector_load %arg6[%get3A] {strides = array<i32>} : memref<25616xi32, #tpu.memory_space<vmem>>, vector<16xi32>,
      %shift_left3A = vector.broadcast %scan3A_126 : i32 to vector<16xi32>
      %shift_left3A_191 = arith.shli %get3A_190, %shift_left3A : vector<16xi32>
      %bitcast3A = vector.bitcast %shift_left3A_191 : vector<16xi32> to vector<16xf32>
      %add3A_192 = arith.addf %broadcast_in_dim3A_185, %bitcast3A : vector<16xf32>
      %and3A = vector.broadcast %scan3A_127 : i32 to vector<16xi32>
      %and3A_193 = arith.andi %get3A_190, %and3A : vector<16xi32>
      %bitcast3A_194 = vector.bitcast %and3A_193 : vector<16xi32> to vector<16xf32>
      %add3A_195 = arith.addf %broadcast_in_dim3A_187, %bitcast3A_194 : vector<16xf32>
      %add3A_196 = arith.constant 16 : i32
      %add3A_197 = arith.addi %multiple_of3A_184, %add3A_196 : i32
      %get3A_198 = arith.index_cast %add3A_197 : i32 to index
      %get3A_199 = tpu.vector_load %arg6[%get3A_198] {strides = array<i32>} : memref<25616xi32, #tpu.memory_space<vmem>>, vector<16xi32>,
      %shift_left3A_200 = vector.broadcast %scan3A_126 : i32 to vector<16xi32>
      %shift_left3A_201 = arith.shli %get3A_199, %shift_left3A_200 : vector<16xi32>
      %bitcast3A_202 = vector.bitcast %shift_left3A_201 : vector<16xi32> to vector<16xf32>
      %add3A_203 = arith.addf %add3A_192, %bitcast3A_202 : vector<16xf32>
      %and3A_204 = vector.broadcast %scan3A_127 : i32 to vector<16xi32>
      %and3A_205 = arith.andi %get3A_199, %and3A_204 : vector<16xi32>
      %bitcast3A_206 = vector.bitcast %and3A_205 : vector<16xi32> to vector<16xf32>
      %add3A_207 = arith.addf %add3A_195, %bitcast3A_206 : vector<16xf32>
      %add3A_208 = arith.constant 32 : i32
      %add3A_209 = arith.addi %multiple_of3A_184, %add3A_208 : i32
      %get3A_210 = arith.index_cast %add3A_209 : i32 to index
      %get3A_211 = tpu.vector_load %arg6[%get3A_210] {strides = array<i32>} : memref<25616xi32, #tpu.memory_space<vmem>>, vector<16xi32>,
      %shift_left3A_212 = vector.broadcast %scan3A_126 : i32 to vector<16xi32>
      %shift_left3A_213 = arith.shli %get3A_211, %shift_left3A_212 : vector<16xi32>
      %bitcast3A_214 = vector.bitcast %shift_left3A_213 : vector<16xi32> to vector<16xf32>
      %add3A_215 = arith.addf %add3A_203, %bitcast3A_214 : vector<16xf32>
      %and3A_216 = vector.broadcast %scan3A_127 : i32 to vector<16xi32>
      %and3A_217 = arith.andi %get3A_211, %and3A_216 : vector<16xi32>
      %bitcast3A_218 = vector.bitcast %and3A_217 : vector<16xi32> to vector<16xf32>
      %add3A_219 = arith.addf %add3A_207, %bitcast3A_218 : vector<16xf32>
      %add3A_220 = arith.constant 48 : i32
      %add3A_221 = arith.addi %multiple_of3A_184, %add3A_220 : i32
      %get3A_222 = arith.index_cast %add3A_221 : i32 to index
      %get3A_223 = tpu.vector_load %arg6[%get3A_222] {strides = array<i32>} : memref<25616xi32, #tpu.memory_space<vmem>>, vector<16xi32>,
      %shift_left3A_224 = vector.broadcast %scan3A_126 : i32 to vector<16xi32>
      %shift_left3A_225 = arith.shli %get3A_223, %shift_left3A_224 : vector<16xi32>
      %bitcast3A_226 = vector.bitcast %shift_left3A_225 : vector<16xi32> to vector<16xf32>
      %add3A_227 = arith.addf %add3A_215, %bitcast3A_226 : vector<16xf32>
      %and3A_228 = vector.broadcast %scan3A_127 : i32 to vector<16xi32>
      %and3A_229 = arith.andi %get3A_223, %and3A_228 : vector<16xi32>
      %bitcast3A_230 = vector.bitcast %and3A_229 : vector<16xi32> to vector<16xf32>
      %add3A_231 = arith.addf %add3A_219, %bitcast3A_230 : vector<16xf32>
      %add3A_232 = arith.constant 64 : i32
      %add3A_233 = arith.addi %multiple_of3A_184, %add3A_232 : i32
      %get3A_234 = arith.index_cast %add3A_233 : i32 to index
      %get3A_235 = tpu.vector_load %arg6[%get3A_234] {strides = array<i32>} : memref<25616xi32, #tpu.memory_space<vmem>>, vector<16xi32>,
      %shift_left3A_236 = vector.broadcast %scan3A_126 : i32 to vector<16xi32>
      %shift_left3A_237 = arith.shli %get3A_235, %shift_left3A_236 : vector<16xi32>
      %bitcast3A_238 = vector.bitcast %shift_left3A_237 : vector<16xi32> to vector<16xf32>
      %add3A_239 = arith.addf %add3A_227, %bitcast3A_238 : vector<16xf32>
      %and3A_240 = vector.broadcast %scan3A_127 : i32 to vector<16xi32>
      %and3A_241 = arith.andi %get3A_235, %and3A_240 : vector<16xi32>
      %bitcast3A_242 = vector.bitcast %and3A_241 : vector<16xi32> to vector<16xf32>
      %add3A_243 = arith.addf %add3A_231, %bitcast3A_242 : vector<16xf32>
      %add3A_244 = arith.constant 80 : i32
      %add3A_245 = arith.addi %multiple_of3A_184, %add3A_244 : i32
      %get3A_246 = arith.index_cast %add3A_245 : i32 to index
      %get3A_247 = tpu.vector_load %arg6[%get3A_246] {strides = array<i32>} : memref<25616xi32, #tpu.memory_space<vmem>>, vector<16xi32>,
      %shift_left3A_248 = vector.broadcast %scan3A_126 : i32 to vector<16xi32>
      %shift_left3A_249 = arith.shli %get3A_247, %shift_left3A_248 : vector<16xi32>
      %bitcast3A_250 = vector.bitcast %shift_left3A_249 : vector<16xi32> to vector<16xf32>
      %add3A_251 = arith.addf %add3A_239, %bitcast3A_250 : vector<16xf32>
      %and3A_252 = vector.broadcast %scan3A_127 : i32 to vector<16xi32>
      %and3A_253 = arith.andi %get3A_247, %and3A_252 : vector<16xi32>
      %bitcast3A_254 = vector.bitcast %and3A_253 : vector<16xi32> to vector<16xf32>
      %add3A_255 = arith.addf %add3A_243, %bitcast3A_254 : vector<16xf32>
      %add3A_256 = arith.constant 96 : i32
      %add3A_257 = arith.addi %multiple_of3A_184, %add3A_256 : i32
      %get3A_258 = arith.index_cast %add3A_257 : i32 to index
      %get3A_259 = tpu.vector_load %arg6[%get3A_258] {strides = array<i32>} : memref<25616xi32, #tpu.memory_space<vmem>>, vector<16xi32>,
      %shift_left3A_260 = vector.broadcast %scan3A_126 : i32 to vector<16xi32>
      %shift_left3A_261 = arith.shli %get3A_259, %shift_left3A_260 : vector<16xi32>
      %bitcast3A_262 = vector.bitcast %shift_left3A_261 : vector<16xi32> to vector<16xf32>
      %add3A_263 = arith.addf %add3A_251, %bitcast3A_262 : vector<16xf32>
      %and3A_264 = vector.broadcast %scan3A_127 : i32 to vector<16xi32>
      %and3A_265 = arith.andi %get3A_259, %and3A_264 : vector<16xi32>
      %bitcast3A_266 = vector.bitcast %and3A_265 : vector<16xi32> to vector<16xf32>
      %add3A_267 = arith.addf %add3A_255, %bitcast3A_266 : vector<16xf32>
      %add3A_268 = arith.constant 112 : i32
      %add3A_269 = arith.addi %multiple_of3A_184, %add3A_268 : i32
      %get3A_270 = arith.index_cast %add3A_269 : i32 to index
      %get3A_271 = tpu.vector_load %arg6[%get3A_270] {strides = array<i32>} : memref<25616xi32, #tpu.memory_space<vmem>>, vector<16xi32>,
      %shift_left3A_272 = vector.broadcast %scan3A_126 : i32 to vector<16xi32>
      %shift_left3A_273 = arith.shli %get3A_271, %shift_left3A_272 : vector<16xi32>
      %bitcast3A_274 = vector.bitcast %shift_left3A_273 : vector<16xi32> to vector<16xf32>
      %add3A_275 = arith.addf %add3A_263, %bitcast3A_274 : vector<16xf32>
      %and3A_276 = vector.broadcast %scan3A_127 : i32 to vector<16xi32>
      %and3A_277 = arith.andi %get3A_271, %and3A_276 : vector<16xi32>
      %bitcast3A_278 = vector.bitcast %and3A_277 : vector<16xi32> to vector<16xf32>
      %add3A_279 = arith.addf %add3A_267, %bitcast3A_278 : vector<16xf32>
      %add3A_280 = arith.constant 128 : i32
      %add3A_281 = arith.addi %multiple_of3A_184, %add3A_280 : i32
      %get3A_282 = arith.index_cast %add3A_281 : i32 to index
      %get3A_283 = tpu.vector_load %arg6[%get3A_282] {strides = array<i32>} : memref<25616xi32, #tpu.memory_space<vmem>>, vector<16xi32>,
      %shift_left3A_284 = vector.broadcast %scan3A_126 : i32 to vector<16xi32>
      %shift_left3A_285 = arith.shli %get3A_283, %shift_left3A_284 : vector<16xi32>
      %bitcast3A_286 = vector.bitcast %shift_left3A_285 : vector<16xi32> to vector<16xf32>
      %add3A_287 = arith.addf %add3A_275, %bitcast3A_286 : vector<16xf32>
      %and3A_288 = vector.broadcast %scan3A_127 : i32 to vector<16xi32>
      %and3A_289 = arith.andi %get3A_283, %and3A_288 : vector<16xi32>
      %bitcast3A_290 = vector.bitcast %and3A_289 : vector<16xi32> to vector<16xf32>
      %add3A_291 = arith.addf %add3A_279, %bitcast3A_290 : vector<16xf32>
      %add3A_292 = arith.constant 144 : i32
      %add3A_293 = arith.addi %multiple_of3A_184, %add3A_292 : i32
      %get3A_294 = arith.index_cast %add3A_293 : i32 to index
      %get3A_295 = tpu.vector_load %arg6[%get3A_294] {strides = array<i32>} : memref<25616xi32, #tpu.memory_space<vmem>>, vector<16xi32>,
      %shift_left3A_296 = vector.broadcast %scan3A_126 : i32 to vector<16xi32>
      %shift_left3A_297 = arith.shli %get3A_295, %shift_left3A_296 : vector<16xi32>
      %bitcast3A_298 = vector.bitcast %shift_left3A_297 : vector<16xi32> to vector<16xf32>
      %add3A_299 = arith.addf %add3A_287, %bitcast3A_298 : vector<16xf32>
      %and3A_300 = vector.broadcast %scan3A_127 : i32 to vector<16xi32>
      %and3A_301 = arith.andi %get3A_295, %and3A_300 : vector<16xi32>
      %bitcast3A_302 = vector.bitcast %and3A_301 : vector<16xi32> to vector<16xf32>
      %add3A_303 = arith.addf %add3A_291, %bitcast3A_302 : vector<16xf32>
      %add3A_304 = arith.constant 160 : i32
      %add3A_305 = arith.addi %multiple_of3A_184, %add3A_304 : i32
      %get3A_306 = arith.index_cast %add3A_305 : i32 to index
      %get3A_307 = tpu.vector_load %arg6[%get3A_306] {strides = array<i32>} : memref<25616xi32, #tpu.memory_space<vmem>>, vector<16xi32>,
      %shift_left3A_308 = vector.broadcast %scan3A_126 : i32 to vector<16xi32>
      %shift_left3A_309 = arith.shli %get3A_307, %shift_left3A_308 : vector<16xi32>
      %bitcast3A_310 = vector.bitcast %shift_left3A_309 : vector<16xi32> to vector<16xf32>
      %add3A_311 = arith.addf %add3A_299, %bitcast3A_310 : vector<16xf32>
      %and3A_312 = vector.broadcast %scan3A_127 : i32 to vector<16xi32>
      %and3A_313 = arith.andi %get3A_307, %and3A_312 : vector<16xi32>
      %bitcast3A_314 = vector.bitcast %and3A_313 : vector<16xi32> to vector<16xf32>
      %add3A_315 = arith.addf %add3A_303, %bitcast3A_314 : vector<16xf32>
      %add3A_316 = arith.constant 176 : i32
      %add3A_317 = arith.addi %multiple_of3A_184, %add3A_316 : i32
      %get3A_318 = arith.index_cast %add3A_317 : i32 to index
      %get3A_319 = tpu.vector_load %arg6[%get3A_318] {strides = array<i32>} : memref<25616xi32, #tpu.memory_space<vmem>>, vector<16xi32>,
      %shift_left3A_320 = vector.broadcast %scan3A_126 : i32 to vector<16xi32>
      %shift_left3A_321 = arith.shli %get3A_319, %shift_left3A_320 : vector<16xi32>
      %bitcast3A_322 = vector.bitcast %shift_left3A_321 : vector<16xi32> to vector<16xf32>
      %add3A_323 = arith.addf %add3A_311, %bitcast3A_322 : vector<16xf32>
      %and3A_324 = vector.broadcast %scan3A_127 : i32 to vector<16xi32>
      %and3A_325 = arith.andi %get3A_319, %and3A_324 : vector<16xi32>
      %bitcast3A_326 = vector.bitcast %and3A_325 : vector<16xi32> to vector<16xf32>
      %add3A_327 = arith.addf %add3A_315, %bitcast3A_326 : vector<16xf32>
      %add3A_328 = arith.constant 192 : i32
      %add3A_329 = arith.addi %multiple_of3A_184, %add3A_328 : i32
      %get3A_330 = arith.index_cast %add3A_329 : i32 to index
      %get3A_331 = tpu.vector_load %arg6[%get3A_330] {strides = array<i32>} : memref<25616xi32, #tpu.memory_space<vmem>>, vector<16xi32>,
      %jit3A = arith.constant 0 : i32
      %broadcast_in_dim3A_332 = vector.broadcast %jit3A : i32 to vector<16xi32>
      %select_n3A = arith.select %lt3A_53, %get3A_331, %broadcast_in_dim3A_332 : vector<16xi1>, vector<16xi32>
      %shift_left3A_333 = vector.broadcast %scan3A_126 : i32 to vector<16xi32>
      %shift_left3A_334 = arith.shli %select_n3A, %shift_left3A_333 : vector<16xi32>
      %bitcast3A_335 = vector.bitcast %shift_left3A_334 : vector<16xi32> to vector<16xf32>
      %add3A_336 = arith.addf %add3A_323, %bitcast3A_335 : vector<16xf32>
      %and3A_337 = vector.broadcast %scan3A_127 : i32 to vector<16xi32>
      %and3A_338 = arith.andi %select_n3A, %and3A_337 : vector<16xi32>
      %bitcast3A_339 = vector.bitcast %and3A_338 : vector<16xi32> to vector<16xf32>
      %add3A_340 = arith.addf %add3A_327, %bitcast3A_339 : vector<16xf32>
      %swap3A = arith.index_cast %scan3A_181 : i32 to index
      %swap3A_341 = arith.constant 0 : index
      %swap3A_342 = tpu.vector_load %arg7[%swap3A, %swap3A_341] {strides = array<i32>} : memref<128x32xf32, #tpu.memory_space<vmem>>, vector<16xf32>,
      tpu.vector_store %arg7[%swap3A, %swap3A_341], %add3A_336 {strides = array<i32>} : memref<128x32xf32, #tpu.memory_space<vmem>>, vector<16xf32>,
      %swap3A_343 = arith.index_cast %scan3A_181 : i32 to index
      %swap3A_344 = arith.constant 16 : index
      %swap3A_345 = tpu.vector_load %arg7[%swap3A_343, %swap3A_344] {strides = array<i32>} : memref<128x32xf32, #tpu.memory_space<vmem>>, vector<16xf32>,
      tpu.vector_store %arg7[%swap3A_343, %swap3A_344], %add3A_340 {strides = array<i32>} : memref<128x32xf32, #tpu.memory_space<vmem>>, vector<16xf32>,
    }
    %scan3A_132 = arith.constant 16 : i32
    %dma_wait3A_133 = arith.constant 16000 : i32
    %dma_wait3A_134 = tpu.memref_slice %arg6[%dma_wait3A_133] : memref<25616xi32, #tpu.memory_space<vmem>> -> memref<3200xi32, #tpu.memory_space<vmem>>
    %dma_wait3A_135 = arith.constant 0 : i32
    %dma_wait3A_136 = tpu.memref_slice %arg3[%dma_wait3A_135] : memref<1000000xi32, #tpu.memory_space<hbm>> -> memref<3200xi32, #tpu.memory_space<hbm>>
    %dma_wait3A_137 = arith.constant 16000 : i32
    %dma_wait3A_138 = tpu.memref_slice %arg6[%dma_wait3A_137] : memref<25616xi32, #tpu.memory_space<vmem>> -> memref<3200xi32, #tpu.memory_space<vmem>>
    %dma_wait3A_139 = arith.constant 0 : i32
    %dma_wait3A_140 = tpu.memref_slice %arg3[%dma_wait3A_139] : memref<1000000xi32, #tpu.memory_space<hbm>> -> memref<3200xi32, #tpu.memory_space<hbm>>
    tpu.wait_dma2 semaphore(%arg13 : memref<!tpu.dma_semaphore, #tpu.memory_space<semaphore_mem>>) src(%dma_wait3A_140 : memref<3200xi32, #tpu.memory_space<hbm>>) dst(%dma_wait3A_138 : memref<3200xi32, #tpu.memory_space<vmem>>)
    %scan3A_141 = arith.constant 0 : i32
    %scan3A_142 = arith.constant 16 : i32
    %scan3A_143 = arith.constant -65536 : i32
    %scan3A_144 = arith.constant 80 : i32
    %scan3A_145 = arith.constant 16 : i32
    %scan3A_146 = arith.addi %scan3A_144, %scan3A_145 : i32
    %scan3A_147 = arith.constant 1 : i32
    scf.for %scan3A_181 = %scan3A_144 to %scan3A_146 step %scan3A_147  : i32 {
      %mul3A_182 = arith.constant 200 : i32
      %mul3A_183 = arith.muli %scan3A_181, %mul3A_182 : i32
      %multiple_of3A_184 = tpu.assume_multiple %mul3A_183, 8 : i32
      %broadcast_in_dim3A = arith.constant 0.000000e+00 : f32
      %broadcast_in_dim3A_185 = vector.broadcast %broadcast_in_dim3A : f32 to vector<16xf32>
      %broadcast_in_dim3A_186 = arith.constant 0.000000e+00 : f32
      %broadcast_in_dim3A_187 = vector.broadcast %broadcast_in_dim3A_186 : f32 to vector<16xf32>
      %add3A_188 = arith.constant 0 : i32
      %add3A_189 = arith.addi %multiple_of3A_184, %add3A_188 : i32
      %get3A = arith.index_cast %add3A_189 : i32 to index
      %get3A_190 = tpu.vector_load %arg6[%get3A] {strides = array<i32>} : memref<25616xi32, #tpu.memory_space<vmem>>, vector<16xi32>,
      %shift_left3A = vector.broadcast %scan3A_142 : i32 to vector<16xi32>
      %shift_left3A_191 = arith.shli %get3A_190, %shift_left3A : vector<16xi32>
      %bitcast3A = vector.bitcast %shift_left3A_191 : vector<16xi32> to vector<16xf32>
      %add3A_192 = arith.addf %broadcast_in_dim3A_185, %bitcast3A : vector<16xf32>
      %and3A = vector.broadcast %scan3A_143 : i32 to vector<16xi32>
      %and3A_193 = arith.andi %get3A_190, %and3A : vector<16xi32>
      %bitcast3A_194 = vector.bitcast %and3A_193 : vector<16xi32> to vector<16xf32>
      %add3A_195 = arith.addf %broadcast_in_dim3A_187, %bitcast3A_194 : vector<16xf32>
      %add3A_196 = arith.constant 16 : i32
      %add3A_197 = arith.addi %multiple_of3A_184, %add3A_196 : i32
      %get3A_198 = arith.index_cast %add3A_197 : i32 to index
      %get3A_199 = tpu.vector_load %arg6[%get3A_198] {strides = array<i32>} : memref<25616xi32, #tpu.memory_space<vmem>>, vector<16xi32>,
      %shift_left3A_200 = vector.broadcast %scan3A_142 : i32 to vector<16xi32>
      %shift_left3A_201 = arith.shli %get3A_199, %shift_left3A_200 : vector<16xi32>
      %bitcast3A_202 = vector.bitcast %shift_left3A_201 : vector<16xi32> to vector<16xf32>
      %add3A_203 = arith.addf %add3A_192, %bitcast3A_202 : vector<16xf32>
      %and3A_204 = vector.broadcast %scan3A_143 : i32 to vector<16xi32>
      %and3A_205 = arith.andi %get3A_199, %and3A_204 : vector<16xi32>
      %bitcast3A_206 = vector.bitcast %and3A_205 : vector<16xi32> to vector<16xf32>
      %add3A_207 = arith.addf %add3A_195, %bitcast3A_206 : vector<16xf32>
      %add3A_208 = arith.constant 32 : i32
      %add3A_209 = arith.addi %multiple_of3A_184, %add3A_208 : i32
      %get3A_210 = arith.index_cast %add3A_209 : i32 to index
      %get3A_211 = tpu.vector_load %arg6[%get3A_210] {strides = array<i32>} : memref<25616xi32, #tpu.memory_space<vmem>>, vector<16xi32>,
      %shift_left3A_212 = vector.broadcast %scan3A_142 : i32 to vector<16xi32>
      %shift_left3A_213 = arith.shli %get3A_211, %shift_left3A_212 : vector<16xi32>
      %bitcast3A_214 = vector.bitcast %shift_left3A_213 : vector<16xi32> to vector<16xf32>
      %add3A_215 = arith.addf %add3A_203, %bitcast3A_214 : vector<16xf32>
      %and3A_216 = vector.broadcast %scan3A_143 : i32 to vector<16xi32>
      %and3A_217 = arith.andi %get3A_211, %and3A_216 : vector<16xi32>
      %bitcast3A_218 = vector.bitcast %and3A_217 : vector<16xi32> to vector<16xf32>
      %add3A_219 = arith.addf %add3A_207, %bitcast3A_218 : vector<16xf32>
      %add3A_220 = arith.constant 48 : i32
      %add3A_221 = arith.addi %multiple_of3A_184, %add3A_220 : i32
      %get3A_222 = arith.index_cast %add3A_221 : i32 to index
      %get3A_223 = tpu.vector_load %arg6[%get3A_222] {strides = array<i32>} : memref<25616xi32, #tpu.memory_space<vmem>>, vector<16xi32>,
      %shift_left3A_224 = vector.broadcast %scan3A_142 : i32 to vector<16xi32>
      %shift_left3A_225 = arith.shli %get3A_223, %shift_left3A_224 : vector<16xi32>
      %bitcast3A_226 = vector.bitcast %shift_left3A_225 : vector<16xi32> to vector<16xf32>
      %add3A_227 = arith.addf %add3A_215, %bitcast3A_226 : vector<16xf32>
      %and3A_228 = vector.broadcast %scan3A_143 : i32 to vector<16xi32>
      %and3A_229 = arith.andi %get3A_223, %and3A_228 : vector<16xi32>
      %bitcast3A_230 = vector.bitcast %and3A_229 : vector<16xi32> to vector<16xf32>
      %add3A_231 = arith.addf %add3A_219, %bitcast3A_230 : vector<16xf32>
      %add3A_232 = arith.constant 64 : i32
      %add3A_233 = arith.addi %multiple_of3A_184, %add3A_232 : i32
      %get3A_234 = arith.index_cast %add3A_233 : i32 to index
      %get3A_235 = tpu.vector_load %arg6[%get3A_234] {strides = array<i32>} : memref<25616xi32, #tpu.memory_space<vmem>>, vector<16xi32>,
      %shift_left3A_236 = vector.broadcast %scan3A_142 : i32 to vector<16xi32>
      %shift_left3A_237 = arith.shli %get3A_235, %shift_left3A_236 : vector<16xi32>
      %bitcast3A_238 = vector.bitcast %shift_left3A_237 : vector<16xi32> to vector<16xf32>
      %add3A_239 = arith.addf %add3A_227, %bitcast3A_238 : vector<16xf32>
      %and3A_240 = vector.broadcast %scan3A_143 : i32 to vector<16xi32>
      %and3A_241 = arith.andi %get3A_235, %and3A_240 : vector<16xi32>
      %bitcast3A_242 = vector.bitcast %and3A_241 : vector<16xi32> to vector<16xf32>
      %add3A_243 = arith.addf %add3A_231, %bitcast3A_242 : vector<16xf32>
      %add3A_244 = arith.constant 80 : i32
      %add3A_245 = arith.addi %multiple_of3A_184, %add3A_244 : i32
      %get3A_246 = arith.index_cast %add3A_245 : i32 to index
      %get3A_247 = tpu.vector_load %arg6[%get3A_246] {strides = array<i32>} : memref<25616xi32, #tpu.memory_space<vmem>>, vector<16xi32>,
      %shift_left3A_248 = vector.broadcast %scan3A_142 : i32 to vector<16xi32>
      %shift_left3A_249 = arith.shli %get3A_247, %shift_left3A_248 : vector<16xi32>
      %bitcast3A_250 = vector.bitcast %shift_left3A_249 : vector<16xi32> to vector<16xf32>
      %add3A_251 = arith.addf %add3A_239, %bitcast3A_250 : vector<16xf32>
      %and3A_252 = vector.broadcast %scan3A_143 : i32 to vector<16xi32>
      %and3A_253 = arith.andi %get3A_247, %and3A_252 : vector<16xi32>
      %bitcast3A_254 = vector.bitcast %and3A_253 : vector<16xi32> to vector<16xf32>
      %add3A_255 = arith.addf %add3A_243, %bitcast3A_254 : vector<16xf32>
      %add3A_256 = arith.constant 96 : i32
      %add3A_257 = arith.addi %multiple_of3A_184, %add3A_256 : i32
      %get3A_258 = arith.index_cast %add3A_257 : i32 to index
      %get3A_259 = tpu.vector_load %arg6[%get3A_258] {strides = array<i32>} : memref<25616xi32, #tpu.memory_space<vmem>>, vector<16xi32>,
      %shift_left3A_260 = vector.broadcast %scan3A_142 : i32 to vector<16xi32>
      %shift_left3A_261 = arith.shli %get3A_259, %shift_left3A_260 : vector<16xi32>
      %bitcast3A_262 = vector.bitcast %shift_left3A_261 : vector<16xi32> to vector<16xf32>
      %add3A_263 = arith.addf %add3A_251, %bitcast3A_262 : vector<16xf32>
      %and3A_264 = vector.broadcast %scan3A_143 : i32 to vector<16xi32>
      %and3A_265 = arith.andi %get3A_259, %and3A_264 : vector<16xi32>
      %bitcast3A_266 = vector.bitcast %and3A_265 : vector<16xi32> to vector<16xf32>
      %add3A_267 = arith.addf %add3A_255, %bitcast3A_266 : vector<16xf32>
      %add3A_268 = arith.constant 112 : i32
      %add3A_269 = arith.addi %multiple_of3A_184, %add3A_268 : i32
      %get3A_270 = arith.index_cast %add3A_269 : i32 to index
      %get3A_271 = tpu.vector_load %arg6[%get3A_270] {strides = array<i32>} : memref<25616xi32, #tpu.memory_space<vmem>>, vector<16xi32>,
      %shift_left3A_272 = vector.broadcast %scan3A_142 : i32 to vector<16xi32>
      %shift_left3A_273 = arith.shli %get3A_271, %shift_left3A_272 : vector<16xi32>
      %bitcast3A_274 = vector.bitcast %shift_left3A_273 : vector<16xi32> to vector<16xf32>
      %add3A_275 = arith.addf %add3A_263, %bitcast3A_274 : vector<16xf32>
      %and3A_276 = vector.broadcast %scan3A_143 : i32 to vector<16xi32>
      %and3A_277 = arith.andi %get3A_271, %and3A_276 : vector<16xi32>
      %bitcast3A_278 = vector.bitcast %and3A_277 : vector<16xi32> to vector<16xf32>
      %add3A_279 = arith.addf %add3A_267, %bitcast3A_278 : vector<16xf32>
      %add3A_280 = arith.constant 128 : i32
      %add3A_281 = arith.addi %multiple_of3A_184, %add3A_280 : i32
      %get3A_282 = arith.index_cast %add3A_281 : i32 to index
      %get3A_283 = tpu.vector_load %arg6[%get3A_282] {strides = array<i32>} : memref<25616xi32, #tpu.memory_space<vmem>>, vector<16xi32>,
      %shift_left3A_284 = vector.broadcast %scan3A_142 : i32 to vector<16xi32>
      %shift_left3A_285 = arith.shli %get3A_283, %shift_left3A_284 : vector<16xi32>
      %bitcast3A_286 = vector.bitcast %shift_left3A_285 : vector<16xi32> to vector<16xf32>
      %add3A_287 = arith.addf %add3A_275, %bitcast3A_286 : vector<16xf32>
      %and3A_288 = vector.broadcast %scan3A_143 : i32 to vector<16xi32>
      %and3A_289 = arith.andi %get3A_283, %and3A_288 : vector<16xi32>
      %bitcast3A_290 = vector.bitcast %and3A_289 : vector<16xi32> to vector<16xf32>
      %add3A_291 = arith.addf %add3A_279, %bitcast3A_290 : vector<16xf32>
      %add3A_292 = arith.constant 144 : i32
      %add3A_293 = arith.addi %multiple_of3A_184, %add3A_292 : i32
      %get3A_294 = arith.index_cast %add3A_293 : i32 to index
      %get3A_295 = tpu.vector_load %arg6[%get3A_294] {strides = array<i32>} : memref<25616xi32, #tpu.memory_space<vmem>>, vector<16xi32>,
      %shift_left3A_296 = vector.broadcast %scan3A_142 : i32 to vector<16xi32>
      %shift_left3A_297 = arith.shli %get3A_295, %shift_left3A_296 : vector<16xi32>
      %bitcast3A_298 = vector.bitcast %shift_left3A_297 : vector<16xi32> to vector<16xf32>
      %add3A_299 = arith.addf %add3A_287, %bitcast3A_298 : vector<16xf32>
      %and3A_300 = vector.broadcast %scan3A_143 : i32 to vector<16xi32>
      %and3A_301 = arith.andi %get3A_295, %and3A_300 : vector<16xi32>
      %bitcast3A_302 = vector.bitcast %and3A_301 : vector<16xi32> to vector<16xf32>
      %add3A_303 = arith.addf %add3A_291, %bitcast3A_302 : vector<16xf32>
      %add3A_304 = arith.constant 160 : i32
      %add3A_305 = arith.addi %multiple_of3A_184, %add3A_304 : i32
      %get3A_306 = arith.index_cast %add3A_305 : i32 to index
      %get3A_307 = tpu.vector_load %arg6[%get3A_306] {strides = array<i32>} : memref<25616xi32, #tpu.memory_space<vmem>>, vector<16xi32>,
      %shift_left3A_308 = vector.broadcast %scan3A_142 : i32 to vector<16xi32>
      %shift_left3A_309 = arith.shli %get3A_307, %shift_left3A_308 : vector<16xi32>
      %bitcast3A_310 = vector.bitcast %shift_left3A_309 : vector<16xi32> to vector<16xf32>
      %add3A_311 = arith.addf %add3A_299, %bitcast3A_310 : vector<16xf32>
      %and3A_312 = vector.broadcast %scan3A_143 : i32 to vector<16xi32>
      %and3A_313 = arith.andi %get3A_307, %and3A_312 : vector<16xi32>
      %bitcast3A_314 = vector.bitcast %and3A_313 : vector<16xi32> to vector<16xf32>
      %add3A_315 = arith.addf %add3A_303, %bitcast3A_314 : vector<16xf32>
      %add3A_316 = arith.constant 176 : i32
      %add3A_317 = arith.addi %multiple_of3A_184, %add3A_316 : i32
      %get3A_318 = arith.index_cast %add3A_317 : i32 to index
      %get3A_319 = tpu.vector_load %arg6[%get3A_318] {strides = array<i32>} : memref<25616xi32, #tpu.memory_space<vmem>>, vector<16xi32>,
      %shift_left3A_320 = vector.broadcast %scan3A_142 : i32 to vector<16xi32>
      %shift_left3A_321 = arith.shli %get3A_319, %shift_left3A_320 : vector<16xi32>
      %bitcast3A_322 = vector.bitcast %shift_left3A_321 : vector<16xi32> to vector<16xf32>
      %add3A_323 = arith.addf %add3A_311, %bitcast3A_322 : vector<16xf32>
      %and3A_324 = vector.broadcast %scan3A_143 : i32 to vector<16xi32>
      %and3A_325 = arith.andi %get3A_319, %and3A_324 : vector<16xi32>
      %bitcast3A_326 = vector.bitcast %and3A_325 : vector<16xi32> to vector<16xf32>
      %add3A_327 = arith.addf %add3A_315, %bitcast3A_326 : vector<16xf32>
      %add3A_328 = arith.constant 192 : i32
      %add3A_329 = arith.addi %multiple_of3A_184, %add3A_328 : i32
      %get3A_330 = arith.index_cast %add3A_329 : i32 to index
      %get3A_331 = tpu.vector_load %arg6[%get3A_330] {strides = array<i32>} : memref<25616xi32, #tpu.memory_space<vmem>>, vector<16xi32>,
      %jit3A = arith.constant 0 : i32
      %broadcast_in_dim3A_332 = vector.broadcast %jit3A : i32 to vector<16xi32>
      %select_n3A = arith.select %lt3A_53, %get3A_331, %broadcast_in_dim3A_332 : vector<16xi1>, vector<16xi32>
      %shift_left3A_333 = vector.broadcast %scan3A_142 : i32 to vector<16xi32>
      %shift_left3A_334 = arith.shli %select_n3A, %shift_left3A_333 : vector<16xi32>
      %bitcast3A_335 = vector.bitcast %shift_left3A_334 : vector<16xi32> to vector<16xf32>
      %add3A_336 = arith.addf %add3A_323, %bitcast3A_335 : vector<16xf32>
      %and3A_337 = vector.broadcast %scan3A_143 : i32 to vector<16xi32>
      %and3A_338 = arith.andi %select_n3A, %and3A_337 : vector<16xi32>
      %bitcast3A_339 = vector.bitcast %and3A_338 : vector<16xi32> to vector<16xf32>
      %add3A_340 = arith.addf %add3A_327, %bitcast3A_339 : vector<16xf32>
      %swap3A = arith.index_cast %scan3A_181 : i32 to index
      %swap3A_341 = arith.constant 0 : index
      %swap3A_342 = tpu.vector_load %arg7[%swap3A, %swap3A_341] {strides = array<i32>} : memref<128x32xf32, #tpu.memory_space<vmem>>, vector<16xf32>,
      tpu.vector_store %arg7[%swap3A, %swap3A_341], %add3A_336 {strides = array<i32>} : memref<128x32xf32, #tpu.memory_space<vmem>>, vector<16xf32>,
      %swap3A_343 = arith.index_cast %scan3A_181 : i32 to index
      %swap3A_344 = arith.constant 16 : index
      %swap3A_345 = tpu.vector_load %arg7[%swap3A_343, %swap3A_344] {strides = array<i32>} : memref<128x32xf32, #tpu.memory_space<vmem>>, vector<16xf32>,
      tpu.vector_store %arg7[%swap3A_343, %swap3A_344], %add3A_340 {strides = array<i32>} : memref<128x32xf32, #tpu.memory_space<vmem>>, vector<16xf32>,
    }
    %scan3A_148 = arith.constant 16 : i32
    %dma_wait3A_149 = arith.constant 19200 : i32
    %dma_wait3A_150 = tpu.memref_slice %arg6[%dma_wait3A_149] : memref<25616xi32, #tpu.memory_space<vmem>> -> memref<3200xi32, #tpu.memory_space<vmem>>
    %dma_wait3A_151 = arith.constant 0 : i32
    %dma_wait3A_152 = tpu.memref_slice %arg3[%dma_wait3A_151] : memref<1000000xi32, #tpu.memory_space<hbm>> -> memref<3200xi32, #tpu.memory_space<hbm>>
    %dma_wait3A_153 = arith.constant 19200 : i32
    %dma_wait3A_154 = tpu.memref_slice %arg6[%dma_wait3A_153] : memref<25616xi32, #tpu.memory_space<vmem>> -> memref<3200xi32, #tpu.memory_space<vmem>>
    %dma_wait3A_155 = arith.constant 0 : i32
    %dma_wait3A_156 = tpu.memref_slice %arg3[%dma_wait3A_155] : memref<1000000xi32, #tpu.memory_space<hbm>> -> memref<3200xi32, #tpu.memory_space<hbm>>
    tpu.wait_dma2 semaphore(%arg14 : memref<!tpu.dma_semaphore, #tpu.memory_space<semaphore_mem>>) src(%dma_wait3A_156 : memref<3200xi32, #tpu.memory_space<hbm>>) dst(%dma_wait3A_154 : memref<3200xi32, #tpu.memory_space<vmem>>)
    %scan3A_157 = arith.constant 0 : i32
    %scan3A_158 = arith.constant 16 : i32
    %scan3A_159 = arith.constant -65536 : i32
    %scan3A_160 = arith.constant 96 : i32
    %scan3A_161 = arith.constant 16 : i32
    %scan3A_162 = arith.addi %scan3A_160, %scan3A_161 : i32
    %scan3A_163 = arith.constant 1 : i32
    scf.for %scan3A_181 = %scan3A_160 to %scan3A_162 step %scan3A_163  : i32 {
      %mul3A_182 = arith.constant 200 : i32
      %mul3A_183 = arith.muli %scan3A_181, %mul3A_182 : i32
      %multiple_of3A_184 = tpu.assume_multiple %mul3A_183, 8 : i32
      %broadcast_in_dim3A = arith.constant 0.000000e+00 : f32
      %broadcast_in_dim3A_185 = vector.broadcast %broadcast_in_dim3A : f32 to vector<16xf32>
      %broadcast_in_dim3A_186 = arith.constant 0.000000e+00 : f32
      %broadcast_in_dim3A_187 = vector.broadcast %broadcast_in_dim3A_186 : f32 to vector<16xf32>
      %add3A_188 = arith.constant 0 : i32
      %add3A_189 = arith.addi %multiple_of3A_184, %add3A_188 : i32
      %get3A = arith.index_cast %add3A_189 : i32 to index
      %get3A_190 = tpu.vector_load %arg6[%get3A] {strides = array<i32>} : memref<25616xi32, #tpu.memory_space<vmem>>, vector<16xi32>,
      %shift_left3A = vector.broadcast %scan3A_158 : i32 to vector<16xi32>
      %shift_left3A_191 = arith.shli %get3A_190, %shift_left3A : vector<16xi32>
      %bitcast3A = vector.bitcast %shift_left3A_191 : vector<16xi32> to vector<16xf32>
      %add3A_192 = arith.addf %broadcast_in_dim3A_185, %bitcast3A : vector<16xf32>
      %and3A = vector.broadcast %scan3A_159 : i32 to vector<16xi32>
      %and3A_193 = arith.andi %get3A_190, %and3A : vector<16xi32>
      %bitcast3A_194 = vector.bitcast %and3A_193 : vector<16xi32> to vector<16xf32>
      %add3A_195 = arith.addf %broadcast_in_dim3A_187, %bitcast3A_194 : vector<16xf32>
      %add3A_196 = arith.constant 16 : i32
      %add3A_197 = arith.addi %multiple_of3A_184, %add3A_196 : i32
      %get3A_198 = arith.index_cast %add3A_197 : i32 to index
      %get3A_199 = tpu.vector_load %arg6[%get3A_198] {strides = array<i32>} : memref<25616xi32, #tpu.memory_space<vmem>>, vector<16xi32>,
      %shift_left3A_200 = vector.broadcast %scan3A_158 : i32 to vector<16xi32>
      %shift_left3A_201 = arith.shli %get3A_199, %shift_left3A_200 : vector<16xi32>
      %bitcast3A_202 = vector.bitcast %shift_left3A_201 : vector<16xi32> to vector<16xf32>
      %add3A_203 = arith.addf %add3A_192, %bitcast3A_202 : vector<16xf32>
      %and3A_204 = vector.broadcast %scan3A_159 : i32 to vector<16xi32>
      %and3A_205 = arith.andi %get3A_199, %and3A_204 : vector<16xi32>
      %bitcast3A_206 = vector.bitcast %and3A_205 : vector<16xi32> to vector<16xf32>
      %add3A_207 = arith.addf %add3A_195, %bitcast3A_206 : vector<16xf32>
      %add3A_208 = arith.constant 32 : i32
      %add3A_209 = arith.addi %multiple_of3A_184, %add3A_208 : i32
      %get3A_210 = arith.index_cast %add3A_209 : i32 to index
      %get3A_211 = tpu.vector_load %arg6[%get3A_210] {strides = array<i32>} : memref<25616xi32, #tpu.memory_space<vmem>>, vector<16xi32>,
      %shift_left3A_212 = vector.broadcast %scan3A_158 : i32 to vector<16xi32>
      %shift_left3A_213 = arith.shli %get3A_211, %shift_left3A_212 : vector<16xi32>
      %bitcast3A_214 = vector.bitcast %shift_left3A_213 : vector<16xi32> to vector<16xf32>
      %add3A_215 = arith.addf %add3A_203, %bitcast3A_214 : vector<16xf32>
      %and3A_216 = vector.broadcast %scan3A_159 : i32 to vector<16xi32>
      %and3A_217 = arith.andi %get3A_211, %and3A_216 : vector<16xi32>
      %bitcast3A_218 = vector.bitcast %and3A_217 : vector<16xi32> to vector<16xf32>
      %add3A_219 = arith.addf %add3A_207, %bitcast3A_218 : vector<16xf32>
      %add3A_220 = arith.constant 48 : i32
      %add3A_221 = arith.addi %multiple_of3A_184, %add3A_220 : i32
      %get3A_222 = arith.index_cast %add3A_221 : i32 to index
      %get3A_223 = tpu.vector_load %arg6[%get3A_222] {strides = array<i32>} : memref<25616xi32, #tpu.memory_space<vmem>>, vector<16xi32>,
      %shift_left3A_224 = vector.broadcast %scan3A_158 : i32 to vector<16xi32>
      %shift_left3A_225 = arith.shli %get3A_223, %shift_left3A_224 : vector<16xi32>
      %bitcast3A_226 = vector.bitcast %shift_left3A_225 : vector<16xi32> to vector<16xf32>
      %add3A_227 = arith.addf %add3A_215, %bitcast3A_226 : vector<16xf32>
      %and3A_228 = vector.broadcast %scan3A_159 : i32 to vector<16xi32>
      %and3A_229 = arith.andi %get3A_223, %and3A_228 : vector<16xi32>
      %bitcast3A_230 = vector.bitcast %and3A_229 : vector<16xi32> to vector<16xf32>
      %add3A_231 = arith.addf %add3A_219, %bitcast3A_230 : vector<16xf32>
      %add3A_232 = arith.constant 64 : i32
      %add3A_233 = arith.addi %multiple_of3A_184, %add3A_232 : i32
      %get3A_234 = arith.index_cast %add3A_233 : i32 to index
      %get3A_235 = tpu.vector_load %arg6[%get3A_234] {strides = array<i32>} : memref<25616xi32, #tpu.memory_space<vmem>>, vector<16xi32>,
      %shift_left3A_236 = vector.broadcast %scan3A_158 : i32 to vector<16xi32>
      %shift_left3A_237 = arith.shli %get3A_235, %shift_left3A_236 : vector<16xi32>
      %bitcast3A_238 = vector.bitcast %shift_left3A_237 : vector<16xi32> to vector<16xf32>
      %add3A_239 = arith.addf %add3A_227, %bitcast3A_238 : vector<16xf32>
      %and3A_240 = vector.broadcast %scan3A_159 : i32 to vector<16xi32>
      %and3A_241 = arith.andi %get3A_235, %and3A_240 : vector<16xi32>
      %bitcast3A_242 = vector.bitcast %and3A_241 : vector<16xi32> to vector<16xf32>
      %add3A_243 = arith.addf %add3A_231, %bitcast3A_242 : vector<16xf32>
      %add3A_244 = arith.constant 80 : i32
      %add3A_245 = arith.addi %multiple_of3A_184, %add3A_244 : i32
      %get3A_246 = arith.index_cast %add3A_245 : i32 to index
      %get3A_247 = tpu.vector_load %arg6[%get3A_246] {strides = array<i32>} : memref<25616xi32, #tpu.memory_space<vmem>>, vector<16xi32>,
      %shift_left3A_248 = vector.broadcast %scan3A_158 : i32 to vector<16xi32>
      %shift_left3A_249 = arith.shli %get3A_247, %shift_left3A_248 : vector<16xi32>
      %bitcast3A_250 = vector.bitcast %shift_left3A_249 : vector<16xi32> to vector<16xf32>
      %add3A_251 = arith.addf %add3A_239, %bitcast3A_250 : vector<16xf32>
      %and3A_252 = vector.broadcast %scan3A_159 : i32 to vector<16xi32>
      %and3A_253 = arith.andi %get3A_247, %and3A_252 : vector<16xi32>
      %bitcast3A_254 = vector.bitcast %and3A_253 : vector<16xi32> to vector<16xf32>
      %add3A_255 = arith.addf %add3A_243, %bitcast3A_254 : vector<16xf32>
      %add3A_256 = arith.constant 96 : i32
      %add3A_257 = arith.addi %multiple_of3A_184, %add3A_256 : i32
      %get3A_258 = arith.index_cast %add3A_257 : i32 to index
      %get3A_259 = tpu.vector_load %arg6[%get3A_258] {strides = array<i32>} : memref<25616xi32, #tpu.memory_space<vmem>>, vector<16xi32>,
      %shift_left3A_260 = vector.broadcast %scan3A_158 : i32 to vector<16xi32>
      %shift_left3A_261 = arith.shli %get3A_259, %shift_left3A_260 : vector<16xi32>
      %bitcast3A_262 = vector.bitcast %shift_left3A_261 : vector<16xi32> to vector<16xf32>
      %add3A_263 = arith.addf %add3A_251, %bitcast3A_262 : vector<16xf32>
      %and3A_264 = vector.broadcast %scan3A_159 : i32 to vector<16xi32>
      %and3A_265 = arith.andi %get3A_259, %and3A_264 : vector<16xi32>
      %bitcast3A_266 = vector.bitcast %and3A_265 : vector<16xi32> to vector<16xf32>
      %add3A_267 = arith.addf %add3A_255, %bitcast3A_266 : vector<16xf32>
      %add3A_268 = arith.constant 112 : i32
      %add3A_269 = arith.addi %multiple_of3A_184, %add3A_268 : i32
      %get3A_270 = arith.index_cast %add3A_269 : i32 to index
      %get3A_271 = tpu.vector_load %arg6[%get3A_270] {strides = array<i32>} : memref<25616xi32, #tpu.memory_space<vmem>>, vector<16xi32>,
      %shift_left3A_272 = vector.broadcast %scan3A_158 : i32 to vector<16xi32>
      %shift_left3A_273 = arith.shli %get3A_271, %shift_left3A_272 : vector<16xi32>
      %bitcast3A_274 = vector.bitcast %shift_left3A_273 : vector<16xi32> to vector<16xf32>
      %add3A_275 = arith.addf %add3A_263, %bitcast3A_274 : vector<16xf32>
      %and3A_276 = vector.broadcast %scan3A_159 : i32 to vector<16xi32>
      %and3A_277 = arith.andi %get3A_271, %and3A_276 : vector<16xi32>
      %bitcast3A_278 = vector.bitcast %and3A_277 : vector<16xi32> to vector<16xf32>
      %add3A_279 = arith.addf %add3A_267, %bitcast3A_278 : vector<16xf32>
      %add3A_280 = arith.constant 128 : i32
      %add3A_281 = arith.addi %multiple_of3A_184, %add3A_280 : i32
      %get3A_282 = arith.index_cast %add3A_281 : i32 to index
      %get3A_283 = tpu.vector_load %arg6[%get3A_282] {strides = array<i32>} : memref<25616xi32, #tpu.memory_space<vmem>>, vector<16xi32>,
      %shift_left3A_284 = vector.broadcast %scan3A_158 : i32 to vector<16xi32>
      %shift_left3A_285 = arith.shli %get3A_283, %shift_left3A_284 : vector<16xi32>
      %bitcast3A_286 = vector.bitcast %shift_left3A_285 : vector<16xi32> to vector<16xf32>
      %add3A_287 = arith.addf %add3A_275, %bitcast3A_286 : vector<16xf32>
      %and3A_288 = vector.broadcast %scan3A_159 : i32 to vector<16xi32>
      %and3A_289 = arith.andi %get3A_283, %and3A_288 : vector<16xi32>
      %bitcast3A_290 = vector.bitcast %and3A_289 : vector<16xi32> to vector<16xf32>
      %add3A_291 = arith.addf %add3A_279, %bitcast3A_290 : vector<16xf32>
      %add3A_292 = arith.constant 144 : i32
      %add3A_293 = arith.addi %multiple_of3A_184, %add3A_292 : i32
      %get3A_294 = arith.index_cast %add3A_293 : i32 to index
      %get3A_295 = tpu.vector_load %arg6[%get3A_294] {strides = array<i32>} : memref<25616xi32, #tpu.memory_space<vmem>>, vector<16xi32>,
      %shift_left3A_296 = vector.broadcast %scan3A_158 : i32 to vector<16xi32>
      %shift_left3A_297 = arith.shli %get3A_295, %shift_left3A_296 : vector<16xi32>
      %bitcast3A_298 = vector.bitcast %shift_left3A_297 : vector<16xi32> to vector<16xf32>
      %add3A_299 = arith.addf %add3A_287, %bitcast3A_298 : vector<16xf32>
      %and3A_300 = vector.broadcast %scan3A_159 : i32 to vector<16xi32>
      %and3A_301 = arith.andi %get3A_295, %and3A_300 : vector<16xi32>
      %bitcast3A_302 = vector.bitcast %and3A_301 : vector<16xi32> to vector<16xf32>
      %add3A_303 = arith.addf %add3A_291, %bitcast3A_302 : vector<16xf32>
      %add3A_304 = arith.constant 160 : i32
      %add3A_305 = arith.addi %multiple_of3A_184, %add3A_304 : i32
      %get3A_306 = arith.index_cast %add3A_305 : i32 to index
      %get3A_307 = tpu.vector_load %arg6[%get3A_306] {strides = array<i32>} : memref<25616xi32, #tpu.memory_space<vmem>>, vector<16xi32>,
      %shift_left3A_308 = vector.broadcast %scan3A_158 : i32 to vector<16xi32>
      %shift_left3A_309 = arith.shli %get3A_307, %shift_left3A_308 : vector<16xi32>
      %bitcast3A_310 = vector.bitcast %shift_left3A_309 : vector<16xi32> to vector<16xf32>
      %add3A_311 = arith.addf %add3A_299, %bitcast3A_310 : vector<16xf32>
      %and3A_312 = vector.broadcast %scan3A_159 : i32 to vector<16xi32>
      %and3A_313 = arith.andi %get3A_307, %and3A_312 : vector<16xi32>
      %bitcast3A_314 = vector.bitcast %and3A_313 : vector<16xi32> to vector<16xf32>
      %add3A_315 = arith.addf %add3A_303, %bitcast3A_314 : vector<16xf32>
      %add3A_316 = arith.constant 176 : i32
      %add3A_317 = arith.addi %multiple_of3A_184, %add3A_316 : i32
      %get3A_318 = arith.index_cast %add3A_317 : i32 to index
      %get3A_319 = tpu.vector_load %arg6[%get3A_318] {strides = array<i32>} : memref<25616xi32, #tpu.memory_space<vmem>>, vector<16xi32>,
      %shift_left3A_320 = vector.broadcast %scan3A_158 : i32 to vector<16xi32>
      %shift_left3A_321 = arith.shli %get3A_319, %shift_left3A_320 : vector<16xi32>
      %bitcast3A_322 = vector.bitcast %shift_left3A_321 : vector<16xi32> to vector<16xf32>
      %add3A_323 = arith.addf %add3A_311, %bitcast3A_322 : vector<16xf32>
      %and3A_324 = vector.broadcast %scan3A_159 : i32 to vector<16xi32>
      %and3A_325 = arith.andi %get3A_319, %and3A_324 : vector<16xi32>
      %bitcast3A_326 = vector.bitcast %and3A_325 : vector<16xi32> to vector<16xf32>
      %add3A_327 = arith.addf %add3A_315, %bitcast3A_326 : vector<16xf32>
      %add3A_328 = arith.constant 192 : i32
      %add3A_329 = arith.addi %multiple_of3A_184, %add3A_328 : i32
      %get3A_330 = arith.index_cast %add3A_329 : i32 to index
      %get3A_331 = tpu.vector_load %arg6[%get3A_330] {strides = array<i32>} : memref<25616xi32, #tpu.memory_space<vmem>>, vector<16xi32>,
      %jit3A = arith.constant 0 : i32
      %broadcast_in_dim3A_332 = vector.broadcast %jit3A : i32 to vector<16xi32>
      %select_n3A = arith.select %lt3A_53, %get3A_331, %broadcast_in_dim3A_332 : vector<16xi1>, vector<16xi32>
      %shift_left3A_333 = vector.broadcast %scan3A_158 : i32 to vector<16xi32>
      %shift_left3A_334 = arith.shli %select_n3A, %shift_left3A_333 : vector<16xi32>
      %bitcast3A_335 = vector.bitcast %shift_left3A_334 : vector<16xi32> to vector<16xf32>
      %add3A_336 = arith.addf %add3A_323, %bitcast3A_335 : vector<16xf32>
      %and3A_337 = vector.broadcast %scan3A_159 : i32 to vector<16xi32>
      %and3A_338 = arith.andi %select_n3A, %and3A_337 : vector<16xi32>
      %bitcast3A_339 = vector.bitcast %and3A_338 : vector<16xi32> to vector<16xf32>
      %add3A_340 = arith.addf %add3A_327, %bitcast3A_339 : vector<16xf32>
      %swap3A = arith.index_cast %scan3A_181 : i32 to index
      %swap3A_341 = arith.constant 0 : index
      %swap3A_342 = tpu.vector_load %arg7[%swap3A, %swap3A_341] {strides = array<i32>} : memref<128x32xf32, #tpu.memory_space<vmem>>, vector<16xf32>,
      tpu.vector_store %arg7[%swap3A, %swap3A_341], %add3A_336 {strides = array<i32>} : memref<128x32xf32, #tpu.memory_space<vmem>>, vector<16xf32>,
      %swap3A_343 = arith.index_cast %scan3A_181 : i32 to index
      %swap3A_344 = arith.constant 16 : index
      %swap3A_345 = tpu.vector_load %arg7[%swap3A_343, %swap3A_344] {strides = array<i32>} : memref<128x32xf32, #tpu.memory_space<vmem>>, vector<16xf32>,
      tpu.vector_store %arg7[%swap3A_343, %swap3A_344], %add3A_340 {strides = array<i32>} : memref<128x32xf32, #tpu.memory_space<vmem>>, vector<16xf32>,
    }
    %scan3A_164 = arith.constant 16 : i32
    %dma_wait3A_165 = arith.constant 22400 : i32
    %dma_wait3A_166 = tpu.memref_slice %arg6[%dma_wait3A_165] : memref<25616xi32, #tpu.memory_space<vmem>> -> memref<3200xi32, #tpu.memory_space<vmem>>
    %dma_wait3A_167 = arith.constant 0 : i32
    %dma_wait3A_168 = tpu.memref_slice %arg3[%dma_wait3A_167] : memref<1000000xi32, #tpu.memory_space<hbm>> -> memref<3200xi32, #tpu.memory_space<hbm>>
    %dma_wait3A_169 = arith.constant 22400 : i32
    %dma_wait3A_170 = tpu.memref_slice %arg6[%dma_wait3A_169] : memref<25616xi32, #tpu.memory_space<vmem>> -> memref<3200xi32, #tpu.memory_space<vmem>>
    %dma_wait3A_171 = arith.constant 0 : i32
    %dma_wait3A_172 = tpu.memref_slice %arg3[%dma_wait3A_171] : memref<1000000xi32, #tpu.memory_space<hbm>> -> memref<3200xi32, #tpu.memory_space<hbm>>
    tpu.wait_dma2 semaphore(%arg15 : memref<!tpu.dma_semaphore, #tpu.memory_space<semaphore_mem>>) src(%dma_wait3A_172 : memref<3200xi32, #tpu.memory_space<hbm>>) dst(%dma_wait3A_170 : memref<3200xi32, #tpu.memory_space<vmem>>)
    %scan3A_173 = arith.constant 0 : i32
    %scan3A_174 = arith.constant 16 : i32
    %scan3A_175 = arith.constant -65536 : i32
    %scan3A_176 = arith.constant 112 : i32
    %scan3A_177 = arith.constant 16 : i32
    %scan3A_178 = arith.addi %scan3A_176, %scan3A_177 : i32
    %scan3A_179 = arith.constant 1 : i32
    scf.for %scan3A_181 = %scan3A_176 to %scan3A_178 step %scan3A_179  : i32 {
      %mul3A_182 = arith.constant 200 : i32
      %mul3A_183 = arith.muli %scan3A_181, %mul3A_182 : i32
      %multiple_of3A_184 = tpu.assume_multiple %mul3A_183, 8 : i32
      %broadcast_in_dim3A = arith.constant 0.000000e+00 : f32
      %broadcast_in_dim3A_185 = vector.broadcast %broadcast_in_dim3A : f32 to vector<16xf32>
      %broadcast_in_dim3A_186 = arith.constant 0.000000e+00 : f32
      %broadcast_in_dim3A_187 = vector.broadcast %broadcast_in_dim3A_186 : f32 to vector<16xf32>
      %add3A_188 = arith.constant 0 : i32
      %add3A_189 = arith.addi %multiple_of3A_184, %add3A_188 : i32
      %get3A = arith.index_cast %add3A_189 : i32 to index
      %get3A_190 = tpu.vector_load %arg6[%get3A] {strides = array<i32>} : memref<25616xi32, #tpu.memory_space<vmem>>, vector<16xi32>,
      %shift_left3A = vector.broadcast %scan3A_174 : i32 to vector<16xi32>
      %shift_left3A_191 = arith.shli %get3A_190, %shift_left3A : vector<16xi32>
      %bitcast3A = vector.bitcast %shift_left3A_191 : vector<16xi32> to vector<16xf32>
      %add3A_192 = arith.addf %broadcast_in_dim3A_185, %bitcast3A : vector<16xf32>
      %and3A = vector.broadcast %scan3A_175 : i32 to vector<16xi32>
      %and3A_193 = arith.andi %get3A_190, %and3A : vector<16xi32>
      %bitcast3A_194 = vector.bitcast %and3A_193 : vector<16xi32> to vector<16xf32>
      %add3A_195 = arith.addf %broadcast_in_dim3A_187, %bitcast3A_194 : vector<16xf32>
      %add3A_196 = arith.constant 16 : i32
      %add3A_197 = arith.addi %multiple_of3A_184, %add3A_196 : i32
      %get3A_198 = arith.index_cast %add3A_197 : i32 to index
      %get3A_199 = tpu.vector_load %arg6[%get3A_198] {strides = array<i32>} : memref<25616xi32, #tpu.memory_space<vmem>>, vector<16xi32>,
      %shift_left3A_200 = vector.broadcast %scan3A_174 : i32 to vector<16xi32>
      %shift_left3A_201 = arith.shli %get3A_199, %shift_left3A_200 : vector<16xi32>
      %bitcast3A_202 = vector.bitcast %shift_left3A_201 : vector<16xi32> to vector<16xf32>
      %add3A_203 = arith.addf %add3A_192, %bitcast3A_202 : vector<16xf32>
      %and3A_204 = vector.broadcast %scan3A_175 : i32 to vector<16xi32>
      %and3A_205 = arith.andi %get3A_199, %and3A_204 : vector<16xi32>
      %bitcast3A_206 = vector.bitcast %and3A_205 : vector<16xi32> to vector<16xf32>
      %add3A_207 = arith.addf %add3A_195, %bitcast3A_206 : vector<16xf32>
      %add3A_208 = arith.constant 32 : i32
      %add3A_209 = arith.addi %multiple_of3A_184, %add3A_208 : i32
      %get3A_210 = arith.index_cast %add3A_209 : i32 to index
      %get3A_211 = tpu.vector_load %arg6[%get3A_210] {strides = array<i32>} : memref<25616xi32, #tpu.memory_space<vmem>>, vector<16xi32>,
      %shift_left3A_212 = vector.broadcast %scan3A_174 : i32 to vector<16xi32>
      %shift_left3A_213 = arith.shli %get3A_211, %shift_left3A_212 : vector<16xi32>
      %bitcast3A_214 = vector.bitcast %shift_left3A_213 : vector<16xi32> to vector<16xf32>
      %add3A_215 = arith.addf %add3A_203, %bitcast3A_214 : vector<16xf32>
      %and3A_216 = vector.broadcast %scan3A_175 : i32 to vector<16xi32>
      %and3A_217 = arith.andi %get3A_211, %and3A_216 : vector<16xi32>
      %bitcast3A_218 = vector.bitcast %and3A_217 : vector<16xi32> to vector<16xf32>
      %add3A_219 = arith.addf %add3A_207, %bitcast3A_218 : vector<16xf32>
      %add3A_220 = arith.constant 48 : i32
      %add3A_221 = arith.addi %multiple_of3A_184, %add3A_220 : i32
      %get3A_222 = arith.index_cast %add3A_221 : i32 to index
      %get3A_223 = tpu.vector_load %arg6[%get3A_222] {strides = array<i32>} : memref<25616xi32, #tpu.memory_space<vmem>>, vector<16xi32>,
      %shift_left3A_224 = vector.broadcast %scan3A_174 : i32 to vector<16xi32>
      %shift_left3A_225 = arith.shli %get3A_223, %shift_left3A_224 : vector<16xi32>
      %bitcast3A_226 = vector.bitcast %shift_left3A_225 : vector<16xi32> to vector<16xf32>
      %add3A_227 = arith.addf %add3A_215, %bitcast3A_226 : vector<16xf32>
      %and3A_228 = vector.broadcast %scan3A_175 : i32 to vector<16xi32>
      %and3A_229 = arith.andi %get3A_223, %and3A_228 : vector<16xi32>
      %bitcast3A_230 = vector.bitcast %and3A_229 : vector<16xi32> to vector<16xf32>
      %add3A_231 = arith.addf %add3A_219, %bitcast3A_230 : vector<16xf32>
      %add3A_232 = arith.constant 64 : i32
      %add3A_233 = arith.addi %multiple_of3A_184, %add3A_232 : i32
      %get3A_234 = arith.index_cast %add3A_233 : i32 to index
      %get3A_235 = tpu.vector_load %arg6[%get3A_234] {strides = array<i32>} : memref<25616xi32, #tpu.memory_space<vmem>>, vector<16xi32>,
      %shift_left3A_236 = vector.broadcast %scan3A_174 : i32 to vector<16xi32>
      %shift_left3A_237 = arith.shli %get3A_235, %shift_left3A_236 : vector<16xi32>
      %bitcast3A_238 = vector.bitcast %shift_left3A_237 : vector<16xi32> to vector<16xf32>
      %add3A_239 = arith.addf %add3A_227, %bitcast3A_238 : vector<16xf32>
      %and3A_240 = vector.broadcast %scan3A_175 : i32 to vector<16xi32>
      %and3A_241 = arith.andi %get3A_235, %and3A_240 : vector<16xi32>
      %bitcast3A_242 = vector.bitcast %and3A_241 : vector<16xi32> to vector<16xf32>
      %add3A_243 = arith.addf %add3A_231, %bitcast3A_242 : vector<16xf32>
      %add3A_244 = arith.constant 80 : i32
      %add3A_245 = arith.addi %multiple_of3A_184, %add3A_244 : i32
      %get3A_246 = arith.index_cast %add3A_245 : i32 to index
      %get3A_247 = tpu.vector_load %arg6[%get3A_246] {strides = array<i32>} : memref<25616xi32, #tpu.memory_space<vmem>>, vector<16xi32>,
      %shift_left3A_248 = vector.broadcast %scan3A_174 : i32 to vector<16xi32>
      %shift_left3A_249 = arith.shli %get3A_247, %shift_left3A_248 : vector<16xi32>
      %bitcast3A_250 = vector.bitcast %shift_left3A_249 : vector<16xi32> to vector<16xf32>
      %add3A_251 = arith.addf %add3A_239, %bitcast3A_250 : vector<16xf32>
      %and3A_252 = vector.broadcast %scan3A_175 : i32 to vector<16xi32>
      %and3A_253 = arith.andi %get3A_247, %and3A_252 : vector<16xi32>
      %bitcast3A_254 = vector.bitcast %and3A_253 : vector<16xi32> to vector<16xf32>
      %add3A_255 = arith.addf %add3A_243, %bitcast3A_254 : vector<16xf32>
      %add3A_256 = arith.constant 96 : i32
      %add3A_257 = arith.addi %multiple_of3A_184, %add3A_256 : i32
      %get3A_258 = arith.index_cast %add3A_257 : i32 to index
      %get3A_259 = tpu.vector_load %arg6[%get3A_258] {strides = array<i32>} : memref<25616xi32, #tpu.memory_space<vmem>>, vector<16xi32>,
      %shift_left3A_260 = vector.broadcast %scan3A_174 : i32 to vector<16xi32>
      %shift_left3A_261 = arith.shli %get3A_259, %shift_left3A_260 : vector<16xi32>
      %bitcast3A_262 = vector.bitcast %shift_left3A_261 : vector<16xi32> to vector<16xf32>
      %add3A_263 = arith.addf %add3A_251, %bitcast3A_262 : vector<16xf32>
      %and3A_264 = vector.broadcast %scan3A_175 : i32 to vector<16xi32>
      %and3A_265 = arith.andi %get3A_259, %and3A_264 : vector<16xi32>
      %bitcast3A_266 = vector.bitcast %and3A_265 : vector<16xi32> to vector<16xf32>
      %add3A_267 = arith.addf %add3A_255, %bitcast3A_266 : vector<16xf32>
      %add3A_268 = arith.constant 112 : i32
      %add3A_269 = arith.addi %multiple_of3A_184, %add3A_268 : i32
      %get3A_270 = arith.index_cast %add3A_269 : i32 to index
      %get3A_271 = tpu.vector_load %arg6[%get3A_270] {strides = array<i32>} : memref<25616xi32, #tpu.memory_space<vmem>>, vector<16xi32>,
      %shift_left3A_272 = vector.broadcast %scan3A_174 : i32 to vector<16xi32>
      %shift_left3A_273 = arith.shli %get3A_271, %shift_left3A_272 : vector<16xi32>
      %bitcast3A_274 = vector.bitcast %shift_left3A_273 : vector<16xi32> to vector<16xf32>
      %add3A_275 = arith.addf %add3A_263, %bitcast3A_274 : vector<16xf32>
      %and3A_276 = vector.broadcast %scan3A_175 : i32 to vector<16xi32>
      %and3A_277 = arith.andi %get3A_271, %and3A_276 : vector<16xi32>
      %bitcast3A_278 = vector.bitcast %and3A_277 : vector<16xi32> to vector<16xf32>
      %add3A_279 = arith.addf %add3A_267, %bitcast3A_278 : vector<16xf32>
      %add3A_280 = arith.constant 128 : i32
      %add3A_281 = arith.addi %multiple_of3A_184, %add3A_280 : i32
      %get3A_282 = arith.index_cast %add3A_281 : i32 to index
      %get3A_283 = tpu.vector_load %arg6[%get3A_282] {strides = array<i32>} : memref<25616xi32, #tpu.memory_space<vmem>>, vector<16xi32>,
      %shift_left3A_284 = vector.broadcast %scan3A_174 : i32 to vector<16xi32>
      %shift_left3A_285 = arith.shli %get3A_283, %shift_left3A_284 : vector<16xi32>
      %bitcast3A_286 = vector.bitcast %shift_left3A_285 : vector<16xi32> to vector<16xf32>
      %add3A_287 = arith.addf %add3A_275, %bitcast3A_286 : vector<16xf32>
      %and3A_288 = vector.broadcast %scan3A_175 : i32 to vector<16xi32>
      %and3A_289 = arith.andi %get3A_283, %and3A_288 : vector<16xi32>
      %bitcast3A_290 = vector.bitcast %and3A_289 : vector<16xi32> to vector<16xf32>
      %add3A_291 = arith.addf %add3A_279, %bitcast3A_290 : vector<16xf32>
      %add3A_292 = arith.constant 144 : i32
      %add3A_293 = arith.addi %multiple_of3A_184, %add3A_292 : i32
      %get3A_294 = arith.index_cast %add3A_293 : i32 to index
      %get3A_295 = tpu.vector_load %arg6[%get3A_294] {strides = array<i32>} : memref<25616xi32, #tpu.memory_space<vmem>>, vector<16xi32>,
      %shift_left3A_296 = vector.broadcast %scan3A_174 : i32 to vector<16xi32>
      %shift_left3A_297 = arith.shli %get3A_295, %shift_left3A_296 : vector<16xi32>
      %bitcast3A_298 = vector.bitcast %shift_left3A_297 : vector<16xi32> to vector<16xf32>
      %add3A_299 = arith.addf %add3A_287, %bitcast3A_298 : vector<16xf32>
      %and3A_300 = vector.broadcast %scan3A_175 : i32 to vector<16xi32>
      %and3A_301 = arith.andi %get3A_295, %and3A_300 : vector<16xi32>
      %bitcast3A_302 = vector.bitcast %and3A_301 : vector<16xi32> to vector<16xf32>
      %add3A_303 = arith.addf %add3A_291, %bitcast3A_302 : vector<16xf32>
      %add3A_304 = arith.constant 160 : i32
      %add3A_305 = arith.addi %multiple_of3A_184, %add3A_304 : i32
      %get3A_306 = arith.index_cast %add3A_305 : i32 to index
      %get3A_307 = tpu.vector_load %arg6[%get3A_306] {strides = array<i32>} : memref<25616xi32, #tpu.memory_space<vmem>>, vector<16xi32>,
      %shift_left3A_308 = vector.broadcast %scan3A_174 : i32 to vector<16xi32>
      %shift_left3A_309 = arith.shli %get3A_307, %shift_left3A_308 : vector<16xi32>
      %bitcast3A_310 = vector.bitcast %shift_left3A_309 : vector<16xi32> to vector<16xf32>
      %add3A_311 = arith.addf %add3A_299, %bitcast3A_310 : vector<16xf32>
      %and3A_312 = vector.broadcast %scan3A_175 : i32 to vector<16xi32>
      %and3A_313 = arith.andi %get3A_307, %and3A_312 : vector<16xi32>
      %bitcast3A_314 = vector.bitcast %and3A_313 : vector<16xi32> to vector<16xf32>
      %add3A_315 = arith.addf %add3A_303, %bitcast3A_314 : vector<16xf32>
      %add3A_316 = arith.constant 176 : i32
      %add3A_317 = arith.addi %multiple_of3A_184, %add3A_316 : i32
      %get3A_318 = arith.index_cast %add3A_317 : i32 to index
      %get3A_319 = tpu.vector_load %arg6[%get3A_318] {strides = array<i32>} : memref<25616xi32, #tpu.memory_space<vmem>>, vector<16xi32>,
      %shift_left3A_320 = vector.broadcast %scan3A_174 : i32 to vector<16xi32>
      %shift_left3A_321 = arith.shli %get3A_319, %shift_left3A_320 : vector<16xi32>
      %bitcast3A_322 = vector.bitcast %shift_left3A_321 : vector<16xi32> to vector<16xf32>
      %add3A_323 = arith.addf %add3A_311, %bitcast3A_322 : vector<16xf32>
      %and3A_324 = vector.broadcast %scan3A_175 : i32 to vector<16xi32>
      %and3A_325 = arith.andi %get3A_319, %and3A_324 : vector<16xi32>
      %bitcast3A_326 = vector.bitcast %and3A_325 : vector<16xi32> to vector<16xf32>
      %add3A_327 = arith.addf %add3A_315, %bitcast3A_326 : vector<16xf32>
      %add3A_328 = arith.constant 192 : i32
      %add3A_329 = arith.addi %multiple_of3A_184, %add3A_328 : i32
      %get3A_330 = arith.index_cast %add3A_329 : i32 to index
      %get3A_331 = tpu.vector_load %arg6[%get3A_330] {strides = array<i32>} : memref<25616xi32, #tpu.memory_space<vmem>>, vector<16xi32>,
      %jit3A = arith.constant 0 : i32
      %broadcast_in_dim3A_332 = vector.broadcast %jit3A : i32 to vector<16xi32>
      %select_n3A = arith.select %lt3A_53, %get3A_331, %broadcast_in_dim3A_332 : vector<16xi1>, vector<16xi32>
      %shift_left3A_333 = vector.broadcast %scan3A_174 : i32 to vector<16xi32>
      %shift_left3A_334 = arith.shli %select_n3A, %shift_left3A_333 : vector<16xi32>
      %bitcast3A_335 = vector.bitcast %shift_left3A_334 : vector<16xi32> to vector<16xf32>
      %add3A_336 = arith.addf %add3A_323, %bitcast3A_335 : vector<16xf32>
      %and3A_337 = vector.broadcast %scan3A_175 : i32 to vector<16xi32>
      %and3A_338 = arith.andi %select_n3A, %and3A_337 : vector<16xi32>
      %bitcast3A_339 = vector.bitcast %and3A_338 : vector<16xi32> to vector<16xf32>
      %add3A_340 = arith.addf %add3A_327, %bitcast3A_339 : vector<16xf32>
      %swap3A = arith.index_cast %scan3A_181 : i32 to index
      %swap3A_341 = arith.constant 0 : index
      %swap3A_342 = tpu.vector_load %arg7[%swap3A, %swap3A_341] {strides = array<i32>} : memref<128x32xf32, #tpu.memory_space<vmem>>, vector<16xf32>,
      tpu.vector_store %arg7[%swap3A, %swap3A_341], %add3A_336 {strides = array<i32>} : memref<128x32xf32, #tpu.memory_space<vmem>>, vector<16xf32>,
      %swap3A_343 = arith.index_cast %scan3A_181 : i32 to index
      %swap3A_344 = arith.constant 16 : index
      %swap3A_345 = tpu.vector_load %arg7[%swap3A_343, %swap3A_344] {strides = array<i32>} : memref<128x32xf32, #tpu.memory_space<vmem>>, vector<16xf32>,
      tpu.vector_store %arg7[%swap3A_343, %swap3A_344], %add3A_340 {strides = array<i32>} : memref<128x32xf32, #tpu.memory_space<vmem>>, vector<16xf32>,
    }
    %scan3A_180 = arith.constant 16 : i32
    "tpu.region"() ({
      %run_scoped3A = tpu.sem_alloc : memref<!tpu.dma_semaphore, #tpu.memory_space<semaphore_mem>>
      %dma_start3A = arith.constant 0 : i32
      %dma_start3A_181 = tpu.memref_slice %arg4[%multiple_of3A, %dma_start3A] : memref<4096x32xf32, #tpu.memory_space<hbm>> -> memref<128x32xf32, #tpu.memory_space<hbm>>
      %dma_start3A_182 = arith.constant 0 : i32
      %dma_start3A_183 = tpu.memref_slice %arg4[%multiple_of3A, %dma_start3A_182] : memref<4096x32xf32, #tpu.memory_space<hbm>> -> memref<128x32xf32, #tpu.memory_space<hbm>>
      tpu.enqueue_dma source(%arg7 : memref<128x32xf32, #tpu.memory_space<vmem>>) target(%dma_start3A_183 : memref<128x32xf32, #tpu.memory_space<hbm>>) target_semaphore(%run_scoped3A : memref<!tpu.dma_semaphore, #tpu.memory_space<semaphore_mem>>)
      %dma_wait3A_184 = arith.constant 0 : i32
      %dma_wait3A_185 = tpu.memref_slice %arg4[%multiple_of3A, %dma_wait3A_184] : memref<4096x32xf32, #tpu.memory_space<hbm>> -> memref<128x32xf32, #tpu.memory_space<hbm>>
      %dma_wait3A_186 = arith.constant 0 : i32
      %dma_wait3A_187 = tpu.memref_slice %arg4[%multiple_of3A, %dma_wait3A_186] : memref<4096x32xf32, #tpu.memory_space<hbm>> -> memref<128x32xf32, #tpu.memory_space<hbm>>
      tpu.wait_dma2 semaphore(%run_scoped3A : memref<!tpu.dma_semaphore, #tpu.memory_space<semaphore_mem>>) src(%arg7 : memref<128x32xf32, #tpu.memory_space<vmem>>) dst(%dma_wait3A_187 : memref<128x32xf32, #tpu.memory_space<hbm>>)
      tpu.yield
    }) : () -> ()
    return
  }
}

module attributes {stable_mosaic.version = 14 : i64} {
  func.func @_mm_body(%arg0: i32, %arg1: memref<2x64xf32, #tpu.memory_space<vmem>>, %arg2: memref<64x16384xf32, #tpu.memory_space<vmem>>, %arg3: memref<16384xi32, #tpu.memory_space<vmem>>) attributes {dimension_semantics = [#tpu.dimension_semantics<arbitrary>], iteration_bounds = array<i64: 62>, scalar_prefetch = 0 : i64, scratch_operands = 0 : i64, tpu.core_type = #tpu.core_type<tc>, window_params = [{pipeline_mode = #tpu.pipeline_mode<synchronous>, transform_indices = @transform_0, window_bounds = array<i64: 2, 64>}, {transform_indices = @transform_1, window_bounds = array<i64: 64, 16384>}, {transform_indices = @transform_2, window_bounds = array<i64: 16384>}]} {
    %get3A = arith.constant 0 : index
    %get3A_0 = arith.constant 0 : index
    %get3A_1 = vector.load %arg1[%get3A, %get3A_0] : memref<2x64xf32, #tpu.memory_space<vmem>>, vector<2x64xf32>
    %mul3A = arith.constant 5.000000e-03 : f32
    %mul3A_2 = vector.broadcast %mul3A : f32 to vector<2x64xf32>
    %mul3A_3 = arith.mulf %get3A_1, %mul3A_2 : vector<2x64xf32>
    %get3A_4 = arith.constant 0 : index
    %get3A_5 = arith.constant 0 : index
    %get3A_6 = vector.load %arg2[%get3A_4, %get3A_5] : memref<64x16384xf32, #tpu.memory_space<vmem>>, vector<64x16384xf32>
    %dot_general3A = arith.constant dense<0.000000e+00> : vector<2x16384xf32>
    %dot_general3A_7 = tpu.matmul %mul3A_3, %get3A_6, %dot_general3A {dimension_numbers = #tpu.dot_dimension_numbers<[1], [0], [0], [1], [0, 0, 1, 1], [], []>, transpose_lhs_hint = false} : vector<2x64xf32>, vector<64x16384xf32>, vector<2x16384xf32> -> vector<2x16384xf32>
    %slice3A = vector.extract_strided_slice %dot_general3A_7 {offsets = [0, 0], sizes = [1, 16384], strides = [1, 1]} : vector<2x16384xf32> to vector<1x16384xf32>
    %squeeze3A = vector.shape_cast %slice3A : vector<1x16384xf32> to vector<16384xf32>
    %bitcast_convert_type3A = tpu.bitcast %squeeze3A : vector<16384xf32> -> vector<16384xi32>
    %slice3A_8 = vector.extract_strided_slice %dot_general3A_7 {offsets = [1, 0], sizes = [1, 16384], strides = [1, 1]} : vector<2x16384xf32> to vector<1x16384xf32>
    %squeeze3A_9 = vector.shape_cast %slice3A_8 : vector<1x16384xf32> to vector<16384xf32>
    %bitcast_convert_type3A_10 = tpu.bitcast %squeeze3A_9 : vector<16384xf32> -> vector<16384xi32>
    %add3A = arith.constant 32768 : i32
    %add3A_11 = vector.broadcast %add3A : i32 to vector<16384xi32>
    %add3A_12 = arith.addi %bitcast_convert_type3A, %add3A_11 : vector<16384xi32>
    %shift_right_logical3A = arith.constant 16 : i32
    %shift_right_logical3A_13 = vector.broadcast %shift_right_logical3A : i32 to vector<16384xi32>
    %shift_right_logical3A_14 = arith.shrui %add3A_12, %shift_right_logical3A_13 : vector<16384xi32>
    %add3A_15 = arith.constant 32768 : i32
    %add3A_16 = vector.broadcast %add3A_15 : i32 to vector<16384xi32>
    %add3A_17 = arith.addi %bitcast_convert_type3A_10, %add3A_16 : vector<16384xi32>
    %and3A = arith.constant -65536 : i32
    %and3A_18 = vector.broadcast %and3A : i32 to vector<16384xi32>
    %and3A_19 = arith.andi %add3A_17, %and3A_18 : vector<16384xi32>
    %or3A = arith.ori %shift_right_logical3A_14, %and3A_19 : vector<16384xi32>
    %swap3A = arith.constant 0 : index
    %swap3A_20 = vector.load %arg3[%swap3A] : memref<16384xi32, #tpu.memory_space<vmem>>, vector<16384xi32>
    tpu.vector_store %arg3[%swap3A], %or3A {strides = array<i32>} : memref<16384xi32, #tpu.memory_space<vmem>>, vector<16384xi32>,
    return
  }
  func.func @transform_0(%arg0: i32) -> (i32, i32) {
    %c0_i32 = arith.constant 0 : i32
    %c0_i32_0 = arith.constant 0 : i32
    %c0_i32_1 = arith.constant 0 : i32
    return %c0_i32, %c0_i32_0 : i32, i32
  }
  func.func @transform_1(%arg0: i32) -> (i32, i32) {
    %c0_i32 = arith.constant 0 : i32
    %c0_i32_0 = arith.constant 0 : i32
    return %c0_i32, %arg0 : i32, i32
  }
  func.func @transform_2(%arg0: i32) -> i32 {
    %c0_i32 = arith.constant 0 : i32
    return %arg0 : i32
  }
}

module attributes {stable_mosaic.version = 14 : i64} {
  func.func @_fold_body(%arg0: memref<4096x32xf32, #tpu.memory_space<vmem>>, %arg1: memref<1x2xf32, #tpu.memory_space<vmem>>, %arg2: memref<4096x2xf32, #tpu.memory_space<vmem>>) attributes {dimension_semantics = [], scalar_prefetch = 0 : i64, scratch_operands = 0 : i64, tpu.core_type = #tpu.core_type<tc>} {
    %iota3A = tpu.iota {dimensions = array<i32: 0>} : vector<32x2xi32>
    %iota3A_0 = tpu.iota {dimensions = array<i32: 1>} : vector<32x2xi32>
    %jit3A = arith.constant 16 : i32
    %div3A = vector.broadcast %jit3A : i32 to vector<32x2xi32>
    %div3A_1 = arith.divsi %iota3A, %div3A : vector<32x2xi32>
    %sign3A = arith.constant 0 : i32
    %sign3A_2 = vector.broadcast %sign3A : i32 to vector<32x2xi32>
    %sign3A_3 = arith.cmpi sgt, %iota3A, %sign3A_2 : vector<32x2xi32>
    %sign3A_4 = arith.extui %sign3A_3 : vector<32x2xi1> to vector<32x2xi32>
    %sign3A_5 = arith.constant 0 : i32
    %sign3A_6 = vector.broadcast %sign3A_5 : i32 to vector<32x2xi32>
    %sign3A_7 = arith.cmpi slt, %iota3A, %sign3A_6 : vector<32x2xi32>
    %sign3A_8 = arith.extui %sign3A_7 : vector<32x2xi1> to vector<32x2xi32>
    %sign3A_9 = arith.subi %sign3A_4, %sign3A_8 : vector<32x2xi32>
    %sign3A_10 = arith.constant 0 : i32
    %sign3A_11 = arith.cmpi sgt, %jit3A, %sign3A_10 : i32
    %sign3A_12 = arith.extui %sign3A_11 : i1 to i32
    %sign3A_13 = arith.constant 0 : i32
    %sign3A_14 = arith.cmpi slt, %jit3A, %sign3A_13 : i32
    %sign3A_15 = arith.extui %sign3A_14 : i1 to i32
    %sign3A_16 = arith.subi %sign3A_12, %sign3A_15 : i32
    %ne3A = vector.broadcast %sign3A_16 : i32 to vector<32x2xi32>
    %ne3A_17 = arith.cmpi ne, %sign3A_9, %ne3A : vector<32x2xi32>
    %rem3A = vector.broadcast %jit3A : i32 to vector<32x2xi32>
    %rem3A_18 = arith.remsi %iota3A, %rem3A : vector<32x2xi32>
    %ne3A_19 = arith.constant 0 : i32
    %ne3A_20 = vector.broadcast %ne3A_19 : i32 to vector<32x2xi32>
    %ne3A_21 = arith.cmpi ne, %rem3A_18, %ne3A_20 : vector<32x2xi32>
    %and3A = arith.andi %ne3A_17, %ne3A_21 : vector<32x2xi1>
    %sub3A = arith.constant 1 : i32
    %sub3A_22 = vector.broadcast %sub3A : i32 to vector<32x2xi32>
    %sub3A_23 = arith.subi %div3A_1, %sub3A_22 : vector<32x2xi32>
    %select_n3A = arith.select %and3A, %sub3A_23, %div3A_1 : vector<32x2xi1>, vector<32x2xi32>
    %eq3A = arith.cmpi eq, %select_n3A, %iota3A_0 : vector<32x2xi32>
    %convert_element_type3A = arith.extui %eq3A : vector<32x2xi1> to vector<32x2xi32>
    %convert_element_type3A_24 = arith.sitofp %convert_element_type3A : vector<32x2xi32> to vector<32x2xf32>
    %get3A = arith.constant 0 : index
    %get3A_25 = arith.constant 0 : index
    %get3A_26 = vector.load %arg0[%get3A, %get3A_25] : memref<4096x32xf32, #tpu.memory_space<vmem>>, vector<4096x32xf32>
    %dot_general3A = arith.constant dense<0.000000e+00> : vector<4096x2xf32>
    %dot_general3A_27 = tpu.matmul %get3A_26, %convert_element_type3A_24, %dot_general3A {dimension_numbers = #tpu.dot_dimension_numbers<[1], [0], [0], [1], [0, 0, 1, 1], [], []>, transpose_lhs_hint = false} : vector<4096x32xf32>, vector<32x2xf32>, vector<4096x2xf32> -> vector<4096x2xf32>
    %get3A_28 = arith.constant 0 : index
    %get3A_29 = arith.constant 0 : index
    %get3A_30 = vector.load %arg1[%get3A_28, %get3A_29] : memref<1x2xf32, #tpu.memory_space<vmem>>, vector<1x2xf32>
    %add3A = vector.broadcast %get3A_30 : vector<1x2xf32> to vector<4096x2xf32>
    %add3A_31 = arith.addf %dot_general3A_27, %add3A : vector<4096x2xf32>
    %swap3A = arith.constant 0 : index
    %swap3A_32 = arith.constant 0 : index
    %swap3A_33 = vector.load %arg2[%swap3A, %swap3A_32] : memref<4096x2xf32, #tpu.memory_space<vmem>>, vector<4096x2xf32>
    tpu.vector_store %arg2[%swap3A, %swap3A_32], %add3A_31 {strides = array<i32>} : memref<4096x2xf32, #tpu.memory_space<vmem>>, vector<4096x2xf32>,
    return
  }
}

</mosaic_0001>

<sc_bundles>
// kernel: kernel.5.cloned.1.call-start
scs
__scs_entry_jumppad:
0x0: {  	(pc) =	sbr.rel $0x88, $3  }
0x1: {  	(tag) =	ssettag $0x0;
	lr =	simm.s32 $0x1  }
0x2: {  	[smem:$0x3F9D] =	sst lr;
	_ =	strace $0xD0000000  }
0x3: {  	_ = 	snop  }
0x4: {  	_ = 	snop  }
0x5: {  	_ = 	snop  }
0x6: {  	_ = 	snop  }
0x7: {  	_ = 	snop  }
__scs_overlays_trampoline_lowered:
0x8: {  	[smem:$0x3FAC] =	sst s0  }
0x9: {  	[smem:$0x3FAD] =	sst s1  }
0xa: {  	[smem:$0x3FAE] =	sst s2  }
0xb: {  	[smem:$0x3FAF] =	sst s3  }
0xc: {  	[smem:$0x3FB0] =	sst s4  }
0xd: {  	[smem:$0x3FB1] =	sst s5  }
0xe: {  	[smem:$0x3FB2] =	sst s6  }
0xf: {  	[smem:$0x3FB3] =	sst s7  }
0x10: {  	[smem:$0x3FB4] =	sst s8  }
0x11: {  	[smem:$0x3FB5] =	sst s9;
	s0 =	simm.s32 @!p0 $0x0  }
0x12: {  	s1 =	sld [smem:$0x3F9B];
	s0 =	simm.s32 @p0 $0x1  }
0x13: {  	[smem:$0x3FB6] =	sst s0;
	s0 =	simm.s32 @!p1 $0x0  }
0x14: {  	s2 =	sld [smem:$0x3F9A];
	s0 =	simm.s32 @p1 $0x1  }
0x15: {  	[smem:$0x3FB7] =	sst s0;
	s0 =	simm.s32 @!p2 $0x0  }
0x16: {  	s3 =	sld [smem:$0x3FDB];
	s0 =	simm.s32 @p2 $0x1  }
0x17: {  	s4 =	simm.s32 $0x1BF5;
	[smem:$0x3FB9] =	sst s0  }
0x18: {  	s0 =	sld [smem:$0x3F9C];
	_ =	swait.ge [sflag:s4], $0x0  }
0x19: {  	s7 =	sld [smem:$0x3F9D]  }
0x1a: {  	s8 =	sadd.s32 $0xFFFFE003, lr  }
0x1b: {  	s9 =	sadd.s32 $0xFFFFFEF7, lr;
	s5 =	simm.s32 $0xFFFFFFFF;
	p2 =	slt.u32 s8, $0xFFFFF086  }
0x1c: {  	p1 =	slt.u32 s9, $0xF7A;
	s5 =	simm.s32 @!p2 $0x0  }
0x1d: {  	s5 =	simm.s32 @p1 $0x1;
	p0 =	seq.s32 s7, s2  }
0x1e: {  	s7 =	smul.u32 @!p0 $0xF7A, s2;
	p2 =	seq.s32 @!p0 s5, $0x0  }
0x1f: {  	s9 =	smul.u32 $0xF7A, s1;
	s8 =	simm.s32 @!p0 $0x1BF5;
	p2 =	por !p2, p0  }
0x20: {  	[sflag:s8] =	ssyncset.s32 @!p0 $0xFFFFF086;
	s6 =	sadd.s32 @!p0 s3, s7;
	s7 =	simm.s32 @!p0 $0x108  }
0x21: {  	s3 =	sadd.s32 s3, s9;
	s6 =	sadd.s32 @!p0 $0x88, s6;
	s7 =	simm.s32 @p2 $0x1082  }
0x22: {  	[simem:s7], [sflag:s8] =	dma.local @!p0 [hbm:s6], $0xF7A  }
0x23: {  	s9 =	sor.u32 $0xD0000000, s2;
	s6 =	simm.s32 $0x108;
	_ =	swait.ge @!p0 [sflag:s8], $0x0  }
0x24: {  	s3 =	sadd.s32 $0x88, s3;
	s6 =	simm.s32 @!p1 $0x1082;
	[sflag:s4] =	ssyncset.s32 $0xFFFFF086  }
0x25: {  	[simem:s6], [sflag:s4] =	dma.local [hbm:s3], $0xF7A  }
0x26: {  	[smem:$0x3F9D] =	sst s1;
	(tag) =	ssettag s2;
	_ =	strace s9  }
0x27: {  	s1 =	sld [smem:$0x3FAD]  }
0x28: {  	s2 =	sld [smem:$0x3FAE]  }
0x29: {  	s4 =	sld [smem:$0x3FB0]  }
0x2a: {  	p0 =	seq.s32 s5, $0x0;
	s5 =	sld [smem:$0x3FB1]  }
0x2b: {  	s6 =	sld [smem:$0x3FB2]  }
0x2c: {  	s7 =	sld [smem:$0x3FB3]  }
0x2d: {  	s3 =	simm.s32 $0x108;
	s8 =	sld [smem:$0x3FB4]  }
0x2e: {  	s3 =	simm.s32 @!p0 $0x1082;
	s9 =	sld [smem:$0x3FB5]  }
0x2f: {  	lr =	sadd.s32 s0, s3;
	s0 =	sld [smem:$0x3FAC]  }
0x30: {  	s3 =	sld [smem:$0x3FAF]  }
0x31: {  	[smem:$0x3FB8] =	sst s10  }
0x32: {  	s10 =	sld [smem:$0x3FB6];
	_ =	sdelay $0x3  }
0x33: {  	p0 =	seq.s32 s10, $0x1;
	s10 =	sld [smem:$0x3FB8];
	_ =	sdelay $0x3  }
0x34: {  	[smem:$0x3FB8] =	sst s10  }
0x35: {  	s10 =	sld [smem:$0x3FB7];
	_ =	sdelay $0x3  }
0x36: {  	p1 =	seq.s32 s10, $0x1;
	s10 =	sld [smem:$0x3FB8];
	_ =	sdelay $0x3  }
0x37: {  	[smem:$0x3FB8] =	sst s10  }
0x38: {  	s10 =	sld [smem:$0x3FB9]  }
0x39: {  	_ = 	snop;
	(pc) =	sbr.ind lr, $3  }
0x3a: {  	_ = 	snop  }
0x3b: {  	_ = 	snop  }
0x3c: {  	p2 =	seq.s32 s10, $0x1;
	s10 =	sld [smem:$0x3FB8]  }
0x3d: {  	_ =	shalt  }
0x3e: {  	_ =	shalt  }
0x3f: {  	_ =	shalt  }
0x40: {  	_ =	shalt  }
0x41: {  	_ =	shalt  }
0x42: {  	_ =	shalt  }
0x43: {  	_ =	shalt  }
0x44: {  	_ =	shalt  }
0x45: {  	_ =	shalt  }
0x46: {  	_ =	shalt  }
0x47: {  	_ =	shalt  }
0x48: {  	_ =	shalt  }
0x49: {  	_ =	shalt  }
0x4a: {  	_ =	shalt  }
0x4b: {  	_ =	shalt  }
0x4c: {  	_ =	shalt  }
0x4d: {  	_ =	shalt  }
0x4e: {  	_ =	shalt  }
0x4f: {  	_ =	shalt  }
0x50: {  	_ =	shalt  }
0x51: {  	_ =	shalt  }
0x52: {  	_ =	shalt  }
0x53: {  	_ =	shalt  }
0x54: {  	_ =	shalt  }
0x55: {  	_ =	shalt  }
0x56: {  	_ =	shalt  }
0x57: {  	_ =	shalt  }
0x58: {  	_ =	shalt  }
0x59: {  	_ =	shalt  }
0x5a: {  	_ =	shalt  }
0x5b: {  	_ =	shalt  }
0x5c: {  	_ =	shalt  }
0x5d: {  	_ =	shalt  }
0x5e: {  	_ =	shalt  }
0x5f: {  	_ =	shalt  }
0x60: {  	_ =	shalt  }
0x61: {  	_ =	shalt  }
0x62: {  	_ =	shalt  }
0x63: {  	_ =	shalt  }
0x64: {  	_ =	shalt  }
0x65: {  	_ =	shalt  }
0x66: {  	_ =	shalt  }
0x67: {  	_ =	shalt  }
0x68: {  	_ =	shalt  }
0x69: {  	_ =	shalt  }
0x6a: {  	_ =	shalt  }
0x6b: {  	_ =	shalt  }
0x6c: {  	_ =	shalt  }
0x6d: {  	_ =	shalt  }
0x6e: {  	_ =	shalt  }
0x6f: {  	_ =	shalt  }
0x70: {  	_ =	shalt  }
0x71: {  	_ =	shalt  }
0x72: {  	_ =	shalt  }
0x73: {  	_ =	shalt  }
0x74: {  	_ =	shalt  }
0x75: {  	_ =	shalt  }
0x76: {  	_ =	shalt  }
0x77: {  	_ =	shalt  }
0x78: {  	_ =	shalt  }
0x79: {  	_ =	shalt  }
0x7a: {  	_ =	shalt  }
0x7b: {  	_ =	shalt  }
0x7c: {  	_ =	shalt  }
0x7d: {  	_ =	shalt  }
0x7e: {  	_ =	shalt  }
0x7f: {  	_ =	shalt  }
0x80: {  	_ =	shalt  }
0x81: {  	_ =	shalt  }
0x82: {  	_ =	shalt  }
0x83: {  	_ =	shalt  }
0x84: {  	_ =	shalt  }
0x85: {  	_ =	shalt  }
0x86: {  	_ =	shalt  }
0x87: {  	_ =	shalt  }
.Lfunc_end0:
.L_simem_size_0:
called_computation_lowered:
.L_overlay_start_0:
0x88: {  	s2 =	sld [smem:$0x3FD9]  }
0x89: {  	s3 =	sld [smem:$0x3FFE];
	_ =	sdelay $0x1  }
0x8a: {  	s1 =	srdreg.scid  }
0x8b: {  	s0 =	sand.u32 $0x1, s1  }
0x8c: {  	s16 =	sshll.u32 s0, $0xA;
	s2 =	sadd.s32 s3, s2  }
0x8d: {  	s2 =	sadd.s32 s2, s16  }
0x8e: {  	[smem:$0x3FC4] =	sst s2  }
0x8f: {  	_ = 	snop  }
0x90: {  	(tm) =	ssettm $0x1  }
0x91: {  	s17 =	sld [smem:$0x3FFB];
	_ =	sdelay $0x3  }
0x92: {  	_ =	strace s17  }
0x93: {  	s2 =	sld [smem:$0x3FFC];
	_ =	sdelay $0x3  }
0x94: {  	_ =	strace s2  }
0x95: {  	s2 =	sld [smem:$0x3FFD];
	_ =	sdelay $0x3  }
0x96: {  	_ =	strace s2  }
0x97: {  	_ =	strace $0x8FFFFFFF  }
0x98: {  	s18 =	sld [smem:$0x3FDB];
	_ =	sdelay $0x1  }
0x99: {  	s19 =	simm.s32 $_scs_section_size  }
0x9a: {  	s4 =	simm.s32 $_size__tile_overlayer_lowered;
	s5 =	simm.s32 $_tile_overlayer_lowered  }
0x9b: {  	s22 =	simm.s32 $0x1BFF;
	s21 =	sshll.u32 s5, $0x1;
	s2 =	sadd.s32 s19, s18  }
0x9c: {  	s6 =	simm.s32 $0x0;
	s20 =	sshll.u32 s4, $0x1;
	s4 =	sadd.s32 s21, s2  }
0x9d: {  	[timem:s6], [sflag:s22] =	dma.local [hbm:s4], s20  }
0x9e: {  	_ =	swait.ge [sflag:s22], s20  }
0x9f: {  	s3 =	ssub.s32 $0x0, s20;
	[sflag:s22] =	ssyncset.done $0x0  }
0xa0: {  	[sflag:s22] =	ssyncadd.s32 s3;
	_ =	sdelay $0x1  }
0xa1: {  	s23 =	simm.s32 $0x1B8B  }
0xa2: {  	_ =	swait.ge [sflag:s23], $0x1  }
0xa3: {  	[sflag:s23] =	ssyncset.done $0x0  }
0xa4: {  	s25 =	simm.s32 $0x1B8E;
	s24 =	sld [smem:$0x3FFE];
	[sflag:s23] =	ssyncadd.s32 $0xFFFFFFFF  }
0xa5: {  	s26 =	simm.s32 $execute0_lowered;
	[smem:$0x3FD2] =	sst s25  }
0xa6: {  	s4 =	sshll.u32 s26, $0x1;
	_ =	strace $0x80000046;
	[dreg:$0x1] =	wrdreg $0xFFFFFFFF  }
0xa7: {  	s28 =	simm.s32 $_size_execute0_lowered;
	s2 =	sadd.s32 s2, s4;
	[dreg:$0x0] =	wrdreg $0x0  }
0xa8: {  	s4 =	sshll.u32 s28, $0x1;
	[dreg:$0x2] =	wrdreg s2  }
0xa9: {  	[dreg:$0x3] =	wrdreg s4  }
0xaa: {  	[dreg:$0x4] =	wrdreg $0xC0  }
0xab: {  	_ =	task [dreg:s6], $0x5FFFF  }
0xac: {  	[dreg:$0x1] =	wrdreg $0xFFFFFFFF  }
0xad: {  	[dreg:$0x0] =	wrdreg $0x60  }
0xae: {  	[dreg:$0x2] =	wrdreg s24  }
0xaf: {  	[dreg:$0x3] =	wrdreg $0x9  }
0xb0: {  	_ =	task.clear_ibuf [dreg:s6], $0x4FFFF;
	_ =	strace $0x90000046  }
0xb1: {  	s29 =	simm.s32 $0x9;
	_ =	strace $0x80000048  }
0xb2: {  	_ =	swait.ge [sflag:s29], $0x1  }
0xb3: {  	[sflag:s29] =	ssyncadd.s32 $0xFFFFFFFF  }
0xb4: {  	_ =	strace $0x90000048  }
0xb5: {  	_ =	sfence  }
0xb6: {  	s30 =	sld [smem:$0x0];
	_ =	sdelay $0x2  }
0xb7: {  	s31 =	sshll.u32 s1, $0xD;
	s1 =	sshrl.u32 s1, $0x2  }
0xb8: {  	s3 =	sand.u32 $0x4000, s31;
	s1 =	sadd.s32 s1, s30  }
0xb9: {  	s0 =	sor.u32 s3, s0;
	s1 =	sshll.u32 s1, $0x11  }
0xba: {  	s0 =	sor.u32 s1, s0  }
0xbb: {  	s0 =	sadd.s32 $0x8F2B, s0  }
0xbc: {  	[sflag:s0] =	ssyncadd.remote.s32 $0x1  }
0xbd: {  	_ =	sfence.sel $0xFFFF  }
0xbe: {  	[dreg:$0x0] =	wrdreg $0xFFFFFFFF;
	(pc) =	sbr.abs _section_cstart, $3  }
0xbf: {  	[dreg:$0x1] =	wrdreg $0xFFFFFFFF  }
0xc0: {  	_ =	task.clear_ibuf [dreg:s6], $0x2FFFF;
	_ =	strace $0x9FFFFFFF  }
0xc1: {  	(tm) =	ssettm $0x7FFFFFFF  }
tec
execute0_lowered:
.L_overlay_start_1:
0x0: {  	(tag) =	ssettag $0x1  }
0x1: {  	s0 =	srdreg.scid  }
0x2: {  	s2 =	stileid.u32;
	s1 =	rddreg [dreg:$0x0];
	s7 =	simm.s32 $0x9  }
0x3: {  	s8 =	simm.s32 $0x80;
	s23 =	simm.s32 $0xA00;
	s24 =	simm.s32 $0x6E00  }
0x4: {  	s25 =	simm.s32 $0xA80;
	s26 =	simm.s32 $0x6E80;
	s28 =	simm.s32 $0xB00  }
0x5: {  	s29 =	simm.s32 $0x6F00;
	s30 =	simm.s32 $0xB80;
	s31 =	simm.s32 $0x6F80  }
0x6: {  	s9 =	simm.s32 $0x1;
	s10 =	simm.s32 $0x2;
	s11 =	simm.s32 $0x3  }
0x7: {  	s12 =	simm.s32 $0x4;
	s13 =	simm.s32 $0x5;
	s14 =	simm.s32 $0x6  }
0x8: {  	s15 =	simm.s32 $0x7;
	s16 =	simm.s32 $0x8;
	s17 =	simm.s32 $0xC810  }
0x9: {  	s18 =	simm.s32 $0x0;
	s0 =	sand.u32 $0x1, s0;
	s3 =	sshll.u32 s2, $0x8  }
0xa: {  	s2 =	simm.s32 $0x0;
	s4 =	sshll.u32 s0, $0x7;
	s0 =	ssub.s32 $0x2, s0  }
0xb: {  	[smem:$0x7FF] =	sst s2;
	s3 =	sor.u32 s4, s3;
	s6 =	sshrl.u32 s0, $0x1  }
0xc: {  	_ =	strace $0x80000047;
	s4 =	smul.u32 $0x19, s3;
	s0 =	ssub.s32 s0, s6  }
0xd: {  	s5 =	sshll.u32 s3, $0x2;
	s3 =	sadd.s32 $0x19A00, s1;
	s6 =	smax.u32 s0, $0x1  }
0xe: {  	s0 =	simm.s32 $0x7000;
	s4 =	sadd.s32 s4, s1;
	s1 =	sadd.s32 s5, s1  }
0xf: {  	vm0 =	vmmov $0xff;
	s4 =	sadd.s32 $0xA00, s4;
	s5 =	sadd.s32 $0x38400, s1;
	s1 =	simm.s32 $0xC00  }
.LBB2_1:
0x10: {  	[tilespmem:s2], [sflag:$0x9] =	stream.linear.gather [hbm4b:s4+s2], $0x6400, $0x38;
	[tilespmem:$0xD810] =	vst v63  }
0x11: {  	_ =	swait.ge [sflag:s7], $0x6400  }
0x12: {  	[sflag:s7] =	ssyncset.done $0x0  }
0x13: {  	s19 =	simm.s32 $0x6400;
	[sflag:s7] =	ssyncadd.s32 $0xFFFF9C00  }
0x14: {  	[tilespmem:s19], [sflag:$0x1] =	stream.indirect.gather [hbm4b:s3+s8], $0x1, s2, s8, $0xb8;
	[tilespmem:$0xD810] =	vst v63  }
0x15: {  	s21 =	simm.s32 $0x6480  }
0x16: {  	[tilespmem:s21], [sflag:$0x1] =	stream.indirect.gather [hbm4b:s3+s8], $0x1, s8, s8, $0xb8;
	[tilespmem:$0xD810] =	vst v63  }
0x17: {  	s22 =	simm.s32 $0x100;
	s20 =	simm.s32 $0x6500  }
0x18: {  	[tilespmem:s20], [sflag:$0x1] =	stream.indirect.gather [hbm4b:s3+s8], $0x1, s22, s8, $0xb8;
	[tilespmem:$0xD810] =	vst v63  }
0x19: {  	s21 =	simm.s32 $0x180;
	s22 =	simm.s32 $0x6580  }
0x1a: {  	[tilespmem:s22], [sflag:$0x1] =	stream.indirect.gather [hbm4b:s3+s8], $0x1, s21, s8, $0xb8;
	[tilespmem:$0xD810] =	vst v63  }
0x1b: {  	s21 =	simm.s32 $0x200;
	s22 =	simm.s32 $0x6600  }
0x1c: {  	[tilespmem:s22], [sflag:$0x1] =	stream.indirect.gather [hbm4b:s3+s8], $0x1, s21, s8, $0xb8;
	[tilespmem:$0xD810] =	vst v63  }
0x1d: {  	s21 =	simm.s32 $0x280;
	s22 =	simm.s32 $0x6680  }
0x1e: {  	[tilespmem:s22], [sflag:$0x1] =	stream.indirect.gather [hbm4b:s3+s8], $0x1, s21, s8, $0xb8;
	[tilespmem:$0xD810] =	vst v63  }
0x1f: {  	s21 =	simm.s32 $0x300;
	s22 =	simm.s32 $0x6700  }
0x20: {  	[tilespmem:s22], [sflag:$0x1] =	stream.indirect.gather [hbm4b:s3+s8], $0x1, s21, s8, $0xb8;
	[tilespmem:$0xD810] =	vst v63  }
0x21: {  	s21 =	simm.s32 $0x380;
	s22 =	simm.s32 $0x6780  }
0x22: {  	[tilespmem:s22], [sflag:$0x1] =	stream.indirect.gather [hbm4b:s3+s8], $0x1, s21, s8, $0xb8;
	[tilespmem:$0xD810] =	vst v63  }
0x23: {  	s21 =	simm.s32 $0x400;
	s22 =	simm.s32 $0x6800  }
0x24: {  	[tilespmem:s22], [sflag:$0x1] =	stream.indirect.gather [hbm4b:s3+s8], $0x1, s21, s8, $0xb8;
	[tilespmem:$0xD810] =	vst v63  }
0x25: {  	s21 =	simm.s32 $0x480;
	s22 =	simm.s32 $0x6880  }
0x26: {  	[tilespmem:s22], [sflag:$0x1] =	stream.indirect.gather [hbm4b:s3+s8], $0x1, s21, s8, $0xb8;
	[tilespmem:$0xD810] =	vst v63  }
0x27: {  	s21 =	simm.s32 $0x500;
	s22 =	simm.s32 $0x6900  }
0x28: {  	[tilespmem:s22], [sflag:$0x1] =	stream.indirect.gather [hbm4b:s3+s8], $0x1, s21, s8, $0xb8;
	[tilespmem:$0xD810] =	vst v63  }
0x29: {  	s21 =	simm.s32 $0x580;
	s22 =	simm.s32 $0x6980  }
0x2a: {  	[tilespmem:s22], [sflag:$0x1] =	stream.indirect.gather [hbm4b:s3+s8], $0x1, s21, s8, $0xb8;
	[tilespmem:$0xD810] =	vst v63  }
0x2b: {  	s21 =	simm.s32 $0x600;
	s22 =	simm.s32 $0x6A00  }
0x2c: {  	[tilespmem:s22], [sflag:$0x1] =	stream.indirect.gather [hbm4b:s3+s8], $0x1, s21, s8, $0xb8;
	[tilespmem:$0xD810] =	vst v63  }
0x2d: {  	s21 =	simm.s32 $0x680;
	s22 =	simm.s32 $0x6A80  }
0x2e: {  	[tilespmem:s22], [sflag:$0x1] =	stream.indirect.gather [hbm4b:s3+s8], $0x1, s21, s8, $0xb8;
	[tilespmem:$0xD810] =	vst v63  }
0x2f: {  	s21 =	simm.s32 $0x700;
	s22 =	simm.s32 $0x6B00  }
0x30: {  	[tilespmem:s22], [sflag:$0x1] =	stream.indirect.gather [hbm4b:s3+s8], $0x1, s21, s8, $0xb8;
	[tilespmem:$0xD810] =	vst v63  }
0x31: {  	s21 =	simm.s32 $0x780;
	s22 =	simm.s32 $0x6B80  }
0x32: {  	[tilespmem:s22], [sflag:$0x1] =	stream.indirect.gather [hbm4b:s3+s8], $0x1, s21, s8, $0xb8;
	[tilespmem:$0xD810] =	vst v63  }
0x33: {  	s21 =	simm.s32 $0x800;
	s22 =	simm.s32 $0x6C00  }
0x34: {  	[tilespmem:s22], [sflag:$0x1] =	stream.indirect.gather [hbm4b:s3+s8], $0x1, s21, s8, $0xb8;
	[tilespmem:$0xD810] =	vst v63  }
0x35: {  	s21 =	simm.s32 $0x880;
	s22 =	simm.s32 $0x6C80  }
0x36: {  	[tilespmem:s22], [sflag:$0x1] =	stream.indirect.gather [hbm4b:s3+s8], $0x1, s21, s8, $0xb8;
	[tilespmem:$0xD810] =	vst v63  }
0x37: {  	s21 =	simm.s32 $0x900;
	s22 =	simm.s32 $0x6D00  }
0x38: {  	[tilespmem:s22], [sflag:$0x1] =	stream.indirect.gather [hbm4b:s3+s8], $0x1, s21, s8, $0xb8;
	[tilespmem:$0xD810] =	vst v63  }
0x39: {  	s21 =	simm.s32 $0x980;
	s22 =	simm.s32 $0x6D80  }
0x3a: {  	[tilespmem:s22], [sflag:$0x1] =	stream.indirect.gather [hbm4b:s3+s8], $0x1, s21, s8, $0xb8;
	[tilespmem:$0xD810] =	vst v63  }
0x3b: {  	_ = 	snop  }
0x3c: {  	[tilespmem:s24], [sflag:$0x1] =	stream.indirect.gather [hbm4b:s3+s8], $0x1, s23, s8, $0xb8;
	[tilespmem:$0xD810] =	vst v63  }
0x3d: {  	_ = 	snop  }
0x3e: {  	[tilespmem:s26], [sflag:$0x1] =	stream.indirect.gather [hbm4b:s3+s8], $0x1, s25, s8, $0xb8;
	[tilespmem:$0xD810] =	vst v63  }
0x3f: {  	_ = 	snop  }
0x40: {  	[tilespmem:s29], [sflag:$0x1] =	stream.indirect.gather [hbm4b:s3+s8], $0x1, s28, s8, $0xb8;
	[tilespmem:$0xD810] =	vst v63  }
0x41: {  	_ = 	snop  }
0x42: {  	[tilespmem:s31], [sflag:$0x1] =	stream.indirect.gather [hbm4b:s3+s8], $0x1, s30, s8, $0xb8;
	[tilespmem:$0xD810] =	vst v63  }
0x43: {  	s19 =	simm.s32 $0x200;
	s20 =	simm.s32 $0x7080;
	s21 =	simm.s32 $0xC80  }
0x44: {  	[tilespmem:s0], [sflag:$0x1] =	stream.indirect.gather [hbm4b:s3+s8], $0x1, s1, s8, $0xb8;
	[tilespmem:$0xD810] =	vst v63  }
.LBB2_2:
0x45: {  	[tilespmem:s20], [sflag:$0x2] =	stream.indirect.gather [hbm4b:s3+s8], $0x1, s21, s8, $0xb8;
	[tilespmem:$0xD810] =	vst v63  }
0x46: {  	s20 =	smov.u32 s19;
	p0 =	sne.s32 s19, $0x3000  }
.Ltmp0:
0x47: {  	s19 =	sadd.s32 $0x200, s19;
	(pc) =	sbr.rel @p0 .LBB2_2-.Ltmp0, $3  }
0x48: {  	_ =	sdelay $0x1  }
0x49: {  	s21 =	sshra.s32 s20, $0x2  }
0x4a: {  	s20 =	sadd.s32 $0x7080, s21;
	s21 =	sadd.s32 $0xC80, s21  }
0x4b: {  	[tilespmem:s20], [sflag:$0x2] =	stream.indirect.gather [hbm4b:s3+s8], $0x1, s21, s8, $0xb8;
	[tilespmem:$0xD810] =	vst v63  }
0x4c: {  	s19 =	simm.s32 $0x200;
	s20 =	simm.s32 $0x7D00;
	s21 =	simm.s32 $0x1900  }
.LBB2_4:
0x4d: {  	[tilespmem:s20], [sflag:$0x3] =	stream.indirect.gather [hbm4b:s3+s8], $0x1, s21, s8, $0xb8;
	[tilespmem:$0xD810] =	vst v63  }
0x4e: {  	s20 =	smov.u32 s19;
	p0 =	sne.s32 s19, $0x3000  }
.Ltmp1:
0x4f: {  	s19 =	sadd.s32 $0x200, s19;
	(pc) =	sbr.rel @p0 .LBB2_4-.Ltmp1, $3  }
0x50: {  	_ =	sdelay $0x1  }
0x51: {  	s21 =	sshra.s32 s20, $0x2  }
0x52: {  	s20 =	sadd.s32 $0x7D00, s21;
	s21 =	sadd.s32 $0x1900, s21  }
0x53: {  	[tilespmem:s20], [sflag:$0x3] =	stream.indirect.gather [hbm4b:s3+s8], $0x1, s21, s8, $0xb8;
	[tilespmem:$0xD810] =	vst v63  }
0x54: {  	s19 =	simm.s32 $0x200;
	s20 =	simm.s32 $0x8980;
	s21 =	simm.s32 $0x2580  }
.LBB2_6:
0x55: {  	[tilespmem:s20], [sflag:$0x4] =	stream.indirect.gather [hbm4b:s3+s8], $0x1, s21, s8, $0xb8;
	[tilespmem:$0xD810] =	vst v63  }
0x56: {  	s20 =	smov.u32 s19;
	p0 =	sne.s32 s19, $0x3000  }
.Ltmp2:
0x57: {  	s19 =	sadd.s32 $0x200, s19;
	(pc) =	sbr.rel @p0 .LBB2_6-.Ltmp2, $3  }
0x58: {  	_ =	sdelay $0x1  }
0x59: {  	s21 =	sshra.s32 s20, $0x2  }
0x5a: {  	s20 =	sadd.s32 $0x8980, s21;
	s21 =	sadd.s32 $0x2580, s21  }
0x5b: {  	[tilespmem:s20], [sflag:$0x4] =	stream.indirect.gather [hbm4b:s3+s8], $0x1, s21, s8, $0xb8;
	[tilespmem:$0xD810] =	vst v63  }
0x5c: {  	s19 =	simm.s32 $0x200;
	s20 =	simm.s32 $0x9600;
	s21 =	simm.s32 $0x3200  }
.LBB2_8:
0x5d: {  	[tilespmem:s20], [sflag:$0x5] =	stream.indirect.gather [hbm4b:s3+s8], $0x1, s21, s8, $0xb8;
	[tilespmem:$0xD810] =	vst v63  }
0x5e: {  	s20 =	smov.u32 s19;
	p0 =	sne.s32 s19, $0x3000  }
.Ltmp3:
0x5f: {  	s19 =	sadd.s32 $0x200, s19;
	(pc) =	sbr.rel @p0 .LBB2_8-.Ltmp3, $3  }
0x60: {  	_ =	sdelay $0x1  }
0x61: {  	s21 =	sshra.s32 s20, $0x2  }
0x62: {  	s20 =	sadd.s32 $0x9600, s21;
	s21 =	sadd.s32 $0x3200, s21  }
0x63: {  	[tilespmem:s20], [sflag:$0x5] =	stream.indirect.gather [hbm4b:s3+s8], $0x1, s21, s8, $0xb8;
	[tilespmem:$0xD810] =	vst v63  }
0x64: {  	s19 =	simm.s32 $0x200;
	s20 =	simm.s32 $0xA280;
	s21 =	simm.s32 $0x3E80  }
.LBB2_10:
0x65: {  	[tilespmem:s20], [sflag:$0x6] =	stream.indirect.gather [hbm4b:s3+s8], $0x1, s21, s8, $0xb8;
	[tilespmem:$0xD810] =	vst v63  }
0x66: {  	s20 =	smov.u32 s19;
	p0 =	sne.s32 s19, $0x3000  }
.Ltmp4:
0x67: {  	s19 =	sadd.s32 $0x200, s19;
	(pc) =	sbr.rel @p0 .LBB2_10-.Ltmp4, $3  }
0x68: {  	_ =	sdelay $0x1  }
0x69: {  	s21 =	sshra.s32 s20, $0x2  }
0x6a: {  	s20 =	sadd.s32 $0xA280, s21;
	s21 =	sadd.s32 $0x3E80, s21  }
0x6b: {  	[tilespmem:s20], [sflag:$0x6] =	stream.indirect.gather [hbm4b:s3+s8], $0x1, s21, s8, $0xb8;
	[tilespmem:$0xD810] =	vst v63  }
0x6c: {  	s19 =	simm.s32 $0x200;
	s20 =	simm.s32 $0xAF00;
	s21 =	simm.s32 $0x4B00  }
.LBB2_12:
0x6d: {  	[tilespmem:s20], [sflag:$0x7] =	stream.indirect.gather [hbm4b:s3+s8], $0x1, s21, s8, $0xb8;
	[tilespmem:$0xD810] =	vst v63  }
0x6e: {  	s20 =	smov.u32 s19;
	p0 =	sne.s32 s19, $0x3000  }
.Ltmp5:
0x6f: {  	s19 =	sadd.s32 $0x200, s19;
	(pc) =	sbr.rel @p0 .LBB2_12-.Ltmp5, $3  }
0x70: {  	_ =	sdelay $0x1  }
0x71: {  	s21 =	sshra.s32 s20, $0x2  }
0x72: {  	s20 =	sadd.s32 $0xAF00, s21;
	s21 =	sadd.s32 $0x4B00, s21  }
0x73: {  	[tilespmem:s20], [sflag:$0x7] =	stream.indirect.gather [hbm4b:s3+s8], $0x1, s21, s8, $0xb8;
	[tilespmem:$0xD810] =	vst v63  }
0x74: {  	s19 =	simm.s32 $0x200;
	s20 =	simm.s32 $0xBB80;
	s21 =	simm.s32 $0x5780  }
.LBB2_14:
0x75: {  	[tilespmem:s20], [sflag:$0x8] =	stream.indirect.gather [hbm4b:s3+s8], $0x1, s21, s8, $0xb8;
	[tilespmem:$0xD810] =	vst v63  }
0x76: {  	s20 =	smov.u32 s19;
	p0 =	sne.s32 s19, $0x3000  }
.Ltmp6:
0x77: {  	s19 =	sadd.s32 $0x200, s19;
	(pc) =	sbr.rel @p0 .LBB2_14-.Ltmp6, $3  }
0x78: {  	_ =	sdelay $0x1  }
0x79: {  	s21 =	sshra.s32 s20, $0x2  }
0x7a: {  	s20 =	sadd.s32 $0xBB80, s21;
	s21 =	sadd.s32 $0x5780, s21  }
0x7b: {  	[tilespmem:s20], [sflag:$0x8] =	stream.indirect.gather [hbm4b:s3+s8], $0x1, s21, s8, $0xb8;
	[tilespmem:$0xD810] =	vst v63  }
0x7c: {  	_ =	swait.ge [sflag:s9], $0xC80  }
0x7d: {  	[sflag:s9] =	ssyncset.done $0x0  }
0x7e: {  	s20 =	simm.s32 $0x6460;
	[sflag:s9] =	ssyncadd.s32 $0xFFFFF380  }
0x7f: {  	s19 =	simm.s32 $0x0;
	s21 =	simm.s32 $0x80;
	v0 =	vld [tilespmem:s20+$0xFFFFFFA0]  }
.LBB2_16:
0x80: {  	p0 =	sne.s32 s21, $0x780;
	v1 =	vld [tilespmem:s20+$0xFFFFFFB0]  }
0x81: {  	v2 =	vld [tilespmem:s20+$0xFFFFFFC0]  }
0x82: {  	v3 =	vld [tilespmem:s20+$0xFFFFFFD0]  }
0x83: {  	v4 =	vld [tilespmem:s20+$0xFFFFFFE0]  }
0x84: {  	v5 =	vshll.u32 v0, $0x10;
	v0 =	vand.u32 $0xFFFF0000, v0;
	v6 =	vld [tilespmem:s20+$0xFFFFFFF0]  }
0x85: {  	v5 =	vadd.f32 $0.0e+00, v5;
	v0 =	vadd.f32 $0.0e+00, v0;
	v7 =	vld [tilespmem:s20+$0x0]  }
0x86: {  	v8 =	vshll.u32 v1, $0x10;
	v1 =	vand.u32 $0xFFFF0000, v1;
	v9 =	vld [tilespmem:s20+$0x10]  }
0x87: {  	v5 =	vadd.f32 v8, v5;
	v0 =	vadd.f32 v1, v0;
	v1 =	vld [tilespmem:s20+$0x20]  }
0x88: {  	v8 =	vshll.u32 v2, $0x10;
	v2 =	vand.u32 $0xFFFF0000, v2;
	v10 =	vld [tilespmem:s20+$0x30]  }
0x89: {  	v5 =	vadd.f32 v8, v5;
	v0 =	vadd.f32 v2, v0;
	v2 =	vld [tilespmem:s20+$0x40]  }
0x8a: {  	v8 =	vshll.u32 v3, $0x10;
	v3 =	vand.u32 $0xFFFF0000, v3;
	v11 =	vld [tilespmem:s20+$0x50]  }
0x8b: {  	v5 =	vadd.f32 v8, v5;
	v0 =	vadd.f32 v3, v0  }
0x8c: {  	v3 =	vshll.u32 v4, $0x10;
	v4 =	vand.u32 $0xFFFF0000, v4  }
0x8d: {  	v3 =	vadd.f32 v3, v5;
	v0 =	vadd.f32 v4, v0  }
0x8e: {  	v4 =	vshll.u32 v6, $0x10;
	v5 =	vand.u32 $0xFFFF0000, v6  }
0x8f: {  	v3 =	vadd.f32 v4, v3;
	v0 =	vadd.f32 v5, v0  }
0x90: {  	v4 =	vshll.u32 v7, $0x10;
	v5 =	vand.u32 $0xFFFF0000, v7  }
0x91: {  	v3 =	vadd.f32 v4, v3;
	v0 =	vadd.f32 v5, v0  }
0x92: {  	v4 =	vshll.u32 v9, $0x10;
	v5 =	vand.u32 $0xFFFF0000, v9  }
0x93: {  	v3 =	vadd.f32 v4, v3;
	v0 =	vadd.f32 v5, v0  }
0x94: {  	v4 =	vshll.u32 v1, $0x10;
	v1 =	vand.u32 $0xFFFF0000, v1  }
0x95: {  	v3 =	vadd.f32 v4, v3;
	v0 =	vadd.f32 v1, v0  }
0x96: {  	v1 =	vshll.u32 v10, $0x10;
	v4 =	vand.u32 $0xFFFF0000, v10;
	v5 =	vld [tilespmem:s20+$0x60]  }
0x97: {  	v1 =	vadd.f32 v1, v3;
	v0 =	vadd.f32 v4, v0  }
0x98: {  	v3 =	vshll.u32 v2, $0x10;
	v2 =	vand.u32 $0xFFFF0000, v2  }
0x99: {  	v1 =	vadd.f32 v3, v1;
	v0 =	vadd.f32 v2, v0  }
0x9a: {  	v2 =	vshll.u32 v11, $0x10;
	v3 =	vand.u32 $0xFFFF0000, v11  }
0x9b: {  	v1 =	vadd.f32 v2, v1;
	v0 =	vadd.f32 v3, v0;
	v2 =	vnsel vm0, $0x0, v5  }
0x9c: {  	v3 =	vshll.u32 v2, $0x10;
	v2 =	vand.u32 $0xFFFF0000, v2  }
.Ltmp7:
0x9d: {  	v1 =	vadd.f32 v3, v1;
	v0 =	vadd.f32 v2, v0;
	(pc) =	sbr.rel @p0 .LBB2_16-.Ltmp7, $4  }
0x9e: {  	s22 =	sshra.s32 s19, $0x2;
	s19 =	smov.u32 s21  }
0x9f: {  	[tilespmem:s22+$0xC820] =	vst v0  }
0xa0: {  	s20 =	sadd.s32 $0xC8, s20;
	[tilespmem:s22+$0xC810] =	vst v1  }
0xa1: {  	s21 =	sadd.s32 $0x80, s21;
	v0 =	vld [tilespmem:s20+$0xFFFFFFA0]  }
0xa2: {  	_ = 	snop  }
0xa3: {  	v1 =	vld [tilespmem:s20+$0xFFFFFFB0];
	_ =	sdelay $0x1  }
0xa4: {  	v2 =	vld [tilespmem:s20+$0xFFFFFFC0]  }
0xa5: {  	v3 =	vand.u32 $0xFFFF0000, v0  }
0xa6: {  	v4 =	vld [tilespmem:s20+$0xFFFFFFD0];
	v0 =	vshll.u32 v0, $0x10;
	v3 =	vadd.f32 $0.0e+00, v3  }
0xa7: {  	v0 =	vadd.f32 $0.0e+00, v0;
	v5 =	vand.u32 $0xFFFF0000, v1  }
0xa8: {  	v6 =	vld [tilespmem:s20+$0xFFFFFFE0];
	v1 =	vshll.u32 v1, $0x10;
	v3 =	vadd.f32 v5, v3  }
0xa9: {  	v0 =	vadd.f32 v1, v0;
	v1 =	vand.u32 $0xFFFF0000, v2  }
0xaa: {  	v58 =	vld [tilespmem:s20+$0xFFFFFFF0];
	v2 =	vshll.u32 v2, $0x10;
	v1 =	vadd.f32 v1, v3  }
0xab: {  	v0 =	vadd.f32 v2, v0;
	v2 =	vand.u32 $0xFFFF0000, v4  }
0xac: {  	v3 =	vld [tilespmem:s20+$0x0];
	v4 =	vshll.u32 v4, $0x10;
	v1 =	vadd.f32 v2, v1  }
0xad: {  	v0 =	vadd.f32 v4, v0;
	v2 =	vand.u32 $0xFFFF0000, v6  }
0xae: {  	v59 =	vld [tilespmem:s20+$0x10];
	v6 =	vshll.u32 v6, $0x10;
	v1 =	vadd.f32 v2, v1  }
0xaf: {  	v0 =	vadd.f32 v6, v0;
	v2 =	vand.u32 $0xFFFF0000, v58  }
0xb0: {  	v60 =	vld [tilespmem:s20+$0x20];
	v5 =	vshll.u32 v58, $0x10;
	v1 =	vadd.f32 v2, v1  }
0xb1: {  	v0 =	vadd.f32 v5, v0;
	v2 =	vand.u32 $0xFFFF0000, v3  }
0xb2: {  	v61 =	vld [tilespmem:s20+$0x30];
	v3 =	vshll.u32 v3, $0x10;
	v1 =	vadd.f32 v2, v1  }
0xb3: {  	v0 =	vadd.f32 v3, v0;
	v2 =	vand.u32 $0xFFFF0000, v59  }
0xb4: {  	v4 =	vshll.u32 v59, $0x10;
	v3 =	vld [tilespmem:s20+$0x40];
	v1 =	vadd.f32 v2, v1  }
0xb5: {  	v0 =	vadd.f32 v4, v0;
	v2 =	vand.u32 $0xFFFF0000, v60  }
0xb6: {  	v62 =	vld [tilespmem:s20+$0x50];
	v6 =	vshll.u32 v60, $0x10;
	v1 =	vadd.f32 v2, v1  }
0xb7: {  	v63 =	vld [tilespmem:s20+$0x60];
	v0 =	vadd.f32 v6, v0;
	v2 =	vand.u32 $0xFFFF0000, v61  }
0xb8: {  	v5 =	vshll.u32 v61, $0x10;
	v1 =	vadd.f32 v2, v1  }
0xb9: {  	v0 =	vadd.f32 v5, v0;
	v2 =	vand.u32 $0xFFFF0000, v3  }
0xba: {  	v3 =	vshll.u32 v3, $0x10;
	v1 =	vadd.f32 v2, v1  }
0xbb: {  	v0 =	vadd.f32 v3, v0;
	v2 =	vand.u32 $0xFFFF0000, v62  }
0xbc: {  	v3 =	vshll.u32 v62, $0x10;
	v1 =	vadd.f32 v2, v1;
	v2 =	vnsel vm0, $0x0, v63  }
0xbd: {  	v0 =	vadd.f32 v3, v0;
	v3 =	vand.u32 $0xFFFF0000, v2  }
0xbe: {  	v2 =	vshll.u32 v2, $0x10;
	v1 =	vadd.f32 v3, v1  }
0xbf: {  	s19 =	sshra.s32 s19, $0x2;
	v0 =	vadd.f32 v2, v0  }
0xc0: {  	[tilespmem:s19+$0xC820] =	vst v1  }
0xc1: {  	[tilespmem:s19+$0xC810] =	vst v0  }
0xc2: {  	_ =	swait.ge [sflag:s10], $0xC80  }
0xc3: {  	[sflag:s10] =	ssyncset.done $0x0  }
0xc4: {  	s20 =	simm.s32 $0x7140;
	[sflag:s10] =	ssyncadd.s32 $0xFFFFF380  }
0xc5: {  	s21 =	simm.s32 $0x80;
	s19 =	simm.s32 $0x0;
	v0 =	vld [tilespmem:s20+$0xFFFFFF40]  }
.LBB2_18:
0xc6: {  	p0 =	sne.s32 s21, $0x780;
	v1 =	vld [tilespmem:s20+$0xFFFFFF50]  }
0xc7: {  	v2 =	vld [tilespmem:s20+$0xFFFFFF60]  }
0xc8: {  	v3 =	vld [tilespmem:s20+$0xFFFFFF70]  }
0xc9: {  	v4 =	vld [tilespmem:s20+$0xFFFFFF80]  }
0xca: {  	v5 =	vshll.u32 v0, $0x10;
	v0 =	vand.u32 $0xFFFF0000, v0;
	v6 =	vld [tilespmem:s20+$0xFFFFFF90]  }
0xcb: {  	v5 =	vadd.f32 $0.0e+00, v5;
	v0 =	vadd.f32 $0.0e+00, v0;
	v7 =	vld [tilespmem:s20+$0xFFFFFFA0]  }
0xcc: {  	v8 =	vshll.u32 v1, $0x10;
	v1 =	vand.u32 $0xFFFF0000, v1;
	v9 =	vld [tilespmem:s20+$0xFFFFFFB0]  }
0xcd: {  	v5 =	vadd.f32 v8, v5;
	v0 =	vadd.f32 v1, v0;
	v1 =	vld [tilespmem:s20+$0xFFFFFFC0]  }
0xce: {  	v8 =	vshll.u32 v2, $0x10;
	v2 =	vand.u32 $0xFFFF0000, v2;
	v10 =	vld [tilespmem:s20+$0xFFFFFFD0]  }
0xcf: {  	v5 =	vadd.f32 v8, v5;
	v0 =	vadd.f32 v2, v0;
	v2 =	vld [tilespmem:s20+$0xFFFFFFE0]  }
0xd0: {  	v8 =	vshll.u32 v3, $0x10;
	v3 =	vand.u32 $0xFFFF0000, v3;
	v11 =	vld [tilespmem:s20+$0xFFFFFFF0]  }
0xd1: {  	v5 =	vadd.f32 v8, v5;
	v0 =	vadd.f32 v3, v0  }
0xd2: {  	v3 =	vshll.u32 v4, $0x10;
	v4 =	vand.u32 $0xFFFF0000, v4  }
0xd3: {  	v3 =	vadd.f32 v3, v5;
	v0 =	vadd.f32 v4, v0  }
0xd4: {  	v4 =	vshll.u32 v6, $0x10;
	v5 =	vand.u32 $0xFFFF0000, v6  }
0xd5: {  	v3 =	vadd.f32 v4, v3;
	v0 =	vadd.f32 v5, v0  }
0xd6: {  	v4 =	vshll.u32 v7, $0x10;
	v5 =	vand.u32 $0xFFFF0000, v7  }
0xd7: {  	v3 =	vadd.f32 v4, v3;
	v0 =	vadd.f32 v5, v0  }
0xd8: {  	v4 =	vshll.u32 v9, $0x10;
	v5 =	vand.u32 $0xFFFF0000, v9  }
0xd9: {  	v3 =	vadd.f32 v4, v3;
	v0 =	vadd.f32 v5, v0  }
0xda: {  	v4 =	vshll.u32 v1, $0x10;
	v1 =	vand.u32 $0xFFFF0000, v1  }
0xdb: {  	v3 =	vadd.f32 v4, v3;
	v0 =	vadd.f32 v1, v0  }
0xdc: {  	v1 =	vshll.u32 v10, $0x10;
	v4 =	vand.u32 $0xFFFF0000, v10;
	v5 =	vld [tilespmem:s20+$0x0]  }
0xdd: {  	v1 =	vadd.f32 v1, v3;
	v0 =	vadd.f32 v4, v0  }
0xde: {  	v3 =	vshll.u32 v2, $0x10;
	v2 =	vand.u32 $0xFFFF0000, v2  }
0xdf: {  	v1 =	vadd.f32 v3, v1;
	v0 =	vadd.f32 v2, v0  }
0xe0: {  	v2 =	vshll.u32 v11, $0x10;
	v3 =	vand.u32 $0xFFFF0000, v11  }
0xe1: {  	v1 =	vadd.f32 v2, v1;
	v0 =	vadd.f32 v3, v0;
	v2 =	vnsel vm0, $0x0, v5  }
0xe2: {  	v3 =	vshll.u32 v2, $0x10;
	v2 =	vand.u32 $0xFFFF0000, v2  }
.Ltmp8:
0xe3: {  	v1 =	vadd.f32 v3, v1;
	v0 =	vadd.f32 v2, v0;
	(pc) =	sbr.rel @p0 .LBB2_18-.Ltmp8, $4  }
0xe4: {  	s22 =	sshra.s32 s19, $0x2;
	s19 =	smov.u32 s21  }
0xe5: {  	[tilespmem:s22+$0xCA20] =	vst v0  }
0xe6: {  	s20 =	sadd.s32 $0xC8, s20;
	[tilespmem:s22+$0xCA10] =	vst v1  }
0xe7: {  	s21 =	sadd.s32 $0x80, s21;
	v0 =	vld [tilespmem:s20+$0xFFFFFF40]  }
0xe8: {  	_ = 	snop  }
0xe9: {  	v1 =	vld [tilespmem:s20+$0xFFFFFF50];
	_ =	sdelay $0x1  }
0xea: {  	v2 =	vld [tilespmem:s20+$0xFFFFFF60]  }
0xeb: {  	v3 =	vand.u32 $0xFFFF0000, v0  }
0xec: {  	v4 =	vld [tilespmem:s20+$0xFFFFFF70];
	v0 =	vshll.u32 v0, $0x10;
	v3 =	vadd.f32 $0.0e+00, v3  }
0xed: {  	v0 =	vadd.f32 $0.0e+00, v0;
	v5 =	vand.u32 $0xFFFF0000, v1  }
0xee: {  	v6 =	vld [tilespmem:s20+$0xFFFFFF80];
	v1 =	vshll.u32 v1, $0x10;
	v3 =	vadd.f32 v5, v3  }
0xef: {  	v0 =	vadd.f32 v1, v0;
	v1 =	vand.u32 $0xFFFF0000, v2  }
0xf0: {  	v58 =	vld [tilespmem:s20+$0xFFFFFF90];
	v2 =	vshll.u32 v2, $0x10;
	v1 =	vadd.f32 v1, v3  }
0xf1: {  	v0 =	vadd.f32 v2, v0;
	v2 =	vand.u32 $0xFFFF0000, v4  }
0xf2: {  	v3 =	vld [tilespmem:s20+$0xFFFFFFA0];
	v4 =	vshll.u32 v4, $0x10;
	v1 =	vadd.f32 v2, v1  }
0xf3: {  	v0 =	vadd.f32 v4, v0;
	v2 =	vand.u32 $0xFFFF0000, v6  }
0xf4: {  	v59 =	vld [tilespmem:s20+$0xFFFFFFB0];
	v6 =	vshll.u32 v6, $0x10;
	v1 =	vadd.f32 v2, v1  }
0xf5: {  	v0 =	vadd.f32 v6, v0;
	v2 =	vand.u32 $0xFFFF0000, v58  }
0xf6: {  	v60 =	vld [tilespmem:s20+$0xFFFFFFC0];
	v5 =	vshll.u32 v58, $0x10;
	v1 =	vadd.f32 v2, v1  }
0xf7: {  	v0 =	vadd.f32 v5, v0;
	v2 =	vand.u32 $0xFFFF0000, v3  }
0xf8: {  	v61 =	vld [tilespmem:s20+$0xFFFFFFD0];
	v3 =	vshll.u32 v3, $0x10;
	v1 =	vadd.f32 v2, v1  }
0xf9: {  	v0 =	vadd.f32 v3, v0;
	v2 =	vand.u32 $0xFFFF0000, v59  }
0xfa: {  	v4 =	vshll.u32 v59, $0x10;
	v3 =	vld [tilespmem:s20+$0xFFFFFFE0];
	v1 =	vadd.f32 v2, v1  }
0xfb: {  	v0 =	vadd.f32 v4, v0;
	v2 =	vand.u32 $0xFFFF0000, v60  }
0xfc: {  	v62 =	vld [tilespmem:s20+$0xFFFFFFF0];
	v6 =	vshll.u32 v60, $0x10;
	v1 =	vadd.f32 v2, v1  }
0xfd: {  	v63 =	vld [tilespmem:s20+$0x0];
	v0 =	vadd.f32 v6, v0;
	v2 =	vand.u32 $0xFFFF0000, v61  }
0xfe: {  	v5 =	vshll.u32 v61, $0x10;
	v1 =	vadd.f32 v2, v1  }
0xff: {  	v0 =	vadd.f32 v5, v0;
	v2 =	vand.u32 $0xFFFF0000, v3  }
0x100: {  	v3 =	vshll.u32 v3, $0x10;
	v1 =	vadd.f32 v2, v1  }
0x101: {  	v0 =	vadd.f32 v3, v0;
	v2 =	vand.u32 $0xFFFF0000, v62  }
0x102: {  	v3 =	vshll.u32 v62, $0x10;
	v1 =	vadd.f32 v2, v1;
	v2 =	vnsel vm0, $0x0, v63  }
0x103: {  	v0 =	vadd.f32 v3, v0;
	v3 =	vand.u32 $0xFFFF0000, v2  }
0x104: {  	v2 =	vshll.u32 v2, $0x10;
	v1 =	vadd.f32 v3, v1  }
0x105: {  	s19 =	sshra.s32 s19, $0x2;
	v0 =	vadd.f32 v2, v0  }
0x106: {  	[tilespmem:s19+$0xCA20] =	vst v1  }
0x107: {  	[tilespmem:s19+$0xCA10] =	vst v0  }
0x108: {  	_ =	swait.ge [sflag:s11], $0xC80  }
0x109: {  	[sflag:s11] =	ssyncset.done $0x0  }
0x10a: {  	s20 =	simm.s32 $0x7DC0;
	[sflag:s11] =	ssyncadd.s32 $0xFFFFF380  }
0x10b: {  	s21 =	simm.s32 $0x80;
	s19 =	simm.s32 $0x0;
	v0 =	vld [tilespmem:s20+$0xFFFFFF40]  }
.LBB2_20:
0x10c: {  	p0 =	sne.s32 s21, $0x780;
	v1 =	vld [tilespmem:s20+$0xFFFFFF50]  }
0x10d: {  	v2 =	vld [tilespmem:s20+$0xFFFFFF60]  }
0x10e: {  	v3 =	vld [tilespmem:s20+$0xFFFFFF70]  }
0x10f: {  	v4 =	vld [tilespmem:s20+$0xFFFFFF80]  }
0x110: {  	v5 =	vshll.u32 v0, $0x10;
	v0 =	vand.u32 $0xFFFF0000, v0;
	v6 =	vld [tilespmem:s20+$0xFFFFFF90]  }
0x111: {  	v5 =	vadd.f32 $0.0e+00, v5;
	v0 =	vadd.f32 $0.0e+00, v0;
	v7 =	vld [tilespmem:s20+$0xFFFFFFA0]  }
0x112: {  	v8 =	vshll.u32 v1, $0x10;
	v1 =	vand.u32 $0xFFFF0000, v1;
	v9 =	vld [tilespmem:s20+$0xFFFFFFB0]  }
0x113: {  	v5 =	vadd.f32 v8, v5;
	v0 =	vadd.f32 v1, v0;
	v1 =	vld [tilespmem:s20+$0xFFFFFFC0]  }
0x114: {  	v8 =	vshll.u32 v2, $0x10;
	v2 =	vand.u32 $0xFFFF0000, v2;
	v10 =	vld [tilespmem:s20+$0xFFFFFFD0]  }
0x115: {  	v5 =	vadd.f32 v8, v5;
	v0 =	vadd.f32 v2, v0;
	v2 =	vld [tilespmem:s20+$0xFFFFFFE0]  }
0x116: {  	v8 =	vshll.u32 v3, $0x10;
	v3 =	vand.u32 $0xFFFF0000, v3;
	v11 =	vld [tilespmem:s20+$0xFFFFFFF0]  }
0x117: {  	v5 =	vadd.f32 v8, v5;
	v0 =	vadd.f32 v3, v0  }
0x118: {  	v3 =	vshll.u32 v4, $0x10;
	v4 =	vand.u32 $0xFFFF0000, v4  }
0x119: {  	v3 =	vadd.f32 v3, v5;
	v0 =	vadd.f32 v4, v0  }
0x11a: {  	v4 =	vshll.u32 v6, $0x10;
	v5 =	vand.u32 $0xFFFF0000, v6  }
0x11b: {  	v3 =	vadd.f32 v4, v3;
	v0 =	vadd.f32 v5, v0  }
0x11c: {  	v4 =	vshll.u32 v7, $0x10;
	v5 =	vand.u32 $0xFFFF0000, v7  }
0x11d: {  	v3 =	vadd.f32 v4, v3;
	v0 =	vadd.f32 v5, v0  }
0x11e: {  	v4 =	vshll.u32 v9, $0x10;
	v5 =	vand.u32 $0xFFFF0000, v9  }
0x11f: {  	v3 =	vadd.f32 v4, v3;
	v0 =	vadd.f32 v5, v0  }
0x120: {  	v4 =	vshll.u32 v1, $0x10;
	v1 =	vand.u32 $0xFFFF0000, v1  }
0x121: {  	v3 =	vadd.f32 v4, v3;
	v0 =	vadd.f32 v1, v0  }
0x122: {  	v1 =	vshll.u32 v10, $0x10;
	v4 =	vand.u32 $0xFFFF0000, v10;
	v5 =	vld [tilespmem:s20+$0x0]  }
0x123: {  	v1 =	vadd.f32 v1, v3;
	v0 =	vadd.f32 v4, v0  }
0x124: {  	v3 =	vshll.u32 v2, $0x10;
	v2 =	vand.u32 $0xFFFF0000, v2  }
0x125: {  	v1 =	vadd.f32 v3, v1;
	v0 =	vadd.f32 v2, v0  }
0x126: {  	v2 =	vshll.u32 v11, $0x10;
	v3 =	vand.u32 $0xFFFF0000, v11  }
0x127: {  	v1 =	vadd.f32 v2, v1;
	v0 =	vadd.f32 v3, v0;
	v2 =	vnsel vm0, $0x0, v5  }
0x128: {  	v3 =	vshll.u32 v2, $0x10;
	v2 =	vand.u32 $0xFFFF0000, v2  }
.Ltmp9:
0x129: {  	v1 =	vadd.f32 v3, v1;
	v0 =	vadd.f32 v2, v0;
	(pc) =	sbr.rel @p0 .LBB2_20-.Ltmp9, $4  }
0x12a: {  	s22 =	sshra.s32 s19, $0x2;
	s19 =	smov.u32 s21  }
0x12b: {  	[tilespmem:s22+$0xCC20] =	vst v0  }
0x12c: {  	s20 =	sadd.s32 $0xC8, s20;
	[tilespmem:s22+$0xCC10] =	vst v1  }
0x12d: {  	s21 =	sadd.s32 $0x80, s21;
	v0 =	vld [tilespmem:s20+$0xFFFFFF40]  }
0x12e: {  	_ = 	snop  }
0x12f: {  	v1 =	vld [tilespmem:s20+$0xFFFFFF50];
	_ =	sdelay $0x1  }
0x130: {  	v2 =	vld [tilespmem:s20+$0xFFFFFF60]  }
0x131: {  	v3 =	vand.u32 $0xFFFF0000, v0  }
0x132: {  	v4 =	vld [tilespmem:s20+$0xFFFFFF70];
	v0 =	vshll.u32 v0, $0x10;
	v3 =	vadd.f32 $0.0e+00, v3  }
0x133: {  	v0 =	vadd.f32 $0.0e+00, v0;
	v5 =	vand.u32 $0xFFFF0000, v1  }
0x134: {  	v6 =	vld [tilespmem:s20+$0xFFFFFF80];
	v1 =	vshll.u32 v1, $0x10;
	v3 =	vadd.f32 v5, v3  }
0x135: {  	v0 =	vadd.f32 v1, v0;
	v1 =	vand.u32 $0xFFFF0000, v2  }
0x136: {  	v58 =	vld [tilespmem:s20+$0xFFFFFF90];
	v2 =	vshll.u32 v2, $0x10;
	v1 =	vadd.f32 v1, v3  }
0x137: {  	v0 =	vadd.f32 v2, v0;
	v2 =	vand.u32 $0xFFFF0000, v4  }
0x138: {  	v3 =	vld [tilespmem:s20+$0xFFFFFFA0];
	v4 =	vshll.u32 v4, $0x10;
	v1 =	vadd.f32 v2, v1  }
0x139: {  	v0 =	vadd.f32 v4, v0;
	v2 =	vand.u32 $0xFFFF0000, v6  }
0x13a: {  	v59 =	vld [tilespmem:s20+$0xFFFFFFB0];
	v6 =	vshll.u32 v6, $0x10;
	v1 =	vadd.f32 v2, v1  }
0x13b: {  	v0 =	vadd.f32 v6, v0;
	v2 =	vand.u32 $0xFFFF0000, v58  }
0x13c: {  	v60 =	vld [tilespmem:s20+$0xFFFFFFC0];
	v5 =	vshll.u32 v58, $0x10;
	v1 =	vadd.f32 v2, v1  }
0x13d: {  	v0 =	vadd.f32 v5, v0;
	v2 =	vand.u32 $0xFFFF0000, v3  }
0x13e: {  	v61 =	vld [tilespmem:s20+$0xFFFFFFD0];
	v3 =	vshll.u32 v3, $0x10;
	v1 =	vadd.f32 v2, v1  }
0x13f: {  	v0 =	vadd.f32 v3, v0;
	v2 =	vand.u32 $0xFFFF0000, v59  }
0x140: {  	v4 =	vshll.u32 v59, $0x10;
	v3 =	vld [tilespmem:s20+$0xFFFFFFE0];
	v1 =	vadd.f32 v2, v1  }
0x141: {  	v0 =	vadd.f32 v4, v0;
	v2 =	vand.u32 $0xFFFF0000, v60  }
0x142: {  	v62 =	vld [tilespmem:s20+$0xFFFFFFF0];
	v6 =	vshll.u32 v60, $0x10;
	v1 =	vadd.f32 v2, v1  }
0x143: {  	v63 =	vld [tilespmem:s20+$0x0];
	v0 =	vadd.f32 v6, v0;
	v2 =	vand.u32 $0xFFFF0000, v61  }
0x144: {  	v5 =	vshll.u32 v61, $0x10;
	v1 =	vadd.f32 v2, v1  }
0x145: {  	v0 =	vadd.f32 v5, v0;
	v2 =	vand.u32 $0xFFFF0000, v3  }
0x146: {  	v3 =	vshll.u32 v3, $0x10;
	v1 =	vadd.f32 v2, v1  }
0x147: {  	v0 =	vadd.f32 v3, v0;
	v2 =	vand.u32 $0xFFFF0000, v62  }
0x148: {  	v3 =	vshll.u32 v62, $0x10;
	v1 =	vadd.f32 v2, v1;
	v2 =	vnsel vm0, $0x0, v63  }
0x149: {  	v0 =	vadd.f32 v3, v0;
	v3 =	vand.u32 $0xFFFF0000, v2  }
0x14a: {  	v2 =	vshll.u32 v2, $0x10;
	v1 =	vadd.f32 v3, v1  }
0x14b: {  	s19 =	sshra.s32 s19, $0x2;
	v0 =	vadd.f32 v2, v0  }
0x14c: {  	[tilespmem:s19+$0xCC20] =	vst v1  }
0x14d: {  	[tilespmem:s19+$0xCC10] =	vst v0  }
0x14e: {  	_ =	swait.ge [sflag:s12], $0xC80  }
0x14f: {  	[sflag:s12] =	ssyncset.done $0x0  }
0x150: {  	s20 =	simm.s32 $0x8A40;
	[sflag:s12] =	ssyncadd.s32 $0xFFFFF380  }
0x151: {  	s21 =	simm.s32 $0x80;
	s19 =	simm.s32 $0x0;
	v0 =	vld [tilespmem:s20+$0xFFFFFF40]  }
.LBB2_22:
0x152: {  	p0 =	sne.s32 s21, $0x780;
	v1 =	vld [tilespmem:s20+$0xFFFFFF50]  }
0x153: {  	v2 =	vld [tilespmem:s20+$0xFFFFFF60]  }
0x154: {  	v3 =	vld [tilespmem:s20+$0xFFFFFF70]  }
0x155: {  	v4 =	vld [tilespmem:s20+$0xFFFFFF80]  }
0x156: {  	v5 =	vshll.u32 v0, $0x10;
	v0 =	vand.u32 $0xFFFF0000, v0;
	v6 =	vld [tilespmem:s20+$0xFFFFFF90]  }
0x157: {  	v5 =	vadd.f32 $0.0e+00, v5;
	v0 =	vadd.f32 $0.0e+00, v0;
	v7 =	vld [tilespmem:s20+$0xFFFFFFA0]  }
0x158: {  	v8 =	vshll.u32 v1, $0x10;
	v1 =	vand.u32 $0xFFFF0000, v1;
	v9 =	vld [tilespmem:s20+$0xFFFFFFB0]  }
0x159: {  	v5 =	vadd.f32 v8, v5;
	v0 =	vadd.f32 v1, v0;
	v1 =	vld [tilespmem:s20+$0xFFFFFFC0]  }
0x15a: {  	v8 =	vshll.u32 v2, $0x10;
	v2 =	vand.u32 $0xFFFF0000, v2;
	v10 =	vld [tilespmem:s20+$0xFFFFFFD0]  }
0x15b: {  	v5 =	vadd.f32 v8, v5;
	v0 =	vadd.f32 v2, v0;
	v2 =	vld [tilespmem:s20+$0xFFFFFFE0]  }
0x15c: {  	v8 =	vshll.u32 v3, $0x10;
	v3 =	vand.u32 $0xFFFF0000, v3;
	v11 =	vld [tilespmem:s20+$0xFFFFFFF0]  }
0x15d: {  	v5 =	vadd.f32 v8, v5;
	v0 =	vadd.f32 v3, v0  }
0x15e: {  	v3 =	vshll.u32 v4, $0x10;
	v4 =	vand.u32 $0xFFFF0000, v4  }
0x15f: {  	v3 =	vadd.f32 v3, v5;
	v0 =	vadd.f32 v4, v0  }
0x160: {  	v4 =	vshll.u32 v6, $0x10;
	v5 =	vand.u32 $0xFFFF0000, v6  }
0x161: {  	v3 =	vadd.f32 v4, v3;
	v0 =	vadd.f32 v5, v0  }
0x162: {  	v4 =	vshll.u32 v7, $0x10;
	v5 =	vand.u32 $0xFFFF0000, v7  }
0x163: {  	v3 =	vadd.f32 v4, v3;
	v0 =	vadd.f32 v5, v0  }
0x164: {  	v4 =	vshll.u32 v9, $0x10;
	v5 =	vand.u32 $0xFFFF0000, v9  }
0x165: {  	v3 =	vadd.f32 v4, v3;
	v0 =	vadd.f32 v5, v0  }
0x166: {  	v4 =	vshll.u32 v1, $0x10;
	v1 =	vand.u32 $0xFFFF0000, v1  }
0x167: {  	v3 =	vadd.f32 v4, v3;
	v0 =	vadd.f32 v1, v0  }
0x168: {  	v1 =	vshll.u32 v10, $0x10;
	v4 =	vand.u32 $0xFFFF0000, v10;
	v5 =	vld [tilespmem:s20+$0x0]  }
0x169: {  	v1 =	vadd.f32 v1, v3;
	v0 =	vadd.f32 v4, v0  }
0x16a: {  	v3 =	vshll.u32 v2, $0x10;
	v2 =	vand.u32 $0xFFFF0000, v2  }
0x16b: {  	v1 =	vadd.f32 v3, v1;
	v0 =	vadd.f32 v2, v0  }
0x16c: {  	v2 =	vshll.u32 v11, $0x10;
	v3 =	vand.u32 $0xFFFF0000, v11  }
0x16d: {  	v1 =	vadd.f32 v2, v1;
	v0 =	vadd.f32 v3, v0;
	v2 =	vnsel vm0, $0x0, v5  }
0x16e: {  	v3 =	vshll.u32 v2, $0x10;
	v2 =	vand.u32 $0xFFFF0000, v2  }
.Ltmp10:
0x16f: {  	v1 =	vadd.f32 v3, v1;
	v0 =	vadd.f32 v2, v0;
	(pc) =	sbr.rel @p0 .LBB2_22-.Ltmp10, $4  }
0x170: {  	s22 =	sshra.s32 s19, $0x2;
	s19 =	smov.u32 s21  }
0x171: {  	[tilespmem:s22+$0xCE20] =	vst v0  }
0x172: {  	s20 =	sadd.s32 $0xC8, s20;
	[tilespmem:s22+$0xCE10] =	vst v1  }
0x173: {  	s21 =	sadd.s32 $0x80, s21;
	v0 =	vld [tilespmem:s20+$0xFFFFFF40]  }
0x174: {  	_ = 	snop  }
0x175: {  	v1 =	vld [tilespmem:s20+$0xFFFFFF50];
	_ =	sdelay $0x1  }
0x176: {  	v2 =	vld [tilespmem:s20+$0xFFFFFF60]  }
0x177: {  	v3 =	vand.u32 $0xFFFF0000, v0  }
0x178: {  	v4 =	vld [tilespmem:s20+$0xFFFFFF70];
	v0 =	vshll.u32 v0, $0x10;
	v3 =	vadd.f32 $0.0e+00, v3  }
0x179: {  	v0 =	vadd.f32 $0.0e+00, v0;
	v5 =	vand.u32 $0xFFFF0000, v1  }
0x17a: {  	v6 =	vld [tilespmem:s20+$0xFFFFFF80];
	v1 =	vshll.u32 v1, $0x10;
	v3 =	vadd.f32 v5, v3  }
0x17b: {  	v0 =	vadd.f32 v1, v0;
	v1 =	vand.u32 $0xFFFF0000, v2  }
0x17c: {  	v58 =	vld [tilespmem:s20+$0xFFFFFF90];
	v2 =	vshll.u32 v2, $0x10;
	v1 =	vadd.f32 v1, v3  }
0x17d: {  	v0 =	vadd.f32 v2, v0;
	v2 =	vand.u32 $0xFFFF0000, v4  }
0x17e: {  	v3 =	vld [tilespmem:s20+$0xFFFFFFA0];
	v4 =	vshll.u32 v4, $0x10;
	v1 =	vadd.f32 v2, v1  }
0x17f: {  	v0 =	vadd.f32 v4, v0;
	v2 =	vand.u32 $0xFFFF0000, v6  }
0x180: {  	v59 =	vld [tilespmem:s20+$0xFFFFFFB0];
	v6 =	vshll.u32 v6, $0x10;
	v1 =	vadd.f32 v2, v1  }
0x181: {  	v0 =	vadd.f32 v6, v0;
	v2 =	vand.u32 $0xFFFF0000, v58  }
0x182: {  	v60 =	vld [tilespmem:s20+$0xFFFFFFC0];
	v5 =	vshll.u32 v58, $0x10;
	v1 =	vadd.f32 v2, v1  }
0x183: {  	v0 =	vadd.f32 v5, v0;
	v2 =	vand.u32 $0xFFFF0000, v3  }
0x184: {  	v61 =	vld [tilespmem:s20+$0xFFFFFFD0];
	v3 =	vshll.u32 v3, $0x10;
	v1 =	vadd.f32 v2, v1  }
0x185: {  	v0 =	vadd.f32 v3, v0;
	v2 =	vand.u32 $0xFFFF0000, v59  }
0x186: {  	v4 =	vshll.u32 v59, $0x10;
	v3 =	vld [tilespmem:s20+$0xFFFFFFE0];
	v1 =	vadd.f32 v2, v1  }
0x187: {  	v0 =	vadd.f32 v4, v0;
	v2 =	vand.u32 $0xFFFF0000, v60  }
0x188: {  	v62 =	vld [tilespmem:s20+$0xFFFFFFF0];
	v6 =	vshll.u32 v60, $0x10;
	v1 =	vadd.f32 v2, v1  }
0x189: {  	v63 =	vld [tilespmem:s20+$0x0];
	v0 =	vadd.f32 v6, v0;
	v2 =	vand.u32 $0xFFFF0000, v61  }
0x18a: {  	v5 =	vshll.u32 v61, $0x10;
	v1 =	vadd.f32 v2, v1  }
0x18b: {  	v0 =	vadd.f32 v5, v0;
	v2 =	vand.u32 $0xFFFF0000, v3  }
0x18c: {  	v3 =	vshll.u32 v3, $0x10;
	v1 =	vadd.f32 v2, v1  }
0x18d: {  	v0 =	vadd.f32 v3, v0;
	v2 =	vand.u32 $0xFFFF0000, v62  }
0x18e: {  	v3 =	vshll.u32 v62, $0x10;
	v1 =	vadd.f32 v2, v1;
	v2 =	vnsel vm0, $0x0, v63  }
0x18f: {  	v0 =	vadd.f32 v3, v0;
	v3 =	vand.u32 $0xFFFF0000, v2  }
0x190: {  	v2 =	vshll.u32 v2, $0x10;
	v1 =	vadd.f32 v3, v1  }
0x191: {  	s19 =	sshra.s32 s19, $0x2;
	v0 =	vadd.f32 v2, v0  }
0x192: {  	[tilespmem:s19+$0xCE20] =	vst v1  }
0x193: {  	[tilespmem:s19+$0xCE10] =	vst v0  }
0x194: {  	_ =	swait.ge [sflag:s13], $0xC80  }
0x195: {  	[sflag:s13] =	ssyncset.done $0x0  }
0x196: {  	s20 =	simm.s32 $0x96C0;
	[sflag:s13] =	ssyncadd.s32 $0xFFFFF380  }
0x197: {  	s21 =	simm.s32 $0x80;
	s19 =	simm.s32 $0x0;
	v0 =	vld [tilespmem:s20+$0xFFFFFF40]  }
.LBB2_24:
0x198: {  	p0 =	sne.s32 s21, $0x780;
	v1 =	vld [tilespmem:s20+$0xFFFFFF50]  }
0x199: {  	v2 =	vld [tilespmem:s20+$0xFFFFFF60]  }
0x19a: {  	v3 =	vld [tilespmem:s20+$0xFFFFFF70]  }
0x19b: {  	v4 =	vld [tilespmem:s20+$0xFFFFFF80]  }
0x19c: {  	v5 =	vshll.u32 v0, $0x10;
	v0 =	vand.u32 $0xFFFF0000, v0;
	v6 =	vld [tilespmem:s20+$0xFFFFFF90]  }
0x19d: {  	v5 =	vadd.f32 $0.0e+00, v5;
	v0 =	vadd.f32 $0.0e+00, v0;
	v7 =	vld [tilespmem:s20+$0xFFFFFFA0]  }
0x19e: {  	v8 =	vshll.u32 v1, $0x10;
	v1 =	vand.u32 $0xFFFF0000, v1;
	v9 =	vld [tilespmem:s20+$0xFFFFFFB0]  }
0x19f: {  	v5 =	vadd.f32 v8, v5;
	v0 =	vadd.f32 v1, v0;
	v1 =	vld [tilespmem:s20+$0xFFFFFFC0]  }
0x1a0: {  	v8 =	vshll.u32 v2, $0x10;
	v2 =	vand.u32 $0xFFFF0000, v2;
	v10 =	vld [tilespmem:s20+$0xFFFFFFD0]  }
0x1a1: {  	v5 =	vadd.f32 v8, v5;
	v0 =	vadd.f32 v2, v0;
	v2 =	vld [tilespmem:s20+$0xFFFFFFE0]  }
0x1a2: {  	v8 =	vshll.u32 v3, $0x10;
	v3 =	vand.u32 $0xFFFF0000, v3;
	v11 =	vld [tilespmem:s20+$0xFFFFFFF0]  }
0x1a3: {  	v5 =	vadd.f32 v8, v5;
	v0 =	vadd.f32 v3, v0  }
0x1a4: {  	v3 =	vshll.u32 v4, $0x10;
	v4 =	vand.u32 $0xFFFF0000, v4  }
0x1a5: {  	v3 =	vadd.f32 v3, v5;
	v0 =	vadd.f32 v4, v0  }
0x1a6: {  	v4 =	vshll.u32 v6, $0x10;
	v5 =	vand.u32 $0xFFFF0000, v6  }
0x1a7: {  	v3 =	vadd.f32 v4, v3;
	v0 =	vadd.f32 v5, v0  }
0x1a8: {  	v4 =	vshll.u32 v7, $0x10;
	v5 =	vand.u32 $0xFFFF0000, v7  }
0x1a9: {  	v3 =	vadd.f32 v4, v3;
	v0 =	vadd.f32 v5, v0  }
0x1aa: {  	v4 =	vshll.u32 v9, $0x10;
	v5 =	vand.u32 $0xFFFF0000, v9  }
0x1ab: {  	v3 =	vadd.f32 v4, v3;
	v0 =	vadd.f32 v5, v0  }
0x1ac: {  	v4 =	vshll.u32 v1, $0x10;
	v1 =	vand.u32 $0xFFFF0000, v1  }
0x1ad: {  	v3 =	vadd.f32 v4, v3;
	v0 =	vadd.f32 v1, v0  }
0x1ae: {  	v1 =	vshll.u32 v10, $0x10;
	v4 =	vand.u32 $0xFFFF0000, v10;
	v5 =	vld [tilespmem:s20+$0x0]  }
0x1af: {  	v1 =	vadd.f32 v1, v3;
	v0 =	vadd.f32 v4, v0  }
0x1b0: {  	v3 =	vshll.u32 v2, $0x10;
	v2 =	vand.u32 $0xFFFF0000, v2  }
0x1b1: {  	v1 =	vadd.f32 v3, v1;
	v0 =	vadd.f32 v2, v0  }
0x1b2: {  	v2 =	vshll.u32 v11, $0x10;
	v3 =	vand.u32 $0xFFFF0000, v11  }
0x1b3: {  	v1 =	vadd.f32 v2, v1;
	v0 =	vadd.f32 v3, v0;
	v2 =	vnsel vm0, $0x0, v5  }
0x1b4: {  	v3 =	vshll.u32 v2, $0x10;
	v2 =	vand.u32 $0xFFFF0000, v2  }
.Ltmp11:
0x1b5: {  	v1 =	vadd.f32 v3, v1;
	v0 =	vadd.f32 v2, v0;
	(pc) =	sbr.rel @p0 .LBB2_24-.Ltmp11, $4  }
0x1b6: {  	s22 =	sshra.s32 s19, $0x2;
	s19 =	smov.u32 s21  }
0x1b7: {  	[tilespmem:s22+$0xD020] =	vst v0  }
0x1b8: {  	s20 =	sadd.s32 $0xC8, s20;
	[tilespmem:s22+$0xD010] =	vst v1  }
0x1b9: {  	s21 =	sadd.s32 $0x80, s21;
	v0 =	vld [tilespmem:s20+$0xFFFFFF40]  }
0x1ba: {  	_ = 	snop  }
0x1bb: {  	v1 =	vld [tilespmem:s20+$0xFFFFFF50];
	_ =	sdelay $0x1  }
0x1bc: {  	v2 =	vld [tilespmem:s20+$0xFFFFFF60]  }
0x1bd: {  	v3 =	vand.u32 $0xFFFF0000, v0  }
0x1be: {  	v4 =	vld [tilespmem:s20+$0xFFFFFF70];
	v0 =	vshll.u32 v0, $0x10;
	v3 =	vadd.f32 $0.0e+00, v3  }
0x1bf: {  	v0 =	vadd.f32 $0.0e+00, v0;
	v5 =	vand.u32 $0xFFFF0000, v1  }
0x1c0: {  	v6 =	vld [tilespmem:s20+$0xFFFFFF80];
	v1 =	vshll.u32 v1, $0x10;
	v3 =	vadd.f32 v5, v3  }
0x1c1: {  	v0 =	vadd.f32 v1, v0;
	v1 =	vand.u32 $0xFFFF0000, v2  }
0x1c2: {  	v58 =	vld [tilespmem:s20+$0xFFFFFF90];
	v2 =	vshll.u32 v2, $0x10;
	v1 =	vadd.f32 v1, v3  }
0x1c3: {  	v0 =	vadd.f32 v2, v0;
	v2 =	vand.u32 $0xFFFF0000, v4  }
0x1c4: {  	v3 =	vld [tilespmem:s20+$0xFFFFFFA0];
	v4 =	vshll.u32 v4, $0x10;
	v1 =	vadd.f32 v2, v1  }
0x1c5: {  	v0 =	vadd.f32 v4, v0;
	v2 =	vand.u32 $0xFFFF0000, v6  }
0x1c6: {  	v59 =	vld [tilespmem:s20+$0xFFFFFFB0];
	v6 =	vshll.u32 v6, $0x10;
	v1 =	vadd.f32 v2, v1  }
0x1c7: {  	v0 =	vadd.f32 v6, v0;
	v2 =	vand.u32 $0xFFFF0000, v58  }
0x1c8: {  	v60 =	vld [tilespmem:s20+$0xFFFFFFC0];
	v5 =	vshll.u32 v58, $0x10;
	v1 =	vadd.f32 v2, v1  }
0x1c9: {  	v0 =	vadd.f32 v5, v0;
	v2 =	vand.u32 $0xFFFF0000, v3  }
0x1ca: {  	v61 =	vld [tilespmem:s20+$0xFFFFFFD0];
	v3 =	vshll.u32 v3, $0x10;
	v1 =	vadd.f32 v2, v1  }
0x1cb: {  	v0 =	vadd.f32 v3, v0;
	v2 =	vand.u32 $0xFFFF0000, v59  }
0x1cc: {  	v4 =	vshll.u32 v59, $0x10;
	v3 =	vld [tilespmem:s20+$0xFFFFFFE0];
	v1 =	vadd.f32 v2, v1  }
0x1cd: {  	v0 =	vadd.f32 v4, v0;
	v2 =	vand.u32 $0xFFFF0000, v60  }
0x1ce: {  	v62 =	vld [tilespmem:s20+$0xFFFFFFF0];
	v6 =	vshll.u32 v60, $0x10;
	v1 =	vadd.f32 v2, v1  }
0x1cf: {  	v63 =	vld [tilespmem:s20+$0x0];
	v0 =	vadd.f32 v6, v0;
	v2 =	vand.u32 $0xFFFF0000, v61  }
0x1d0: {  	v5 =	vshll.u32 v61, $0x10;
	v1 =	vadd.f32 v2, v1  }
0x1d1: {  	v0 =	vadd.f32 v5, v0;
	v2 =	vand.u32 $0xFFFF0000, v3  }
0x1d2: {  	v3 =	vshll.u32 v3, $0x10;
	v1 =	vadd.f32 v2, v1  }
0x1d3: {  	v0 =	vadd.f32 v3, v0;
	v2 =	vand.u32 $0xFFFF0000, v62  }
0x1d4: {  	v3 =	vshll.u32 v62, $0x10;
	v1 =	vadd.f32 v2, v1;
	v2 =	vnsel vm0, $0x0, v63  }
0x1d5: {  	v0 =	vadd.f32 v3, v0;
	v3 =	vand.u32 $0xFFFF0000, v2  }
0x1d6: {  	v2 =	vshll.u32 v2, $0x10;
	v1 =	vadd.f32 v3, v1  }
0x1d7: {  	s19 =	sshra.s32 s19, $0x2;
	v0 =	vadd.f32 v2, v0  }
0x1d8: {  	[tilespmem:s19+$0xD020] =	vst v1  }
0x1d9: {  	[tilespmem:s19+$0xD010] =	vst v0  }
0x1da: {  	_ =	swait.ge [sflag:s14], $0xC80  }
0x1db: {  	[sflag:s14] =	ssyncset.done $0x0  }
0x1dc: {  	s20 =	simm.s32 $0xA340;
	[sflag:s14] =	ssyncadd.s32 $0xFFFFF380  }
0x1dd: {  	s21 =	simm.s32 $0x80;
	s19 =	simm.s32 $0x0;
	v0 =	vld [tilespmem:s20+$0xFFFFFF40]  }
.LBB2_26:
0x1de: {  	p0 =	sne.s32 s21, $0x780;
	v1 =	vld [tilespmem:s20+$0xFFFFFF50]  }
0x1df: {  	v2 =	vld [tilespmem:s20+$0xFFFFFF60]  }
0x1e0: {  	v3 =	vld [tilespmem:s20+$0xFFFFFF70]  }
0x1e1: {  	v4 =	vld [tilespmem:s20+$0xFFFFFF80]  }
0x1e2: {  	v5 =	vshll.u32 v0, $0x10;
	v0 =	vand.u32 $0xFFFF0000, v0;
	v6 =	vld [tilespmem:s20+$0xFFFFFF90]  }
0x1e3: {  	v5 =	vadd.f32 $0.0e+00, v5;
	v0 =	vadd.f32 $0.0e+00, v0;
	v7 =	vld [tilespmem:s20+$0xFFFFFFA0]  }
0x1e4: {  	v8 =	vshll.u32 v1, $0x10;
	v1 =	vand.u32 $0xFFFF0000, v1;
	v9 =	vld [tilespmem:s20+$0xFFFFFFB0]  }
0x1e5: {  	v5 =	vadd.f32 v8, v5;
	v0 =	vadd.f32 v1, v0;
	v1 =	vld [tilespmem:s20+$0xFFFFFFC0]  }
0x1e6: {  	v8 =	vshll.u32 v2, $0x10;
	v2 =	vand.u32 $0xFFFF0000, v2;
	v10 =	vld [tilespmem:s20+$0xFFFFFFD0]  }
0x1e7: {  	v5 =	vadd.f32 v8, v5;
	v0 =	vadd.f32 v2, v0;
	v2 =	vld [tilespmem:s20+$0xFFFFFFE0]  }
0x1e8: {  	v8 =	vshll.u32 v3, $0x10;
	v3 =	vand.u32 $0xFFFF0000, v3;
	v11 =	vld [tilespmem:s20+$0xFFFFFFF0]  }
0x1e9: {  	v5 =	vadd.f32 v8, v5;
	v0 =	vadd.f32 v3, v0  }
0x1ea: {  	v3 =	vshll.u32 v4, $0x10;
	v4 =	vand.u32 $0xFFFF0000, v4  }
0x1eb: {  	v3 =	vadd.f32 v3, v5;
	v0 =	vadd.f32 v4, v0  }
0x1ec: {  	v4 =	vshll.u32 v6, $0x10;
	v5 =	vand.u32 $0xFFFF0000, v6  }
0x1ed: {  	v3 =	vadd.f32 v4, v3;
	v0 =	vadd.f32 v5, v0  }
0x1ee: {  	v4 =	vshll.u32 v7, $0x10;
	v5 =	vand.u32 $0xFFFF0000, v7  }
0x1ef: {  	v3 =	vadd.f32 v4, v3;
	v0 =	vadd.f32 v5, v0  }
0x1f0: {  	v4 =	vshll.u32 v9, $0x10;
	v5 =	vand.u32 $0xFFFF0000, v9  }
0x1f1: {  	v3 =	vadd.f32 v4, v3;
	v0 =	vadd.f32 v5, v0  }
0x1f2: {  	v4 =	vshll.u32 v1, $0x10;
	v1 =	vand.u32 $0xFFFF0000, v1  }
0x1f3: {  	v3 =	vadd.f32 v4, v3;
	v0 =	vadd.f32 v1, v0  }
0x1f4: {  	v1 =	vshll.u32 v10, $0x10;
	v4 =	vand.u32 $0xFFFF0000, v10;
	v5 =	vld [tilespmem:s20+$0x0]  }
0x1f5: {  	v1 =	vadd.f32 v1, v3;
	v0 =	vadd.f32 v4, v0  }
0x1f6: {  	v3 =	vshll.u32 v2, $0x10;
	v2 =	vand.u32 $0xFFFF0000, v2  }
0x1f7: {  	v1 =	vadd.f32 v3, v1;
	v0 =	vadd.f32 v2, v0  }
0x1f8: {  	v2 =	vshll.u32 v11, $0x10;
	v3 =	vand.u32 $0xFFFF0000, v11  }
0x1f9: {  	v1 =	vadd.f32 v2, v1;
	v0 =	vadd.f32 v3, v0;
	v2 =	vnsel vm0, $0x0, v5  }
0x1fa: {  	v3 =	vshll.u32 v2, $0x10;
	v2 =	vand.u32 $0xFFFF0000, v2  }
.Ltmp12:
0x1fb: {  	v1 =	vadd.f32 v3, v1;
	v0 =	vadd.f32 v2, v0;
	(pc) =	sbr.rel @p0 .LBB2_26-.Ltmp12, $4  }
0x1fc: {  	s22 =	sshra.s32 s19, $0x2;
	s19 =	smov.u32 s21  }
0x1fd: {  	[tilespmem:s22+$0xD220] =	vst v0  }
0x1fe: {  	s20 =	sadd.s32 $0xC8, s20;
	[tilespmem:s22+$0xD210] =	vst v1  }
0x1ff: {  	s21 =	sadd.s32 $0x80, s21;
	v0 =	vld [tilespmem:s20+$0xFFFFFF40]  }
0x200: {  	_ = 	snop  }
0x201: {  	v1 =	vld [tilespmem:s20+$0xFFFFFF50];
	_ =	sdelay $0x1  }
0x202: {  	v2 =	vld [tilespmem:s20+$0xFFFFFF60]  }
0x203: {  	v3 =	vand.u32 $0xFFFF0000, v0  }
0x204: {  	v4 =	vld [tilespmem:s20+$0xFFFFFF70];
	v14 =	vshll.u32 v0, $0x10;
	v3 =	vadd.f32 $0.0e+00, v3  }
0x205: {  	v0 =	vadd.f32 $0.0e+00, v14;
	v5 =	vand.u32 $0xFFFF0000, v1  }
0x206: {  	v6 =	vld [tilespmem:s20+$0xFFFFFF80];
	v1 =	vshll.u32 v1, $0x10;
	v3 =	vadd.f32 v5, v3  }
0x207: {  	v15 =	vand.u32 $0xFFFF0000, v2;
	v0 =	vadd.f32 v1, v0  }
0x208: {  	v16 =	vld [tilespmem:s20+$0xFFFFFF90];
	v2 =	vshll.u32 v2, $0x10;
	v1 =	vadd.f32 v15, v3  }
0x209: {  	v17 =	vand.u32 $0xFFFF0000, v4;
	v0 =	vadd.f32 v2, v0  }
0x20a: {  	v18 =	vld [tilespmem:s20+$0xFFFFFFA0];
	v4 =	vshll.u32 v4, $0x10;
	v1 =	vadd.f32 v17, v1  }
0x20b: {  	v19 =	vand.u32 $0xFFFF0000, v6;
	v0 =	vadd.f32 v4, v0  }
0x20c: {  	v20 =	vld [tilespmem:s20+$0xFFFFFFB0];
	v6 =	vshll.u32 v6, $0x10;
	v1 =	vadd.f32 v19, v1  }
0x20d: {  	v21 =	vand.u32 $0xFFFF0000, v16;
	v0 =	vadd.f32 v6, v0  }
0x20e: {  	v22 =	vld [tilespmem:s20+$0xFFFFFFC0];
	v5 =	vshll.u32 v16, $0x10;
	v1 =	vadd.f32 v21, v1  }
0x20f: {  	v23 =	vand.u32 $0xFFFF0000, v18;
	v0 =	vadd.f32 v5, v0  }
0x210: {  	v24 =	vld [tilespmem:s20+$0xFFFFFFD0];
	v3 =	vshll.u32 v18, $0x10;
	v1 =	vadd.f32 v23, v1  }
0x211: {  	v25 =	vand.u32 $0xFFFF0000, v20;
	v0 =	vadd.f32 v3, v0  }
0x212: {  	v26 =	vld [tilespmem:s20+$0xFFFFFFE0];
	v4 =	vshll.u32 v20, $0x10;
	v1 =	vadd.f32 v25, v1  }
0x213: {  	v27 =	vand.u32 $0xFFFF0000, v22;
	v0 =	vadd.f32 v4, v0  }
0x214: {  	v28 =	vld [tilespmem:s20+$0xFFFFFFF0];
	v6 =	vshll.u32 v22, $0x10;
	v1 =	vadd.f32 v27, v1  }
0x215: {  	v30 =	vld [tilespmem:s20+$0x0];
	v29 =	vand.u32 $0xFFFF0000, v24;
	v0 =	vadd.f32 v6, v0  }
0x216: {  	v5 =	vshll.u32 v24, $0x10;
	v1 =	vadd.f32 v29, v1  }
0x217: {  	v31 =	vand.u32 $0xFFFF0000, v26;
	v0 =	vadd.f32 v5, v0  }
0x218: {  	v3 =	vshll.u32 v26, $0x10;
	v1 =	vadd.f32 v31, v1  }
0x219: {  	v32 =	vand.u32 $0xFFFF0000, v28;
	v0 =	vadd.f32 v3, v0  }
0x21a: {  	v33 =	vshll.u32 v28, $0x10;
	v34 =	vnsel vm0, $0x0, v30;
	v1 =	vadd.f32 v32, v1  }
0x21b: {  	v35 =	vand.u32 $0xFFFF0000, v34;
	v0 =	vadd.f32 v33, v0  }
0x21c: {  	v2 =	vshll.u32 v34, $0x10;
	v1 =	vadd.f32 v35, v1  }
0x21d: {  	s19 =	sshra.s32 s19, $0x2;
	v0 =	vadd.f32 v2, v0  }
0x21e: {  	[tilespmem:s19+$0xD220] =	vst v1  }
0x21f: {  	[tilespmem:s19+$0xD210] =	vst v0  }
0x220: {  	_ =	swait.ge [sflag:s15], $0xC80  }
0x221: {  	[sflag:s15] =	ssyncset.done $0x0  }
0x222: {  	s22 =	simm.s32 $0x0;
	[sflag:s15] =	ssyncadd.s32 $0xFFFFF380  }
0x223: {  	v36 =	vld [tilespmem:s22+$0xAF00];
	_ =	sdelay $0x1  }
0x224: {  	v37 =	vld [tilespmem:s22+$0xAF10];
	_ =	sdelay $0x1  }
0x225: {  	v38 =	vld [tilespmem:s22+$0xAF20]  }
0x226: {  	v39 =	vand.u32 $0xFFFF0000, v36  }
0x227: {  	v40 =	vld [tilespmem:s22+$0xAF30];
	v0 =	vshll.u32 v36, $0x10;
	v3 =	vadd.f32 $0.0e+00, v39  }
0x228: {  	v41 =	vand.u32 $0xFFFF0000, v37;
	v0 =	vadd.f32 $0.0e+00, v0  }
0x229: {  	v42 =	vld [tilespmem:s22+$0xAF40];
	v1 =	vshll.u32 v37, $0x10;
	v3 =	vadd.f32 v41, v3  }
0x22a: {  	v43 =	vand.u32 $0xFFFF0000, v38;
	v0 =	vadd.f32 v1, v0  }
0x22b: {  	v44 =	vld [tilespmem:s22+$0xAF50];
	v2 =	vshll.u32 v38, $0x10;
	v1 =	vadd.f32 v43, v3  }
0x22c: {  	v45 =	vand.u32 $0xFFFF0000, v40;
	v0 =	vadd.f32 v2, v0  }
0x22d: {  	v46 =	vld [tilespmem:s22+$0xAF60];
	v4 =	vshll.u32 v40, $0x10;
	v1 =	vadd.f32 v45, v1  }
0x22e: {  	v47 =	vand.u32 $0xFFFF0000, v42;
	v0 =	vadd.f32 v4, v0  }
0x22f: {  	v48 =	vld [tilespmem:s22+$0xAF70];
	v6 =	vshll.u32 v42, $0x10;
	v1 =	vadd.f32 v47, v1  }
0x230: {  	v49 =	vand.u32 $0xFFFF0000, v44;
	v0 =	vadd.f32 v6, v0  }
0x231: {  	v50 =	vld [tilespmem:s22+$0xAF80];
	v5 =	vshll.u32 v44, $0x10;
	v1 =	vadd.f32 v49, v1  }
0x232: {  	v51 =	vand.u32 $0xFFFF0000, v46;
	v0 =	vadd.f32 v5, v0  }
0x233: {  	v52 =	vld [tilespmem:s22+$0xAF90];
	v3 =	vshll.u32 v46, $0x10;
	v1 =	vadd.f32 v51, v1  }
0x234: {  	v53 =	vand.u32 $0xFFFF0000, v48;
	v0 =	vadd.f32 v3, v0  }
0x235: {  	v54 =	vld [tilespmem:s22+$0xAFA0];
	v4 =	vshll.u32 v48, $0x10;
	v1 =	vadd.f32 v53, v1  }
0x236: {  	v55 =	vand.u32 $0xFFFF0000, v50;
	v0 =	vadd.f32 v4, v0  }
0x237: {  	v56 =	vld [tilespmem:s22+$0xAFB0];
	v6 =	vshll.u32 v50, $0x10;
	v1 =	vadd.f32 v55, v1  }
0x238: {  	v58 =	vld [tilespmem:s22+$0xAFC0];
	v57 =	vand.u32 $0xFFFF0000, v52;
	v0 =	vadd.f32 v6, v0  }
0x239: {  	v5 =	vshll.u32 v52, $0x10;
	v1 =	vadd.f32 v57, v1  }
0x23a: {  	v59 =	vand.u32 $0xFFFF0000, v54;
	v0 =	vadd.f32 v5, v0  }
0x23b: {  	v3 =	vshll.u32 v54, $0x10;
	v1 =	vadd.f32 v59, v1  }
0x23c: {  	v60 =	vand.u32 $0xFFFF0000, v56;
	v0 =	vadd.f32 v3, v0  }
0x23d: {  	v61 =	vshll.u32 v56, $0x10;
	v62 =	vnsel vm0, $0x0, v58;
	v1 =	vadd.f32 v60, v1  }
0x23e: {  	v63 =	vand.u32 $0xFFFF0000, v62;
	v0 =	vadd.f32 v61, v0  }
0x23f: {  	v2 =	vshll.u32 v62, $0x10;
	v1 =	vadd.f32 v63, v1  }
0x240: {  	s19 =	simm.s32 $0xD420;
	v0 =	vadd.f32 v2, v0  }
0x241: {  	[tilespmem:s19+$0x0] =	vst v1  }
0x242: {  	s20 =	simm.s32 $0xC8;
	s21 =	simm.s32 $0x640;
	[tilespmem:s19+$0xFFFFFFF0] =	vst v0  }
.LBB2_28:
0x243: {  	p0 =	sne.s32 s21, $0x2EE0;
	v0 =	vld [tilespmem:s20+$0xAF00]  }
0x244: {  	v1 =	vld [tilespmem:s20+$0xAF10]  }
0x245: {  	v2 =	vld [tilespmem:s20+$0xAF20]  }
0x246: {  	v3 =	vld [tilespmem:s20+$0xAF30]  }
0x247: {  	v4 =	vld [tilespmem:s20+$0xAF40]  }
0x248: {  	v5 =	vshll.u32 v0, $0x10;
	v0 =	vand.u32 $0xFFFF0000, v0;
	v6 =	vld [tilespmem:s20+$0xAF50]  }
0x249: {  	v5 =	vadd.f32 $0.0e+00, v5;
	v0 =	vadd.f32 $0.0e+00, v0;
	v7 =	vld [tilespmem:s20+$0xAF60]  }
0x24a: {  	v8 =	vshll.u32 v1, $0x10;
	v1 =	vand.u32 $0xFFFF0000, v1;
	v9 =	vld [tilespmem:s20+$0xAF70]  }
0x24b: {  	v5 =	vadd.f32 v8, v5;
	v0 =	vadd.f32 v1, v0;
	v1 =	vld [tilespmem:s20+$0xAF80]  }
0x24c: {  	v8 =	vshll.u32 v2, $0x10;
	v2 =	vand.u32 $0xFFFF0000, v2;
	v10 =	vld [tilespmem:s20+$0xAF90]  }
0x24d: {  	v5 =	vadd.f32 v8, v5;
	v0 =	vadd.f32 v2, v0;
	v2 =	vld [tilespmem:s20+$0xAFA0]  }
0x24e: {  	v8 =	vshll.u32 v3, $0x10;
	v3 =	vand.u32 $0xFFFF0000, v3;
	v11 =	vld [tilespmem:s20+$0xAFB0]  }
0x24f: {  	v5 =	vadd.f32 v8, v5;
	v0 =	vadd.f32 v3, v0  }
0x250: {  	v3 =	vshll.u32 v4, $0x10;
	v4 =	vand.u32 $0xFFFF0000, v4  }
0x251: {  	v3 =	vadd.f32 v3, v5;
	v0 =	vadd.f32 v4, v0  }
0x252: {  	v4 =	vshll.u32 v6, $0x10;
	v5 =	vand.u32 $0xFFFF0000, v6  }
0x253: {  	v3 =	vadd.f32 v4, v3;
	v0 =	vadd.f32 v5, v0  }
0x254: {  	v4 =	vshll.u32 v7, $0x10;
	v5 =	vand.u32 $0xFFFF0000, v7  }
0x255: {  	v3 =	vadd.f32 v4, v3;
	v0 =	vadd.f32 v5, v0  }
0x256: {  	v4 =	vshll.u32 v9, $0x10;
	v5 =	vand.u32 $0xFFFF0000, v9  }
0x257: {  	v3 =	vadd.f32 v4, v3;
	v0 =	vadd.f32 v5, v0  }
0x258: {  	v4 =	vshll.u32 v1, $0x10;
	v1 =	vand.u32 $0xFFFF0000, v1  }
0x259: {  	v3 =	vadd.f32 v4, v3;
	v0 =	vadd.f32 v1, v0  }
0x25a: {  	v1 =	vshll.u32 v10, $0x10;
	v4 =	vand.u32 $0xFFFF0000, v10;
	v5 =	vld [tilespmem:s20+$0xAFC0]  }
0x25b: {  	v1 =	vadd.f32 v1, v3;
	v0 =	vadd.f32 v4, v0  }
0x25c: {  	v3 =	vshll.u32 v2, $0x10;
	v2 =	vand.u32 $0xFFFF0000, v2  }
0x25d: {  	v1 =	vadd.f32 v3, v1;
	v0 =	vadd.f32 v2, v0  }
0x25e: {  	v2 =	vshll.u32 v11, $0x10;
	v3 =	vand.u32 $0xFFFF0000, v11  }
0x25f: {  	v1 =	vadd.f32 v2, v1;
	v0 =	vadd.f32 v3, v0;
	v2 =	vnsel vm0, $0x0, v5  }
.Ltmp13:
0x260: {  	v3 =	vshll.u32 v2, $0x10;
	v2 =	vand.u32 $0xFFFF0000, v2;
	(pc) =	sbr.rel @p0 .LBB2_28-.Ltmp13, $4  }
0x261: {  	v1 =	vadd.f32 v3, v1;
	v0 =	vadd.f32 v2, v0  }
0x262: {  	s19 =	sadd.s32 $0x20, s19  }
0x263: {  	[tilespmem:s19+$0x0] =	vst v0  }
0x264: {  	s20 =	sshra.s32 s21, $0x2;
	s21 =	sadd.s32 $0x320, s21;
	[tilespmem:s19+$0xFFFFFFF0] =	vst v1  }
0x265: {  	v0 =	vld [tilespmem:s20+$0xAF00];
	_ =	sdelay $0x1  }
0x266: {  	v1 =	vld [tilespmem:s20+$0xAF10];
	_ =	sdelay $0x1  }
0x267: {  	v2 =	vld [tilespmem:s20+$0xAF20]  }
0x268: {  	v3 =	vand.u32 $0xFFFF0000, v0  }
0x269: {  	v4 =	vld [tilespmem:s20+$0xAF30];
	v0 =	vshll.u32 v0, $0x10;
	v3 =	vadd.f32 $0.0e+00, v3  }
0x26a: {  	v5 =	vand.u32 $0xFFFF0000, v1;
	v0 =	vadd.f32 $0.0e+00, v0  }
0x26b: {  	v6 =	vld [tilespmem:s20+$0xAF40];
	v1 =	vshll.u32 v1, $0x10;
	v3 =	vadd.f32 v5, v3  }
0x26c: {  	v15 =	vand.u32 $0xFFFF0000, v2;
	v0 =	vadd.f32 v1, v0  }
0x26d: {  	v16 =	vld [tilespmem:s20+$0xAF50];
	v2 =	vshll.u32 v2, $0x10;
	v1 =	vadd.f32 v15, v3  }
0x26e: {  	v17 =	vand.u32 $0xFFFF0000, v4;
	v0 =	vadd.f32 v2, v0  }
0x26f: {  	v18 =	vld [tilespmem:s20+$0xAF60];
	v4 =	vshll.u32 v4, $0x10;
	v1 =	vadd.f32 v17, v1  }
0x270: {  	v19 =	vand.u32 $0xFFFF0000, v6;
	v0 =	vadd.f32 v4, v0  }
0x271: {  	v20 =	vld [tilespmem:s20+$0xAF70];
	v6 =	vshll.u32 v6, $0x10;
	v1 =	vadd.f32 v19, v1  }
0x272: {  	v21 =	vand.u32 $0xFFFF0000, v16;
	v0 =	vadd.f32 v6, v0  }
0x273: {  	v22 =	vld [tilespmem:s20+$0xAF80];
	v5 =	vshll.u32 v16, $0x10;
	v1 =	vadd.f32 v21, v1  }
0x274: {  	v23 =	vand.u32 $0xFFFF0000, v18;
	v0 =	vadd.f32 v5, v0  }
0x275: {  	v24 =	vld [tilespmem:s20+$0xAF90];
	v3 =	vshll.u32 v18, $0x10;
	v1 =	vadd.f32 v23, v1  }
0x276: {  	v25 =	vand.u32 $0xFFFF0000, v20;
	v0 =	vadd.f32 v3, v0  }
0x277: {  	v26 =	vld [tilespmem:s20+$0xAFA0];
	v4 =	vshll.u32 v20, $0x10;
	v1 =	vadd.f32 v25, v1  }
0x278: {  	v27 =	vand.u32 $0xFFFF0000, v22;
	v0 =	vadd.f32 v4, v0  }
0x279: {  	v28 =	vld [tilespmem:s20+$0xAFB0];
	v6 =	vshll.u32 v22, $0x10;
	v1 =	vadd.f32 v27, v1  }
0x27a: {  	v30 =	vld [tilespmem:s20+$0xAFC0];
	v29 =	vand.u32 $0xFFFF0000, v24;
	v0 =	vadd.f32 v6, v0  }
0x27b: {  	v5 =	vshll.u32 v24, $0x10;
	v1 =	vadd.f32 v29, v1  }
0x27c: {  	v31 =	vand.u32 $0xFFFF0000, v26;
	v0 =	vadd.f32 v5, v0  }
0x27d: {  	v3 =	vshll.u32 v26, $0x10;
	v1 =	vadd.f32 v31, v1  }
0x27e: {  	v32 =	vand.u32 $0xFFFF0000, v28;
	v0 =	vadd.f32 v3, v0  }
0x27f: {  	v33 =	vshll.u32 v28, $0x10;
	v34 =	vnsel vm0, $0x0, v30;
	v1 =	vadd.f32 v32, v1  }
0x280: {  	v35 =	vand.u32 $0xFFFF0000, v34;
	v0 =	vadd.f32 v33, v0  }
0x281: {  	v2 =	vshll.u32 v34, $0x10;
	v1 =	vadd.f32 v35, v1  }
0x282: {  	s19 =	sadd.s32 $0x20, s19;
	v0 =	vadd.f32 v2, v0  }
0x283: {  	[tilespmem:s19+$0x0] =	vst v1  }
0x284: {  	[tilespmem:s19+$0xFFFFFFF0] =	vst v0  }
0x285: {  	_ =	swait.ge [sflag:s16], $0xC80  }
0x286: {  	[sflag:s16] =	ssyncset.done $0x0  }
0x287: {  	s22 =	simm.s32 $0x0;
	[sflag:s16] =	ssyncadd.s32 $0xFFFFF380  }
0x288: {  	v36 =	vld [tilespmem:s22+$0xBB80];
	_ =	sdelay $0x1  }
0x289: {  	v37 =	vld [tilespmem:s22+$0xBB90];
	_ =	sdelay $0x1  }
0x28a: {  	v38 =	vld [tilespmem:s22+$0xBBA0]  }
0x28b: {  	v39 =	vand.u32 $0xFFFF0000, v36  }
0x28c: {  	v40 =	vld [tilespmem:s22+$0xBBB0];
	v0 =	vshll.u32 v36, $0x10;
	v3 =	vadd.f32 $0.0e+00, v39  }
0x28d: {  	v41 =	vand.u32 $0xFFFF0000, v37;
	v0 =	vadd.f32 $0.0e+00, v0  }
0x28e: {  	v42 =	vld [tilespmem:s22+$0xBBC0];
	v1 =	vshll.u32 v37, $0x10;
	v3 =	vadd.f32 v41, v3  }
0x28f: {  	v43 =	vand.u32 $0xFFFF0000, v38;
	v0 =	vadd.f32 v1, v0  }
0x290: {  	v44 =	vld [tilespmem:s22+$0xBBD0];
	v2 =	vshll.u32 v38, $0x10;
	v1 =	vadd.f32 v43, v3  }
0x291: {  	v45 =	vand.u32 $0xFFFF0000, v40;
	v0 =	vadd.f32 v2, v0  }
0x292: {  	v46 =	vld [tilespmem:s22+$0xBBE0];
	v4 =	vshll.u32 v40, $0x10;
	v1 =	vadd.f32 v45, v1  }
0x293: {  	v47 =	vand.u32 $0xFFFF0000, v42;
	v0 =	vadd.f32 v4, v0  }
0x294: {  	v48 =	vld [tilespmem:s22+$0xBBF0];
	v6 =	vshll.u32 v42, $0x10;
	v1 =	vadd.f32 v47, v1  }
0x295: {  	v49 =	vand.u32 $0xFFFF0000, v44;
	v0 =	vadd.f32 v6, v0  }
0x296: {  	v50 =	vld [tilespmem:s22+$0xBC00];
	v5 =	vshll.u32 v44, $0x10;
	v1 =	vadd.f32 v49, v1  }
0x297: {  	v51 =	vand.u32 $0xFFFF0000, v46;
	v0 =	vadd.f32 v5, v0  }
0x298: {  	v52 =	vld [tilespmem:s22+$0xBC10];
	v3 =	vshll.u32 v46, $0x10;
	v1 =	vadd.f32 v51, v1  }
0x299: {  	v53 =	vand.u32 $0xFFFF0000, v48;
	v0 =	vadd.f32 v3, v0  }
0x29a: {  	v54 =	vld [tilespmem:s22+$0xBC20];
	v4 =	vshll.u32 v48, $0x10;
	v1 =	vadd.f32 v53, v1  }
0x29b: {  	v55 =	vand.u32 $0xFFFF0000, v50;
	v0 =	vadd.f32 v4, v0  }
0x29c: {  	v56 =	vld [tilespmem:s22+$0xBC30];
	v6 =	vshll.u32 v50, $0x10;
	v1 =	vadd.f32 v55, v1  }
0x29d: {  	v58 =	vld [tilespmem:s22+$0xBC40];
	v57 =	vand.u32 $0xFFFF0000, v52;
	v0 =	vadd.f32 v6, v0  }
0x29e: {  	v5 =	vshll.u32 v52, $0x10;
	v1 =	vadd.f32 v57, v1  }
0x29f: {  	v59 =	vand.u32 $0xFFFF0000, v54;
	v0 =	vadd.f32 v5, v0  }
0x2a0: {  	v3 =	vshll.u32 v54, $0x10;
	v1 =	vadd.f32 v59, v1  }
0x2a1: {  	v60 =	vand.u32 $0xFFFF0000, v56;
	v0 =	vadd.f32 v3, v0  }
0x2a2: {  	v61 =	vshll.u32 v56, $0x10;
	v62 =	vnsel vm0, $0x0, v58;
	v1 =	vadd.f32 v60, v1  }
0x2a3: {  	v63 =	vand.u32 $0xFFFF0000, v62;
	v0 =	vadd.f32 v61, v0  }
0x2a4: {  	v2 =	vshll.u32 v62, $0x10;
	v1 =	vadd.f32 v63, v1  }
0x2a5: {  	s19 =	simm.s32 $0xD620;
	v0 =	vadd.f32 v2, v0  }
0x2a6: {  	[tilespmem:s19+$0x0] =	vst v1  }
0x2a7: {  	s20 =	simm.s32 $0xC8;
	s21 =	simm.s32 $0x640;
	[tilespmem:s19+$0xFFFFFFF0] =	vst v0  }
.LBB2_30:
0x2a8: {  	p0 =	sne.s32 s21, $0x2EE0;
	v0 =	vld [tilespmem:s20+$0xBB80]  }
0x2a9: {  	v1 =	vld [tilespmem:s20+$0xBB90]  }
0x2aa: {  	v2 =	vld [tilespmem:s20+$0xBBA0]  }
0x2ab: {  	v3 =	vld [tilespmem:s20+$0xBBB0]  }
0x2ac: {  	v4 =	vld [tilespmem:s20+$0xBBC0]  }
0x2ad: {  	v5 =	vshll.u32 v0, $0x10;
	v0 =	vand.u32 $0xFFFF0000, v0;
	v6 =	vld [tilespmem:s20+$0xBBD0]  }
0x2ae: {  	v5 =	vadd.f32 $0.0e+00, v5;
	v0 =	vadd.f32 $0.0e+00, v0;
	v7 =	vld [tilespmem:s20+$0xBBE0]  }
0x2af: {  	v8 =	vshll.u32 v1, $0x10;
	v1 =	vand.u32 $0xFFFF0000, v1;
	v9 =	vld [tilespmem:s20+$0xBBF0]  }
0x2b0: {  	v5 =	vadd.f32 v8, v5;
	v0 =	vadd.f32 v1, v0;
	v1 =	vld [tilespmem:s20+$0xBC00]  }
0x2b1: {  	v8 =	vshll.u32 v2, $0x10;
	v2 =	vand.u32 $0xFFFF0000, v2;
	v10 =	vld [tilespmem:s20+$0xBC10]  }
0x2b2: {  	v5 =	vadd.f32 v8, v5;
	v0 =	vadd.f32 v2, v0;
	v2 =	vld [tilespmem:s20+$0xBC20]  }
0x2b3: {  	v8 =	vshll.u32 v3, $0x10;
	v3 =	vand.u32 $0xFFFF0000, v3;
	v11 =	vld [tilespmem:s20+$0xBC30]  }
0x2b4: {  	v5 =	vadd.f32 v8, v5;
	v0 =	vadd.f32 v3, v0  }
0x2b5: {  	v3 =	vshll.u32 v4, $0x10;
	v4 =	vand.u32 $0xFFFF0000, v4  }
0x2b6: {  	v3 =	vadd.f32 v3, v5;
	v0 =	vadd.f32 v4, v0  }
0x2b7: {  	v4 =	vshll.u32 v6, $0x10;
	v5 =	vand.u32 $0xFFFF0000, v6  }
0x2b8: {  	v3 =	vadd.f32 v4, v3;
	v0 =	vadd.f32 v5, v0  }
0x2b9: {  	v4 =	vshll.u32 v7, $0x10;
	v5 =	vand.u32 $0xFFFF0000, v7  }
0x2ba: {  	v3 =	vadd.f32 v4, v3;
	v0 =	vadd.f32 v5, v0  }
0x2bb: {  	v4 =	vshll.u32 v9, $0x10;
	v5 =	vand.u32 $0xFFFF0000, v9  }
0x2bc: {  	v3 =	vadd.f32 v4, v3;
	v0 =	vadd.f32 v5, v0  }
0x2bd: {  	v4 =	vshll.u32 v1, $0x10;
	v1 =	vand.u32 $0xFFFF0000, v1  }
0x2be: {  	v3 =	vadd.f32 v4, v3;
	v0 =	vadd.f32 v1, v0  }
0x2bf: {  	v1 =	vshll.u32 v10, $0x10;
	v4 =	vand.u32 $0xFFFF0000, v10;
	v5 =	vld [tilespmem:s20+$0xBC40]  }
0x2c0: {  	v1 =	vadd.f32 v1, v3;
	v0 =	vadd.f32 v4, v0  }
0x2c1: {  	v3 =	vshll.u32 v2, $0x10;
	v2 =	vand.u32 $0xFFFF0000, v2  }
0x2c2: {  	v1 =	vadd.f32 v3, v1;
	v0 =	vadd.f32 v2, v0  }
0x2c3: {  	v2 =	vshll.u32 v11, $0x10;
	v3 =	vand.u32 $0xFFFF0000, v11  }
0x2c4: {  	v1 =	vadd.f32 v2, v1;
	v0 =	vadd.f32 v3, v0;
	v2 =	vnsel vm0, $0x0, v5  }
.Ltmp14:
0x2c5: {  	v3 =	vshll.u32 v2, $0x10;
	v2 =	vand.u32 $0xFFFF0000, v2;
	(pc) =	sbr.rel @p0 .LBB2_30-.Ltmp14, $4  }
0x2c6: {  	v1 =	vadd.f32 v3, v1;
	v0 =	vadd.f32 v2, v0  }
0x2c7: {  	s19 =	sadd.s32 $0x20, s19  }
0x2c8: {  	[tilespmem:s19+$0x0] =	vst v0  }
0x2c9: {  	s20 =	sshra.s32 s21, $0x2;
	s21 =	sadd.s32 $0x320, s21;
	[tilespmem:s19+$0xFFFFFFF0] =	vst v1  }
0x2ca: {  	v0 =	vld [tilespmem:s20+$0xBB80];
	_ =	sdelay $0x1  }
0x2cb: {  	v1 =	vld [tilespmem:s20+$0xBB90];
	_ =	sdelay $0x1  }
0x2cc: {  	v2 =	vld [tilespmem:s20+$0xBBA0]  }
0x2cd: {  	v3 =	vand.u32 $0xFFFF0000, v0  }
0x2ce: {  	v4 =	vld [tilespmem:s20+$0xBBB0];
	v0 =	vshll.u32 v0, $0x10;
	v3 =	vadd.f32 $0.0e+00, v3  }
0x2cf: {  	v5 =	vand.u32 $0xFFFF0000, v1;
	v0 =	vadd.f32 $0.0e+00, v0  }
0x2d0: {  	v6 =	vld [tilespmem:s20+$0xBBC0];
	v1 =	vshll.u32 v1, $0x10;
	v3 =	vadd.f32 v5, v3  }
0x2d1: {  	v43 =	vand.u32 $0xFFFF0000, v2;
	v0 =	vadd.f32 v1, v0  }
0x2d2: {  	v44 =	vld [tilespmem:s20+$0xBBD0];
	v2 =	vshll.u32 v2, $0x10;
	v1 =	vadd.f32 v43, v3  }
0x2d3: {  	v45 =	vand.u32 $0xFFFF0000, v4;
	v0 =	vadd.f32 v2, v0  }
0x2d4: {  	v46 =	vld [tilespmem:s20+$0xBBE0];
	v4 =	vshll.u32 v4, $0x10;
	v1 =	vadd.f32 v45, v1  }
0x2d5: {  	v47 =	vand.u32 $0xFFFF0000, v6;
	v0 =	vadd.f32 v4, v0  }
0x2d6: {  	v48 =	vld [tilespmem:s20+$0xBBF0];
	v6 =	vshll.u32 v6, $0x10;
	v1 =	vadd.f32 v47, v1  }
0x2d7: {  	v49 =	vand.u32 $0xFFFF0000, v44;
	v0 =	vadd.f32 v6, v0  }
0x2d8: {  	v50 =	vld [tilespmem:s20+$0xBC00];
	v5 =	vshll.u32 v44, $0x10;
	v1 =	vadd.f32 v49, v1  }
0x2d9: {  	v51 =	vand.u32 $0xFFFF0000, v46;
	v0 =	vadd.f32 v5, v0  }
0x2da: {  	v52 =	vld [tilespmem:s20+$0xBC10];
	v3 =	vshll.u32 v46, $0x10;
	v1 =	vadd.f32 v51, v1  }
0x2db: {  	v53 =	vand.u32 $0xFFFF0000, v48;
	v0 =	vadd.f32 v3, v0  }
0x2dc: {  	v54 =	vld [tilespmem:s20+$0xBC20];
	v4 =	vshll.u32 v48, $0x10;
	v1 =	vadd.f32 v53, v1  }
0x2dd: {  	v55 =	vand.u32 $0xFFFF0000, v50;
	v0 =	vadd.f32 v4, v0  }
0x2de: {  	v56 =	vld [tilespmem:s20+$0xBC30];
	v6 =	vshll.u32 v50, $0x10;
	v1 =	vadd.f32 v55, v1  }
0x2df: {  	v58 =	vld [tilespmem:s20+$0xBC40];
	v57 =	vand.u32 $0xFFFF0000, v52;
	v0 =	vadd.f32 v6, v0  }
0x2e0: {  	v5 =	vshll.u32 v52, $0x10;
	v1 =	vadd.f32 v57, v1  }
0x2e1: {  	v59 =	vand.u32 $0xFFFF0000, v54;
	v0 =	vadd.f32 v5, v0  }
0x2e2: {  	v3 =	vshll.u32 v54, $0x10;
	v1 =	vadd.f32 v59, v1  }
0x2e3: {  	v60 =	vand.u32 $0xFFFF0000, v56;
	v0 =	vadd.f32 v3, v0  }
0x2e4: {  	v61 =	vshll.u32 v56, $0x10;
	v62 =	vnsel vm0, $0x0, v58;
	v1 =	vadd.f32 v60, v1  }
0x2e5: {  	v63 =	vand.u32 $0xFFFF0000, v62;
	v0 =	vadd.f32 v61, v0  }
0x2e6: {  	v2 =	vshll.u32 v62, $0x10;
	v1 =	vadd.f32 v63, v1  }
0x2e7: {  	s19 =	sadd.s32 $0x20, s19;
	s18 =	sadd.s32 $0x1, s18;
	v0 =	vadd.f32 v2, v0  }
0x2e8: {  	p0 =	sne.s32 s18, s6;
	[tilespmem:s19+$0x0] =	vst v1  }
.Ltmp15:
0x2e9: {  	[tilespmem:s19+$0xFFFFFFF0] =	vst v0;
	(pc) =	sbr.rel @p0 .LBB2_1-.Ltmp15, $4  }
0x2ea: {  	[hbm4b:s5+s2] =	stream.linear.scatter [tilespmem:s17], [sflag:$0x9], $0x1000, $0x38;
	[tilespmem:$0xD810] =	vst v63  }
0x2eb: {  	_ =	swait.ge [sflag:s7], $0x1000  }
0x2ec: {  	[sflag:s7] =	ssyncset.done $0x0  }
0x2ed: {  	[sflag:s7] =	ssyncadd.s32 $0xFFFFF000  }
0x2ee: {  	_ =	sfence.sel $0x180000  }
0x2ef: {  	[bflag:$0x0] =	sbarrier.arrive $0xFFFF  }
0x2f0: {  	_ =	strace $0x90000047  }
0x2f1: {  	s0 =	stileid.u32;
	[bflag:$0x2] =	sbarrier.arrive $0xFFFF  }
0x2f2: {  	p0 =	sne.s32 s0, $0x0;
	s0 =	rddreg [dreg:$0x1]  }
0x2f3: {  	s0 =	sadd.s32 @!p0 $0x100000, s0  }
0x2f4: {  	[sflag:s0] =	ssyncadd.tile.s32 @!p0 $0x1;
	_ =	shalt  }
.Lfunc_end2:
_tile_overlayer_lowered:
.L_overlay_start_2:
0x2f5: {  	(tag) =	ssettag $0x2  }
0x2f6: {  	s0 =	rddreg [dreg:$0x0];
	s2 =	stileid.u32  }
0x2f7: {  	s1 =	rddreg [dreg:$0x1];
	p0 =	sne.s32 s2, $0x0  }
0x2f8: {  	s3 =	rddreg [dreg:$0x2];
	[bflag:$0x3] =	sbarrier.arrive $0xFFFF;
	s2 =	simm.s32 @!p0 $0x1C09  }
0x2f9: {  	[timem:s3], [sflag:s2] =	dma.local @!p0 [hbm:s0], s1  }
0x2fa: {  	s0 =	simm.s32 @!p0 $0x9  }
0x2fb: {  	_ =	swait.ge @!p0 [sflag:s0], s1  }
0x2fc: {  	s1 =	ssub.s32 @!p0 $0x0, s1;
	[sflag:s0] =	ssyncset.done @!p0 $0x0  }
0x2fd: {  	[sflag:s0] =	ssyncadd.s32 @!p0 s1  }
0x2fe: {  	[bflag:$0x3] =	sbarrier.arrive $0xFFFF  }
0x2ff: {  	_ =	shalt  }

</sc_bundles>
